<compile_context>
chip_gen: v7x
topology: tpu7x:2x2x1
jax: 0.10.2.dev20260603
libtpu: 0.0.44.dev20260713+nightly
codegen_flags: <defaults>
</compile_context>

<pallas_src>
import functools
import math

import jax
import jax.numpy as jnp
from jax import lax
from jax.experimental import pallas as pl
from jax.experimental.pallas import tpu as pltpu
from jax.experimental.pallas import tpu_sc as plsc

D_MODEL = 128
LANES = 16
NUM_CORES = 2
NUM_SUBCORES = 16
NUM_WORKERS = NUM_CORES * NUM_SUBCORES
SCALE = math.sqrt(D_MODEL)
NSTAGE = 4
LEAD = 3
JX = 4


@functools.partial(jax.jit, static_argnames=("b0", "b1"))
def _lookup(idx, table, b0, b1):
    mesh = plsc.VectorSubcoreMesh(core_axis_name="c", subcore_axis_name="s")
    xr = b0 // NUM_WORKERS
    nchunks = xr // 2
    njumbo = xr // JX
    cw = idx.shape[2]

    @functools.partial(
        pl.kernel,
        mesh=mesh,
        out_type=jax.ShapeDtypeStruct((b0, b1, D_MODEL), jnp.float32),
        scratch_types=[
            pltpu.VMEM((nchunks, cw), jnp.int32),
            pltpu.VMEM((NSTAGE, 2 * b1, D_MODEL), jnp.float32),
            pltpu.VMEM((2, JX, b1, D_MODEL), jnp.float32),
            pltpu.SemaphoreType.DMA((NSTAGE,)),
            pltpu.SemaphoreType.DMA((2,)),
        ],
    )
    def k(idx_hbm, table_hbm, out_hbm, idx_v, stag_v, jum_v, gsem, osem):
        cid = lax.axis_index("c")
        sid = lax.axis_index("s")
        wid = sid * NUM_CORES + cid
        x_base = wid * xr
        pltpu.sync_copy(idx_hbm.at[wid], idx_v)

        def start_gather(j, sb):
            pltpu.async_copy(
                table_hbm.at[idx_v.at[j, pl.ds(0, 2 * b1)]], stag_v.at[sb], gsem.at[sb]
            )

        def wait_gather(j, sb):
            pltpu.make_async_copy(
                table_hbm.at[idx_v.at[j, pl.ds(0, 2 * b1)]], stag_v.at[sb], gsem.at[sb]
            ).wait()

        def start_scatter(q, qb):
            pltpu.async_copy(
                jum_v.at[qb], out_hbm.at[pl.ds(x_base + q * JX, JX)], osem.at[qb]
            )

        def wait_scatter(qb):
            pltpu.make_async_copy(
                jum_v.at[qb], out_hbm.at[pl.ds(0, JX)], osem.at[qb]
            ).wait()

        for j in range(LEAD):
            start_gather(j, j)

        def outer(i, carry):
            j0 = i * 4
            q0 = i * 2
            for qoff in range(2):
                qb = qoff
                q = q0 + qoff
                for p in range(2):
                    jo = 2 * qoff + p
                    j = j0 + jo
                    sb = jo % NSTAGE

                    if p == 0:

                        @pl.when(q >= 2)
                        def _():
                            wait_scatter(qb)

                    @pl.when(j + LEAD < nchunks)
                    def _():
                        start_gather(j + LEAD, (jo + LEAD) % NSTAGE)

                    wait_gather(j, sb)

                    @plsc.parallel_loop(0, b1, unroll=2)
                    def row_body(r):
                        for c in range(D_MODEL // LANES):
                            sl = pl.ds(c * LANES, LANES)
                            jum_v[qb, 2 * p, r, sl] = stag_v[sb, r, sl] * SCALE
                            jum_v[qb, 2 * p + 1, r, sl] = (
                                stag_v[sb, b1 + r, sl] * SCALE
                            )

                start_scatter(q, qb)
            return carry

        lax.fori_loop(0, nchunks // 4, outer, 0)

        for qb in range(2):
            wait_scatter(qb)

    return k(idx, table)


def kernel(x, table):
    b0, b1 = x.shape
    idx = x.astype(jnp.int32).reshape(b0 // 2, 2 * b1)
    cw = -(-(2 * b1) // 8) * 8
    if cw != 2 * b1:
        npad = cw - 2 * b1
        fill = (
            jnp.arange((b0 // 2) * npad, dtype=jnp.int32).reshape(b0 // 2, npad)
            * 9973 % jnp.int32(table.shape[0])
        )
        idx = jnp.concatenate([idx, fill], axis=1)
    idx = idx.reshape(NUM_WORKERS, b0 // (2 * NUM_WORKERS), cw)
    return _lookup(idx, table, b0, b1)

# --- scband reference (transcript-rebuilt; emitter-appended) ---
"""Pipeline reference for scband-embeddings-1580547973875 (READ-ONLY COPY).

The authoritative reference and input builder live on the scoring server;
editing this copy changes nothing except your own understanding.
"""

import math
import jax, jax.numpy as jnp
import numpy as np

D_MODEL = 128
VOCAB = 100000

def setup_inputs(seed: int = 0) -> dict:
    key = jax.random.key(seed)
    k1, k2 = jax.random.split(key)
    x = jax.random.randint(k1, (4096, 50), 0, VOCAB, dtype=jnp.int64) if jax.config.jax_enable_x64 else jax.random.randint(k1, (4096, 50), 0, VOCAB, dtype=jnp.int32)
    table = jax.random.normal(k2, (VOCAB, D_MODEL), dtype=jnp.float32)
    return {"x": x, "table": table}

def reference(x, table):
    idx = x.astype(jnp.int32)
    emb = jnp.take(table, idx, axis=0)
    return emb * math.sqrt(D_MODEL)

if __name__ == "__main__":
    import jax
    _d = setup_inputs()
    print(jax.jit(kernel)(*tuple(_d.values())))

</pallas_src>

<mosaic_0001>
#map = affine_map<(d0, d1) -> (0, 0, 0)>
#map1 = affine_map<(d0, d1) -> (0, 0)>
module attributes {stable_mosaic.version = 14 : i64} {
  func.func @k(%arg0: i32, %arg1: i32, %arg2: memref<32x64x104xi32, #tpu.memory_space<hbm>>, %arg3: memref<100000x128xf32, #tpu.memory_space<hbm>>, %arg4: memref<4096x50x128xf32, #tpu.memory_space<hbm>>, %arg5: memref<64x104xi32, #tpu.memory_space<vmem>>, %arg6: memref<4x100x128xf32, #tpu.memory_space<vmem>>, %arg7: memref<2x4x50x128xf32, #tpu.memory_space<vmem>>, %arg8: memref<4x!tpu.dma_semaphore, #tpu.memory_space<semaphore_mem>>, %arg9: memref<2x!tpu.dma_semaphore, #tpu.memory_space<semaphore_mem>>) attributes {dimension_semantics = [#tpu.dimension_semantics<core_parallel>, #tpu.dimension_semantics<subcore_parallel>], iteration_bounds = array<i64: 2, 16>, scalar_prefetch = 0 : i64, scratch_operands = 5 : i64, tpu.core_type = #tpu.core_type<sc_vector_subcore>, window_params = [{transform_indices = #map}, {transform_indices = #map1}, {transform_indices = #map}]} {
    %mul3A = arith.constant 2 : i32
    %mul3A_0 = arith.muli %arg1, %mul3A : i32
    %add3A = arith.addi %mul3A_0, %arg0 : i32
    %mul3A_1 = arith.constant 128 : i32
    %mul3A_2 = arith.muli %add3A, %mul3A_1 : i32
    "tpu.region"() ({
      %run_scoped3A = tpu.sem_alloc : memref<!tpu.dma_semaphore, #tpu.memory_space<semaphore_mem>>
      %dma_start3A_95 = arith.constant 0 : i32
      %dma_start3A_96 = arith.constant 0 : i32
      %dma_start3A_97 = tpu.memref_slice %arg2[%add3A, %dma_start3A_95, %dma_start3A_96] : memref<32x64x104xi32, #tpu.memory_space<hbm>> -> memref<1x64x104xi32, #tpu.memory_space<hbm>>
      %dma_start3A_98 = tpu.memref_squeeze %dma_start3A_97 : memref<1x64x104xi32, #tpu.memory_space<hbm>> -> memref<64x104xi32, #tpu.memory_space<hbm>>
      %dma_start3A_99 = arith.constant 0 : i32
      %dma_start3A_100 = arith.constant 0 : i32
      %dma_start3A_101 = tpu.memref_slice %arg2[%add3A, %dma_start3A_99, %dma_start3A_100] : memref<32x64x104xi32, #tpu.memory_space<hbm>> -> memref<1x64x104xi32, #tpu.memory_space<hbm>>
      %dma_start3A_102 = tpu.memref_squeeze %dma_start3A_101 : memref<1x64x104xi32, #tpu.memory_space<hbm>> -> memref<64x104xi32, #tpu.memory_space<hbm>>
      tpu.enqueue_dma source(%dma_start3A_102 : memref<64x104xi32, #tpu.memory_space<hbm>>) target(%arg5 : memref<64x104xi32, #tpu.memory_space<vmem>>) target_semaphore(%run_scoped3A : memref<!tpu.dma_semaphore, #tpu.memory_space<semaphore_mem>>)
      %dma_wait3A_103 = arith.constant 0 : i32
      %dma_wait3A_104 = arith.constant 0 : i32
      %dma_wait3A_105 = tpu.memref_slice %arg2[%add3A, %dma_wait3A_103, %dma_wait3A_104] : memref<32x64x104xi32, #tpu.memory_space<hbm>> -> memref<1x64x104xi32, #tpu.memory_space<hbm>>
      %dma_wait3A_106 = tpu.memref_squeeze %dma_wait3A_105 : memref<1x64x104xi32, #tpu.memory_space<hbm>> -> memref<64x104xi32, #tpu.memory_space<hbm>>
      %dma_wait3A_107 = arith.constant 0 : i32
      %dma_wait3A_108 = arith.constant 0 : i32
      %dma_wait3A_109 = tpu.memref_slice %arg2[%add3A, %dma_wait3A_107, %dma_wait3A_108] : memref<32x64x104xi32, #tpu.memory_space<hbm>> -> memref<1x64x104xi32, #tpu.memory_space<hbm>>
      %dma_wait3A_110 = tpu.memref_squeeze %dma_wait3A_109 : memref<1x64x104xi32, #tpu.memory_space<hbm>> -> memref<64x104xi32, #tpu.memory_space<hbm>>
      tpu.wait_dma2 semaphore(%run_scoped3A : memref<!tpu.dma_semaphore, #tpu.memory_space<semaphore_mem>>) src(%dma_wait3A_110 : memref<64x104xi32, #tpu.memory_space<hbm>>) dst(%arg5 : memref<64x104xi32, #tpu.memory_space<vmem>>)
      tpu.yield
    }) : () -> ()
    %dma_start3A = arith.constant 0 : i32
    %dma_start3A_3 = arith.constant 0 : i32
    %dma_start3A_4 = arith.constant 0 : i32
    %dma_start3A_5 = arith.constant 0 : i32
    %dma_start3A_6 = arith.constant 0 : i32
    %dma_start3A_7 = tpu.memref_slice %arg6[%dma_start3A_3, %dma_start3A_5, %dma_start3A_6] : memref<4x100x128xf32, #tpu.memory_space<vmem>> -> memref<1x100x128xf32, #tpu.memory_space<vmem>>
    %dma_start3A_8 = tpu.memref_squeeze %dma_start3A_7 : memref<1x100x128xf32, #tpu.memory_space<vmem>> -> memref<100x128xf32, #tpu.memory_space<vmem>>
    %dma_start3A_9 = arith.constant 0 : i32
    %dma_start3A_10 = tpu.memref_slice %arg5[%dma_start3A, %dma_start3A_9] : memref<64x104xi32, #tpu.memory_space<vmem>> -> memref<1x100xi32, #tpu.memory_space<vmem>>
    %dma_start3A_11 = tpu.memref_squeeze %dma_start3A_10 : memref<1x100xi32, #tpu.memory_space<vmem>> -> memref<100xi32, #tpu.memory_space<vmem>>
    %dma_start3A_12 = arith.constant 0 : i32
    %dma_start3A_13 = arith.constant 0 : i32
    %dma_start3A_14 = tpu.memref_slice %arg3[%dma_start3A_12, %dma_start3A_13] : memref<100000x128xf32, #tpu.memory_space<hbm>> -> memref<100000x128xf32, #tpu.memory_space<hbm>>
    %dma_start3A_15 = tpu.memref_slice %arg8[%dma_start3A_4] : memref<4x!tpu.dma_semaphore, #tpu.memory_space<semaphore_mem>> -> memref<1x!tpu.dma_semaphore, #tpu.memory_space<semaphore_mem>>
    %dma_start3A_16 = tpu.memref_squeeze %dma_start3A_15 : memref<1x!tpu.dma_semaphore, #tpu.memory_space<semaphore_mem>> -> memref<!tpu.dma_semaphore, #tpu.memory_space<semaphore_mem>>
    tpu.enqueue_indirect_dma source(%dma_start3A_14 : memref<100000x128xf32, #tpu.memory_space<hbm>>) target(%dma_start3A_8 : memref<100x128xf32, #tpu.memory_space<vmem>>) offsets(%dma_start3A_11 : memref<100xi32, #tpu.memory_space<vmem>>) semaphore(%dma_start3A_16 : memref<!tpu.dma_semaphore, #tpu.memory_space<semaphore_mem>>)
    %dma_start3A_17 = arith.constant 1 : i32
    %dma_start3A_18 = arith.constant 1 : i32
    %dma_start3A_19 = arith.constant 1 : i32
    %dma_start3A_20 = arith.constant 0 : i32
    %dma_start3A_21 = arith.constant 0 : i32
    %dma_start3A_22 = tpu.memref_slice %arg6[%dma_start3A_18, %dma_start3A_20, %dma_start3A_21] : memref<4x100x128xf32, #tpu.memory_space<vmem>> -> memref<1x100x128xf32, #tpu.memory_space<vmem>>
    %dma_start3A_23 = tpu.memref_squeeze %dma_start3A_22 : memref<1x100x128xf32, #tpu.memory_space<vmem>> -> memref<100x128xf32, #tpu.memory_space<vmem>>
    %dma_start3A_24 = arith.constant 0 : i32
    %dma_start3A_25 = tpu.memref_slice %arg5[%dma_start3A_17, %dma_start3A_24] : memref<64x104xi32, #tpu.memory_space<vmem>> -> memref<1x100xi32, #tpu.memory_space<vmem>>
    %dma_start3A_26 = tpu.memref_squeeze %dma_start3A_25 : memref<1x100xi32, #tpu.memory_space<vmem>> -> memref<100xi32, #tpu.memory_space<vmem>>
    %dma_start3A_27 = arith.constant 0 : i32
    %dma_start3A_28 = arith.constant 0 : i32
    %dma_start3A_29 = tpu.memref_slice %arg3[%dma_start3A_27, %dma_start3A_28] : memref<100000x128xf32, #tpu.memory_space<hbm>> -> memref<100000x128xf32, #tpu.memory_space<hbm>>
    %dma_start3A_30 = tpu.memref_slice %arg8[%dma_start3A_19] : memref<4x!tpu.dma_semaphore, #tpu.memory_space<semaphore_mem>> -> memref<1x!tpu.dma_semaphore, #tpu.memory_space<semaphore_mem>>
    %dma_start3A_31 = tpu.memref_squeeze %dma_start3A_30 : memref<1x!tpu.dma_semaphore, #tpu.memory_space<semaphore_mem>> -> memref<!tpu.dma_semaphore, #tpu.memory_space<semaphore_mem>>
    tpu.enqueue_indirect_dma source(%dma_start3A_29 : memref<100000x128xf32, #tpu.memory_space<hbm>>) target(%dma_start3A_23 : memref<100x128xf32, #tpu.memory_space<vmem>>) offsets(%dma_start3A_26 : memref<100xi32, #tpu.memory_space<vmem>>) semaphore(%dma_start3A_31 : memref<!tpu.dma_semaphore, #tpu.memory_space<semaphore_mem>>)
    %dma_start3A_32 = arith.constant 2 : i32
    %dma_start3A_33 = arith.constant 2 : i32
    %dma_start3A_34 = arith.constant 2 : i32
    %dma_start3A_35 = arith.constant 0 : i32
    %dma_start3A_36 = arith.constant 0 : i32
    %dma_start3A_37 = tpu.memref_slice %arg6[%dma_start3A_33, %dma_start3A_35, %dma_start3A_36] : memref<4x100x128xf32, #tpu.memory_space<vmem>> -> memref<1x100x128xf32, #tpu.memory_space<vmem>>
    %dma_start3A_38 = tpu.memref_squeeze %dma_start3A_37 : memref<1x100x128xf32, #tpu.memory_space<vmem>> -> memref<100x128xf32, #tpu.memory_space<vmem>>
    %dma_start3A_39 = arith.constant 0 : i32
    %dma_start3A_40 = tpu.memref_slice %arg5[%dma_start3A_32, %dma_start3A_39] : memref<64x104xi32, #tpu.memory_space<vmem>> -> memref<1x100xi32, #tpu.memory_space<vmem>>
    %dma_start3A_41 = tpu.memref_squeeze %dma_start3A_40 : memref<1x100xi32, #tpu.memory_space<vmem>> -> memref<100xi32, #tpu.memory_space<vmem>>
    %dma_start3A_42 = arith.constant 0 : i32
    %dma_start3A_43 = arith.constant 0 : i32
    %dma_start3A_44 = tpu.memref_slice %arg3[%dma_start3A_42, %dma_start3A_43] : memref<100000x128xf32, #tpu.memory_space<hbm>> -> memref<100000x128xf32, #tpu.memory_space<hbm>>
    %dma_start3A_45 = tpu.memref_slice %arg8[%dma_start3A_34] : memref<4x!tpu.dma_semaphore, #tpu.memory_space<semaphore_mem>> -> memref<1x!tpu.dma_semaphore, #tpu.memory_space<semaphore_mem>>
    %dma_start3A_46 = tpu.memref_squeeze %dma_start3A_45 : memref<1x!tpu.dma_semaphore, #tpu.memory_space<semaphore_mem>> -> memref<!tpu.dma_semaphore, #tpu.memory_space<semaphore_mem>>
    tpu.enqueue_indirect_dma source(%dma_start3A_44 : memref<100000x128xf32, #tpu.memory_space<hbm>>) target(%dma_start3A_38 : memref<100x128xf32, #tpu.memory_space<vmem>>) offsets(%dma_start3A_41 : memref<100xi32, #tpu.memory_space<vmem>>) semaphore(%dma_start3A_46 : memref<!tpu.dma_semaphore, #tpu.memory_space<semaphore_mem>>)
    %scan3A = arith.constant 0 : i32
    %scan3A_47 = arith.constant 0 : i32
    %scan3A_48 = arith.constant 16 : i32
    %scan3A_49 = arith.addi %scan3A_47, %scan3A_48 : i32
    %scan3A_50 = arith.constant 1 : i32
    scf.for %scan3A_95 = %scan3A_47 to %scan3A_49 step %scan3A_50  : i32 {
      %mul3A_96 = arith.constant 4 : i32
      %mul3A_97 = arith.muli %scan3A_95, %mul3A_96 : i32
      %mul3A_98 = arith.constant 2 : i32
      %mul3A_99 = arith.muli %scan3A_95, %mul3A_98 : i32
      %add3A_100 = arith.constant 0 : i32
      %add3A_101 = arith.addi %mul3A_99, %add3A_100 : i32
      %add3A_102 = arith.constant 0 : i32
      %add3A_103 = arith.addi %mul3A_97, %add3A_102 : i32
      %ge3A = arith.constant 2 : i32
      %ge3A_104 = arith.cmpi sge, %add3A_101, %ge3A : i32
      %convert_element_type3A = arith.extui %ge3A_104 : i1 to i32
      %cond3A = arith.constant 0 : i32
      %cond3A_105 = arith.cmpi ne, %convert_element_type3A, %cond3A : i32
      scf.if %cond3A_105 {
        %dma_wait3A_259 = arith.constant 0 : i32
        %dma_wait3A_260 = arith.constant 0 : i32
        %dma_wait3A_261 = arith.constant 0 : i32
        %dma_wait3A_262 = arith.constant 0 : i32
        %dma_wait3A_263 = arith.constant 0 : i32
        %dma_wait3A_264 = tpu.memref_slice %arg7[%dma_wait3A_259, %dma_wait3A_261, %dma_wait3A_262, %dma_wait3A_263] : memref<2x4x50x128xf32, #tpu.memory_space<vmem>> -> memref<1x4x50x128xf32, #tpu.memory_space<vmem>>
        %dma_wait3A_265 = tpu.memref_squeeze %dma_wait3A_264 : memref<1x4x50x128xf32, #tpu.memory_space<vmem>> -> memref<4x50x128xf32, #tpu.memory_space<vmem>>
        %dma_wait3A_266 = arith.constant 0 : i32
        %dma_wait3A_267 = arith.constant 0 : i32
        %dma_wait3A_268 = arith.constant 0 : i32
        %dma_wait3A_269 = tpu.memref_slice %arg4[%dma_wait3A_266, %dma_wait3A_267, %dma_wait3A_268] : memref<4096x50x128xf32, #tpu.memory_space<hbm>> -> memref<4x50x128xf32, #tpu.memory_space<hbm>>
        %dma_wait3A_270 = tpu.memref_slice %arg9[%dma_wait3A_260] : memref<2x!tpu.dma_semaphore, #tpu.memory_space<semaphore_mem>> -> memref<1x!tpu.dma_semaphore, #tpu.memory_space<semaphore_mem>>
        %dma_wait3A_271 = tpu.memref_squeeze %dma_wait3A_270 : memref<1x!tpu.dma_semaphore, #tpu.memory_space<semaphore_mem>> -> memref<!tpu.dma_semaphore, #tpu.memory_space<semaphore_mem>>
        %dma_wait3A_272 = arith.constant 0 : i32
        %dma_wait3A_273 = arith.constant 0 : i32
        %dma_wait3A_274 = arith.constant 0 : i32
        %dma_wait3A_275 = tpu.memref_slice %arg4[%dma_wait3A_272, %dma_wait3A_273, %dma_wait3A_274] : memref<4096x50x128xf32, #tpu.memory_space<hbm>> -> memref<4x50x128xf32, #tpu.memory_space<hbm>>
        %dma_wait3A_276 = arith.constant 0 : i32
        %dma_wait3A_277 = arith.constant 0 : i32
        %dma_wait3A_278 = arith.constant 0 : i32
        %dma_wait3A_279 = tpu.memref_slice %arg7[%dma_wait3A_259, %dma_wait3A_276, %dma_wait3A_277, %dma_wait3A_278] : memref<2x4x50x128xf32, #tpu.memory_space<vmem>> -> memref<1x4x50x128xf32, #tpu.memory_space<vmem>>
        %dma_wait3A_280 = tpu.memref_squeeze %dma_wait3A_279 : memref<1x4x50x128xf32, #tpu.memory_space<vmem>> -> memref<4x50x128xf32, #tpu.memory_space<vmem>>
        tpu.wait_dma2 semaphore(%dma_wait3A_271 : memref<!tpu.dma_semaphore, #tpu.memory_space<semaphore_mem>>) src(%dma_wait3A_280 : memref<4x50x128xf32, #tpu.memory_space<vmem>>) dst(%dma_wait3A_275 : memref<4x50x128xf32, #tpu.memory_space<hbm>>)
      } else {
      }
      %add3A_106 = arith.constant 3 : i32
      %add3A_107 = arith.addi %add3A_103, %add3A_106 : i32
      %lt3A = arith.constant 64 : i32
      %lt3A_108 = arith.cmpi slt, %add3A_107, %lt3A : i32
      %convert_element_type3A_109 = arith.extui %lt3A_108 : i1 to i32
      %cond3A_110 = arith.constant 0 : i32
      %cond3A_111 = arith.cmpi ne, %convert_element_type3A_109, %cond3A_110 : i32
      scf.if %cond3A_111 {
        %add3A_259 = arith.constant 3 : i32
        %add3A_260 = arith.addi %add3A_103, %add3A_259 : i32
        %dma_start3A_261 = arith.constant 3 : i32
        %dma_start3A_262 = arith.constant 3 : i32
        %dma_start3A_263 = arith.constant 0 : i32
        %dma_start3A_264 = arith.constant 0 : i32
        %dma_start3A_265 = tpu.memref_slice %arg6[%dma_start3A_261, %dma_start3A_263, %dma_start3A_264] : memref<4x100x128xf32, #tpu.memory_space<vmem>> -> memref<1x100x128xf32, #tpu.memory_space<vmem>>
        %dma_start3A_266 = tpu.memref_squeeze %dma_start3A_265 : memref<1x100x128xf32, #tpu.memory_space<vmem>> -> memref<100x128xf32, #tpu.memory_space<vmem>>
        %dma_start3A_267 = arith.constant 0 : i32
        %dma_start3A_268 = tpu.memref_slice %arg5[%add3A_260, %dma_start3A_267] : memref<64x104xi32, #tpu.memory_space<vmem>> -> memref<1x100xi32, #tpu.memory_space<vmem>>
        %dma_start3A_269 = tpu.memref_squeeze %dma_start3A_268 : memref<1x100xi32, #tpu.memory_space<vmem>> -> memref<100xi32, #tpu.memory_space<vmem>>
        %dma_start3A_270 = arith.constant 0 : i32
        %dma_start3A_271 = arith.constant 0 : i32
        %dma_start3A_272 = tpu.memref_slice %arg3[%dma_start3A_270, %dma_start3A_271] : memref<100000x128xf32, #tpu.memory_space<hbm>> -> memref<100000x128xf32, #tpu.memory_space<hbm>>
        %dma_start3A_273 = tpu.memref_slice %arg8[%dma_start3A_262] : memref<4x!tpu.dma_semaphore, #tpu.memory_space<semaphore_mem>> -> memref<1x!tpu.dma_semaphore, #tpu.memory_space<semaphore_mem>>
        %dma_start3A_274 = tpu.memref_squeeze %dma_start3A_273 : memref<1x!tpu.dma_semaphore, #tpu.memory_space<semaphore_mem>> -> memref<!tpu.dma_semaphore, #tpu.memory_space<semaphore_mem>>
        tpu.enqueue_indirect_dma source(%dma_start3A_272 : memref<100000x128xf32, #tpu.memory_space<hbm>>) target(%dma_start3A_266 : memref<100x128xf32, #tpu.memory_space<vmem>>) offsets(%dma_start3A_269 : memref<100xi32, #tpu.memory_space<vmem>>) semaphore(%dma_start3A_274 : memref<!tpu.dma_semaphore, #tpu.memory_space<semaphore_mem>>)
      } else {
      }
      %dma_wait3A_112 = arith.constant 0 : i32
      %dma_wait3A_113 = arith.constant 0 : i32
      %dma_wait3A_114 = arith.constant 0 : i32
      %dma_wait3A_115 = arith.constant 0 : i32
      %dma_wait3A_116 = tpu.memref_slice %arg6[%dma_wait3A_112, %dma_wait3A_114, %dma_wait3A_115] : memref<4x100x128xf32, #tpu.memory_space<vmem>> -> memref<1x100x128xf32, #tpu.memory_space<vmem>>
      %dma_wait3A_117 = tpu.memref_squeeze %dma_wait3A_116 : memref<1x100x128xf32, #tpu.memory_space<vmem>> -> memref<100x128xf32, #tpu.memory_space<vmem>>
      %dma_wait3A_118 = arith.constant 0 : i32
      %dma_wait3A_119 = tpu.memref_slice %arg5[%add3A_103, %dma_wait3A_118] : memref<64x104xi32, #tpu.memory_space<vmem>> -> memref<1x100xi32, #tpu.memory_space<vmem>>
      %dma_wait3A_120 = tpu.memref_squeeze %dma_wait3A_119 : memref<1x100xi32, #tpu.memory_space<vmem>> -> memref<100xi32, #tpu.memory_space<vmem>>
      %dma_wait3A_121 = arith.constant 0 : i32
      %dma_wait3A_122 = arith.constant 0 : i32
      %dma_wait3A_123 = tpu.memref_slice %arg3[%dma_wait3A_121, %dma_wait3A_122] : memref<100000x128xf32, #tpu.memory_space<hbm>> -> memref<100000x128xf32, #tpu.memory_space<hbm>>
      %dma_wait3A_124 = tpu.memref_slice %arg8[%dma_wait3A_113] : memref<4x!tpu.dma_semaphore, #tpu.memory_space<semaphore_mem>> -> memref<1x!tpu.dma_semaphore, #tpu.memory_space<semaphore_mem>>
      %dma_wait3A_125 = tpu.memref_squeeze %dma_wait3A_124 : memref<1x!tpu.dma_semaphore, #tpu.memory_space<semaphore_mem>> -> memref<!tpu.dma_semaphore, #tpu.memory_space<semaphore_mem>>
      tpu.wait_indirect_dma semaphore(%dma_wait3A_125 : memref<!tpu.dma_semaphore, #tpu.memory_space<semaphore_mem>>) src(%dma_wait3A_123 : memref<100000x128xf32, #tpu.memory_space<hbm>>) dst(%dma_wait3A_117 : memref<100x128xf32, #tpu.memory_space<vmem>>)
      %parallel_loop3A = arith.constant 0 : i32
      %parallel_loop3A_126 = arith.constant 50 : i32
      %parallel_loop3A_127 = arith.constant 1 : i32
      scf.for %parallel_loop3A_259 = %parallel_loop3A to %parallel_loop3A_126 step %parallel_loop3A_127  : i32 {
        %parallel_loop3A_260 = arith.constant 0 : i32
        %parallel_loop3A_261 = arith.index_cast %parallel_loop3A_260 : i32 to index
        %parallel_loop3A_262 = arith.index_cast %parallel_loop3A_259 : i32 to index
        %parallel_loop3A_263 = arith.constant 0 : index
        %parallel_loop3A_264 = tpu.vector_load %arg6[%parallel_loop3A_261, %parallel_loop3A_262, %parallel_loop3A_263] {strides = array<i32>} : memref<4x100x128xf32, #tpu.memory_space<vmem>>, vector<1x1x16xf32>,
        %parallel_loop3A_265 = vector.shape_cast %parallel_loop3A_264 : vector<1x1x16xf32> to vector<16xf32>
        %parallel_loop3A_266 = arith.constant 11.3137083 : f32
        %parallel_loop3A_267 = vector.broadcast %parallel_loop3A_266 : f32 to vector<16xf32>
        %parallel_loop3A_268 = arith.mulf %parallel_loop3A_265, %parallel_loop3A_267 : vector<16xf32>
        %parallel_loop3A_269 = arith.constant 0 : i32
        %parallel_loop3A_270 = arith.constant 0 : i32
        %parallel_loop3A_271 = arith.index_cast %parallel_loop3A_269 : i32 to index
        %parallel_loop3A_272 = arith.index_cast %parallel_loop3A_270 : i32 to index
        %parallel_loop3A_273 = arith.index_cast %parallel_loop3A_259 : i32 to index
        %parallel_loop3A_274 = arith.constant 0 : index
        %parallel_loop3A_275 = tpu.vector_load %arg7[%parallel_loop3A_271, %parallel_loop3A_272, %parallel_loop3A_273, %parallel_loop3A_274] {strides = array<i32>} : memref<2x4x50x128xf32, #tpu.memory_space<vmem>>, vector<1x1x1x16xf32>,
        %parallel_loop3A_276 = vector.shape_cast %parallel_loop3A_275 : vector<1x1x1x16xf32> to vector<16xf32>
        %parallel_loop3A_277 = vector.shape_cast %parallel_loop3A_268 : vector<16xf32> to vector<1x1x1x16xf32>
        tpu.vector_store %arg7[%parallel_loop3A_271, %parallel_loop3A_272, %parallel_loop3A_273, %parallel_loop3A_274], %parallel_loop3A_277 {strides = array<i32>} : memref<2x4x50x128xf32, #tpu.memory_space<vmem>>, vector<1x1x1x16xf32>,
        %parallel_loop3A_278 = arith.constant 50 : i32
        %parallel_loop3A_279 = arith.addi %parallel_loop3A_278, %parallel_loop3A_259 : i32
        %parallel_loop3A_280 = arith.constant 0 : i32
        %parallel_loop3A_281 = arith.index_cast %parallel_loop3A_280 : i32 to index
        %parallel_loop3A_282 = arith.index_cast %parallel_loop3A_279 : i32 to index
        %parallel_loop3A_283 = arith.constant 0 : index
        %parallel_loop3A_284 = tpu.vector_load %arg6[%parallel_loop3A_281, %parallel_loop3A_282, %parallel_loop3A_283] {strides = array<i32>} : memref<4x100x128xf32, #tpu.memory_space<vmem>>, vector<1x1x16xf32>,
        %parallel_loop3A_285 = vector.shape_cast %parallel_loop3A_284 : vector<1x1x16xf32> to vector<16xf32>
        %parallel_loop3A_286 = arith.constant 11.3137083 : f32
        %parallel_loop3A_287 = vector.broadcast %parallel_loop3A_286 : f32 to vector<16xf32>
        %parallel_loop3A_288 = arith.mulf %parallel_loop3A_285, %parallel_loop3A_287 : vector<16xf32>
        %parallel_loop3A_289 = arith.constant 0 : i32
        %parallel_loop3A_290 = arith.constant 1 : i32
        %parallel_loop3A_291 = arith.index_cast %parallel_loop3A_289 : i32 to index
        %parallel_loop3A_292 = arith.index_cast %parallel_loop3A_290 : i32 to index
        %parallel_loop3A_293 = arith.index_cast %parallel_loop3A_259 : i32 to index
        %parallel_loop3A_294 = arith.constant 0 : index
        %parallel_loop3A_295 = tpu.vector_load %arg7[%parallel_loop3A_291, %parallel_loop3A_292, %parallel_loop3A_293, %parallel_loop3A_294] {strides = array<i32>} : memref<2x4x50x128xf32, #tpu.memory_space<vmem>>, vector<1x1x1x16xf32>,
        %parallel_loop3A_296 = vector.shape_cast %parallel_loop3A_295 : vector<1x1x1x16xf32> to vector<16xf32>
        %parallel_loop3A_297 = vector.shape_cast %parallel_loop3A_288 : vector<16xf32> to vector<1x1x1x16xf32>
        tpu.vector_store %arg7[%parallel_loop3A_291, %parallel_loop3A_292, %parallel_loop3A_293, %parallel_loop3A_294], %parallel_loop3A_297 {strides = array<i32>} : memref<2x4x50x128xf32, #tpu.memory_space<vmem>>, vector<1x1x1x16xf32>,
        %parallel_loop3A_298 = arith.constant 0 : i32
        %parallel_loop3A_299 = arith.index_cast %parallel_loop3A_298 : i32 to index
        %parallel_loop3A_300 = arith.index_cast %parallel_loop3A_259 : i32 to index
        %parallel_loop3A_301 = arith.constant 16 : index
        %parallel_loop3A_302 = tpu.vector_load %arg6[%parallel_loop3A_299, %parallel_loop3A_300, %parallel_loop3A_301] {strides = array<i32>} : memref<4x100x128xf32, #tpu.memory_space<vmem>>, vector<1x1x16xf32>,
        %parallel_loop3A_303 = vector.shape_cast %parallel_loop3A_302 : vector<1x1x16xf32> to vector<16xf32>
        %parallel_loop3A_304 = arith.constant 11.3137083 : f32
        %parallel_loop3A_305 = vector.broadcast %parallel_loop3A_304 : f32 to vector<16xf32>
        %parallel_loop3A_306 = arith.mulf %parallel_loop3A_303, %parallel_loop3A_305 : vector<16xf32>
        %parallel_loop3A_307 = arith.constant 0 : i32
        %parallel_loop3A_308 = arith.constant 0 : i32
        %parallel_loop3A_309 = arith.index_cast %parallel_loop3A_307 : i32 to index
        %parallel_loop3A_310 = arith.index_cast %parallel_loop3A_308 : i32 to index
        %parallel_loop3A_311 = arith.index_cast %parallel_loop3A_259 : i32 to index
        %parallel_loop3A_312 = arith.constant 16 : index
        %parallel_loop3A_313 = tpu.vector_load %arg7[%parallel_loop3A_309, %parallel_loop3A_310, %parallel_loop3A_311, %parallel_loop3A_312] {strides = array<i32>} : memref<2x4x50x128xf32, #tpu.memory_space<vmem>>, vector<1x1x1x16xf32>,
        %parallel_loop3A_314 = vector.shape_cast %parallel_loop3A_313 : vector<1x1x1x16xf32> to vector<16xf32>
        %parallel_loop3A_315 = vector.shape_cast %parallel_loop3A_306 : vector<16xf32> to vector<1x1x1x16xf32>
        tpu.vector_store %arg7[%parallel_loop3A_309, %parallel_loop3A_310, %parallel_loop3A_311, %parallel_loop3A_312], %parallel_loop3A_315 {strides = array<i32>} : memref<2x4x50x128xf32, #tpu.memory_space<vmem>>, vector<1x1x1x16xf32>,
        %parallel_loop3A_316 = arith.constant 50 : i32
        %parallel_loop3A_317 = arith.addi %parallel_loop3A_316, %parallel_loop3A_259 : i32
        %parallel_loop3A_318 = arith.constant 0 : i32
        %parallel_loop3A_319 = arith.index_cast %parallel_loop3A_318 : i32 to index
        %parallel_loop3A_320 = arith.index_cast %parallel_loop3A_317 : i32 to index
        %parallel_loop3A_321 = arith.constant 16 : index
        %parallel_loop3A_322 = tpu.vector_load %arg6[%parallel_loop3A_319, %parallel_loop3A_320, %parallel_loop3A_321] {strides = array<i32>} : memref<4x100x128xf32, #tpu.memory_space<vmem>>, vector<1x1x16xf32>,
        %parallel_loop3A_323 = vector.shape_cast %parallel_loop3A_322 : vector<1x1x16xf32> to vector<16xf32>
        %parallel_loop3A_324 = arith.constant 11.3137083 : f32
        %parallel_loop3A_325 = vector.broadcast %parallel_loop3A_324 : f32 to vector<16xf32>
        %parallel_loop3A_326 = arith.mulf %parallel_loop3A_323, %parallel_loop3A_325 : vector<16xf32>
        %parallel_loop3A_327 = arith.constant 0 : i32
        %parallel_loop3A_328 = arith.constant 1 : i32
        %parallel_loop3A_329 = arith.index_cast %parallel_loop3A_327 : i32 to index
        %parallel_loop3A_330 = arith.index_cast %parallel_loop3A_328 : i32 to index
        %parallel_loop3A_331 = arith.index_cast %parallel_loop3A_259 : i32 to index
        %parallel_loop3A_332 = arith.constant 16 : index
        %parallel_loop3A_333 = tpu.vector_load %arg7[%parallel_loop3A_329, %parallel_loop3A_330, %parallel_loop3A_331, %parallel_loop3A_332] {strides = array<i32>} : memref<2x4x50x128xf32, #tpu.memory_space<vmem>>, vector<1x1x1x16xf32>,
        %parallel_loop3A_334 = vector.shape_cast %parallel_loop3A_333 : vector<1x1x1x16xf32> to vector<16xf32>
        %parallel_loop3A_335 = vector.shape_cast %parallel_loop3A_326 : vector<16xf32> to vector<1x1x1x16xf32>
        tpu.vector_store %arg7[%parallel_loop3A_329, %parallel_loop3A_330, %parallel_loop3A_331, %parallel_loop3A_332], %parallel_loop3A_335 {strides = array<i32>} : memref<2x4x50x128xf32, #tpu.memory_space<vmem>>, vector<1x1x1x16xf32>,
        %parallel_loop3A_336 = arith.constant 0 : i32
        %parallel_loop3A_337 = arith.index_cast %parallel_loop3A_336 : i32 to index
        %parallel_loop3A_338 = arith.index_cast %parallel_loop3A_259 : i32 to index
        %parallel_loop3A_339 = arith.constant 32 : index
        %parallel_loop3A_340 = tpu.vector_load %arg6[%parallel_loop3A_337, %parallel_loop3A_338, %parallel_loop3A_339] {strides = array<i32>} : memref<4x100x128xf32, #tpu.memory_space<vmem>>, vector<1x1x16xf32>,
        %parallel_loop3A_341 = vector.shape_cast %parallel_loop3A_340 : vector<1x1x16xf32> to vector<16xf32>
        %parallel_loop3A_342 = arith.constant 11.3137083 : f32
        %parallel_loop3A_343 = vector.broadcast %parallel_loop3A_342 : f32 to vector<16xf32>
        %parallel_loop3A_344 = arith.mulf %parallel_loop3A_341, %parallel_loop3A_343 : vector<16xf32>
        %parallel_loop3A_345 = arith.constant 0 : i32
        %parallel_loop3A_346 = arith.constant 0 : i32
        %parallel_loop3A_347 = arith.index_cast %parallel_loop3A_345 : i32 to index
        %parallel_loop3A_348 = arith.index_cast %parallel_loop3A_346 : i32 to index
        %parallel_loop3A_349 = arith.index_cast %parallel_loop3A_259 : i32 to index
        %parallel_loop3A_350 = arith.constant 32 : index
        %parallel_loop3A_351 = tpu.vector_load %arg7[%parallel_loop3A_347, %parallel_loop3A_348, %parallel_loop3A_349, %parallel_loop3A_350] {strides = array<i32>} : memref<2x4x50x128xf32, #tpu.memory_space<vmem>>, vector<1x1x1x16xf32>,
        %parallel_loop3A_352 = vector.shape_cast %parallel_loop3A_351 : vector<1x1x1x16xf32> to vector<16xf32>
        %parallel_loop3A_353 = vector.shape_cast %parallel_loop3A_344 : vector<16xf32> to vector<1x1x1x16xf32>
        tpu.vector_store %arg7[%parallel_loop3A_347, %parallel_loop3A_348, %parallel_loop3A_349, %parallel_loop3A_350], %parallel_loop3A_353 {strides = array<i32>} : memref<2x4x50x128xf32, #tpu.memory_space<vmem>>, vector<1x1x1x16xf32>,
        %parallel_loop3A_354 = arith.constant 50 : i32
        %parallel_loop3A_355 = arith.addi %parallel_loop3A_354, %parallel_loop3A_259 : i32
        %parallel_loop3A_356 = arith.constant 0 : i32
        %parallel_loop3A_357 = arith.index_cast %parallel_loop3A_356 : i32 to index
        %parallel_loop3A_358 = arith.index_cast %parallel_loop3A_355 : i32 to index
        %parallel_loop3A_359 = arith.constant 32 : index
        %parallel_loop3A_360 = tpu.vector_load %arg6[%parallel_loop3A_357, %parallel_loop3A_358, %parallel_loop3A_359] {strides = array<i32>} : memref<4x100x128xf32, #tpu.memory_space<vmem>>, vector<1x1x16xf32>,
        %parallel_loop3A_361 = vector.shape_cast %parallel_loop3A_360 : vector<1x1x16xf32> to vector<16xf32>
        %parallel_loop3A_362 = arith.constant 11.3137083 : f32
        %parallel_loop3A_363 = vector.broadcast %parallel_loop3A_362 : f32 to vector<16xf32>
        %parallel_loop3A_364 = arith.mulf %parallel_loop3A_361, %parallel_loop3A_363 : vector<16xf32>
        %parallel_loop3A_365 = arith.constant 0 : i32
        %parallel_loop3A_366 = arith.constant 1 : i32
        %parallel_loop3A_367 = arith.index_cast %parallel_loop3A_365 : i32 to index
        %parallel_loop3A_368 = arith.index_cast %parallel_loop3A_366 : i32 to index
        %parallel_loop3A_369 = arith.index_cast %parallel_loop3A_259 : i32 to index
        %parallel_loop3A_370 = arith.constant 32 : index
        %parallel_loop3A_371 = tpu.vector_load %arg7[%parallel_loop3A_367, %parallel_loop3A_368, %parallel_loop3A_369, %parallel_loop3A_370] {strides = array<i32>} : memref<2x4x50x128xf32, #tpu.memory_space<vmem>>, vector<1x1x1x16xf32>,
        %parallel_loop3A_372 = vector.shape_cast %parallel_loop3A_371 : vector<1x1x1x16xf32> to vector<16xf32>
        %parallel_loop3A_373 = vector.shape_cast %parallel_loop3A_364 : vector<16xf32> to vector<1x1x1x16xf32>
        tpu.vector_store %arg7[%parallel_loop3A_367, %parallel_loop3A_368, %parallel_loop3A_369, %parallel_loop3A_370], %parallel_loop3A_373 {strides = array<i32>} : memref<2x4x50x128xf32, #tpu.memory_space<vmem>>, vector<1x1x1x16xf32>,
        %parallel_loop3A_374 = arith.constant 0 : i32
        %parallel_loop3A_375 = arith.index_cast %parallel_loop3A_374 : i32 to index
        %parallel_loop3A_376 = arith.index_cast %parallel_loop3A_259 : i32 to index
        %parallel_loop3A_377 = arith.constant 48 : index
        %parallel_loop3A_378 = tpu.vector_load %arg6[%parallel_loop3A_375, %parallel_loop3A_376, %parallel_loop3A_377] {strides = array<i32>} : memref<4x100x128xf32, #tpu.memory_space<vmem>>, vector<1x1x16xf32>,
        %parallel_loop3A_379 = vector.shape_cast %parallel_loop3A_378 : vector<1x1x16xf32> to vector<16xf32>
        %parallel_loop3A_380 = arith.constant 11.3137083 : f32
        %parallel_loop3A_381 = vector.broadcast %parallel_loop3A_380 : f32 to vector<16xf32>
        %parallel_loop3A_382 = arith.mulf %parallel_loop3A_379, %parallel_loop3A_381 : vector<16xf32>
        %parallel_loop3A_383 = arith.constant 0 : i32
        %parallel_loop3A_384 = arith.constant 0 : i32
        %parallel_loop3A_385 = arith.index_cast %parallel_loop3A_383 : i32 to index
        %parallel_loop3A_386 = arith.index_cast %parallel_loop3A_384 : i32 to index
        %parallel_loop3A_387 = arith.index_cast %parallel_loop3A_259 : i32 to index
        %parallel_loop3A_388 = arith.constant 48 : index
        %parallel_loop3A_389 = tpu.vector_load %arg7[%parallel_loop3A_385, %parallel_loop3A_386, %parallel_loop3A_387, %parallel_loop3A_388] {strides = array<i32>} : memref<2x4x50x128xf32, #tpu.memory_space<vmem>>, vector<1x1x1x16xf32>,
        %parallel_loop3A_390 = vector.shape_cast %parallel_loop3A_389 : vector<1x1x1x16xf32> to vector<16xf32>
        %parallel_loop3A_391 = vector.shape_cast %parallel_loop3A_382 : vector<16xf32> to vector<1x1x1x16xf32>
        tpu.vector_store %arg7[%parallel_loop3A_385, %parallel_loop3A_386, %parallel_loop3A_387, %parallel_loop3A_388], %parallel_loop3A_391 {strides = array<i32>} : memref<2x4x50x128xf32, #tpu.memory_space<vmem>>, vector<1x1x1x16xf32>,
        %parallel_loop3A_392 = arith.constant 50 : i32
        %parallel_loop3A_393 = arith.addi %parallel_loop3A_392, %parallel_loop3A_259 : i32
        %parallel_loop3A_394 = arith.constant 0 : i32
        %parallel_loop3A_395 = arith.index_cast %parallel_loop3A_394 : i32 to index
        %parallel_loop3A_396 = arith.index_cast %parallel_loop3A_393 : i32 to index
        %parallel_loop3A_397 = arith.constant 48 : index
        %parallel_loop3A_398 = tpu.vector_load %arg6[%parallel_loop3A_395, %parallel_loop3A_396, %parallel_loop3A_397] {strides = array<i32>} : memref<4x100x128xf32, #tpu.memory_space<vmem>>, vector<1x1x16xf32>,
        %parallel_loop3A_399 = vector.shape_cast %parallel_loop3A_398 : vector<1x1x16xf32> to vector<16xf32>
        %parallel_loop3A_400 = arith.constant 11.3137083 : f32
        %parallel_loop3A_401 = vector.broadcast %parallel_loop3A_400 : f32 to vector<16xf32>
        %parallel_loop3A_402 = arith.mulf %parallel_loop3A_399, %parallel_loop3A_401 : vector<16xf32>
        %parallel_loop3A_403 = arith.constant 0 : i32
        %parallel_loop3A_404 = arith.constant 1 : i32
        %parallel_loop3A_405 = arith.index_cast %parallel_loop3A_403 : i32 to index
        %parallel_loop3A_406 = arith.index_cast %parallel_loop3A_404 : i32 to index
        %parallel_loop3A_407 = arith.index_cast %parallel_loop3A_259 : i32 to index
        %parallel_loop3A_408 = arith.constant 48 : index
        %parallel_loop3A_409 = tpu.vector_load %arg7[%parallel_loop3A_405, %parallel_loop3A_406, %parallel_loop3A_407, %parallel_loop3A_408] {strides = array<i32>} : memref<2x4x50x128xf32, #tpu.memory_space<vmem>>, vector<1x1x1x16xf32>,
        %parallel_loop3A_410 = vector.shape_cast %parallel_loop3A_409 : vector<1x1x1x16xf32> to vector<16xf32>
        %parallel_loop3A_411 = vector.shape_cast %parallel_loop3A_402 : vector<16xf32> to vector<1x1x1x16xf32>
        tpu.vector_store %arg7[%parallel_loop3A_405, %parallel_loop3A_406, %parallel_loop3A_407, %parallel_loop3A_408], %parallel_loop3A_411 {strides = array<i32>} : memref<2x4x50x128xf32, #tpu.memory_space<vmem>>, vector<1x1x1x16xf32>,
        %parallel_loop3A_412 = arith.constant 0 : i32
        %parallel_loop3A_413 = arith.index_cast %parallel_loop3A_412 : i32 to index
        %parallel_loop3A_414 = arith.index_cast %parallel_loop3A_259 : i32 to index
        %parallel_loop3A_415 = arith.constant 64 : index
        %parallel_loop3A_416 = tpu.vector_load %arg6[%parallel_loop3A_413, %parallel_loop3A_414, %parallel_loop3A_415] {strides = array<i32>} : memref<4x100x128xf32, #tpu.memory_space<vmem>>, vector<1x1x16xf32>,
        %parallel_loop3A_417 = vector.shape_cast %parallel_loop3A_416 : vector<1x1x16xf32> to vector<16xf32>
        %parallel_loop3A_418 = arith.constant 11.3137083 : f32
        %parallel_loop3A_419 = vector.broadcast %parallel_loop3A_418 : f32 to vector<16xf32>
        %parallel_loop3A_420 = arith.mulf %parallel_loop3A_417, %parallel_loop3A_419 : vector<16xf32>
        %parallel_loop3A_421 = arith.constant 0 : i32
        %parallel_loop3A_422 = arith.constant 0 : i32
        %parallel_loop3A_423 = arith.index_cast %parallel_loop3A_421 : i32 to index
        %parallel_loop3A_424 = arith.index_cast %parallel_loop3A_422 : i32 to index
        %parallel_loop3A_425 = arith.index_cast %parallel_loop3A_259 : i32 to index
        %parallel_loop3A_426 = arith.constant 64 : index
        %parallel_loop3A_427 = tpu.vector_load %arg7[%parallel_loop3A_423, %parallel_loop3A_424, %parallel_loop3A_425, %parallel_loop3A_426] {strides = array<i32>} : memref<2x4x50x128xf32, #tpu.memory_space<vmem>>, vector<1x1x1x16xf32>,
        %parallel_loop3A_428 = vector.shape_cast %parallel_loop3A_427 : vector<1x1x1x16xf32> to vector<16xf32>
        %parallel_loop3A_429 = vector.shape_cast %parallel_loop3A_420 : vector<16xf32> to vector<1x1x1x16xf32>
        tpu.vector_store %arg7[%parallel_loop3A_423, %parallel_loop3A_424, %parallel_loop3A_425, %parallel_loop3A_426], %parallel_loop3A_429 {strides = array<i32>} : memref<2x4x50x128xf32, #tpu.memory_space<vmem>>, vector<1x1x1x16xf32>,
        %parallel_loop3A_430 = arith.constant 50 : i32
        %parallel_loop3A_431 = arith.addi %parallel_loop3A_430, %parallel_loop3A_259 : i32
        %parallel_loop3A_432 = arith.constant 0 : i32
        %parallel_loop3A_433 = arith.index_cast %parallel_loop3A_432 : i32 to index
        %parallel_loop3A_434 = arith.index_cast %parallel_loop3A_431 : i32 to index
        %parallel_loop3A_435 = arith.constant 64 : index
        %parallel_loop3A_436 = tpu.vector_load %arg6[%parallel_loop3A_433, %parallel_loop3A_434, %parallel_loop3A_435] {strides = array<i32>} : memref<4x100x128xf32, #tpu.memory_space<vmem>>, vector<1x1x16xf32>,
        %parallel_loop3A_437 = vector.shape_cast %parallel_loop3A_436 : vector<1x1x16xf32> to vector<16xf32>
        %parallel_loop3A_438 = arith.constant 11.3137083 : f32
        %parallel_loop3A_439 = vector.broadcast %parallel_loop3A_438 : f32 to vector<16xf32>
        %parallel_loop3A_440 = arith.mulf %parallel_loop3A_437, %parallel_loop3A_439 : vector<16xf32>
        %parallel_loop3A_441 = arith.constant 0 : i32
        %parallel_loop3A_442 = arith.constant 1 : i32
        %parallel_loop3A_443 = arith.index_cast %parallel_loop3A_441 : i32 to index
        %parallel_loop3A_444 = arith.index_cast %parallel_loop3A_442 : i32 to index
        %parallel_loop3A_445 = arith.index_cast %parallel_loop3A_259 : i32 to index
        %parallel_loop3A_446 = arith.constant 64 : index
        %parallel_loop3A_447 = tpu.vector_load %arg7[%parallel_loop3A_443, %parallel_loop3A_444, %parallel_loop3A_445, %parallel_loop3A_446] {strides = array<i32>} : memref<2x4x50x128xf32, #tpu.memory_space<vmem>>, vector<1x1x1x16xf32>,
        %parallel_loop3A_448 = vector.shape_cast %parallel_loop3A_447 : vector<1x1x1x16xf32> to vector<16xf32>
        %parallel_loop3A_449 = vector.shape_cast %parallel_loop3A_440 : vector<16xf32> to vector<1x1x1x16xf32>
        tpu.vector_store %arg7[%parallel_loop3A_443, %parallel_loop3A_444, %parallel_loop3A_445, %parallel_loop3A_446], %parallel_loop3A_449 {strides = array<i32>} : memref<2x4x50x128xf32, #tpu.memory_space<vmem>>, vector<1x1x1x16xf32>,
        %parallel_loop3A_450 = arith.constant 0 : i32
        %parallel_loop3A_451 = arith.index_cast %parallel_loop3A_450 : i32 to index
        %parallel_loop3A_452 = arith.index_cast %parallel_loop3A_259 : i32 to index
        %parallel_loop3A_453 = arith.constant 80 : index
        %parallel_loop3A_454 = tpu.vector_load %arg6[%parallel_loop3A_451, %parallel_loop3A_452, %parallel_loop3A_453] {strides = array<i32>} : memref<4x100x128xf32, #tpu.memory_space<vmem>>, vector<1x1x16xf32>,
        %parallel_loop3A_455 = vector.shape_cast %parallel_loop3A_454 : vector<1x1x16xf32> to vector<16xf32>
        %parallel_loop3A_456 = arith.constant 11.3137083 : f32
        %parallel_loop3A_457 = vector.broadcast %parallel_loop3A_456 : f32 to vector<16xf32>
        %parallel_loop3A_458 = arith.mulf %parallel_loop3A_455, %parallel_loop3A_457 : vector<16xf32>
        %parallel_loop3A_459 = arith.constant 0 : i32
        %parallel_loop3A_460 = arith.constant 0 : i32
        %parallel_loop3A_461 = arith.index_cast %parallel_loop3A_459 : i32 to index
        %parallel_loop3A_462 = arith.index_cast %parallel_loop3A_460 : i32 to index
        %parallel_loop3A_463 = arith.index_cast %parallel_loop3A_259 : i32 to index
        %parallel_loop3A_464 = arith.constant 80 : index
        %parallel_loop3A_465 = tpu.vector_load %arg7[%parallel_loop3A_461, %parallel_loop3A_462, %parallel_loop3A_463, %parallel_loop3A_464] {strides = array<i32>} : memref<2x4x50x128xf32, #tpu.memory_space<vmem>>, vector<1x1x1x16xf32>,
        %parallel_loop3A_466 = vector.shape_cast %parallel_loop3A_465 : vector<1x1x1x16xf32> to vector<16xf32>
        %parallel_loop3A_467 = vector.shape_cast %parallel_loop3A_458 : vector<16xf32> to vector<1x1x1x16xf32>
        tpu.vector_store %arg7[%parallel_loop3A_461, %parallel_loop3A_462, %parallel_loop3A_463, %parallel_loop3A_464], %parallel_loop3A_467 {strides = array<i32>} : memref<2x4x50x128xf32, #tpu.memory_space<vmem>>, vector<1x1x1x16xf32>,
        %parallel_loop3A_468 = arith.constant 50 : i32
        %parallel_loop3A_469 = arith.addi %parallel_loop3A_468, %parallel_loop3A_259 : i32
        %parallel_loop3A_470 = arith.constant 0 : i32
        %parallel_loop3A_471 = arith.index_cast %parallel_loop3A_470 : i32 to index
        %parallel_loop3A_472 = arith.index_cast %parallel_loop3A_469 : i32 to index
        %parallel_loop3A_473 = arith.constant 80 : index
        %parallel_loop3A_474 = tpu.vector_load %arg6[%parallel_loop3A_471, %parallel_loop3A_472, %parallel_loop3A_473] {strides = array<i32>} : memref<4x100x128xf32, #tpu.memory_space<vmem>>, vector<1x1x16xf32>,
        %parallel_loop3A_475 = vector.shape_cast %parallel_loop3A_474 : vector<1x1x16xf32> to vector<16xf32>
        %parallel_loop3A_476 = arith.constant 11.3137083 : f32
        %parallel_loop3A_477 = vector.broadcast %parallel_loop3A_476 : f32 to vector<16xf32>
        %parallel_loop3A_478 = arith.mulf %parallel_loop3A_475, %parallel_loop3A_477 : vector<16xf32>
        %parallel_loop3A_479 = arith.constant 0 : i32
        %parallel_loop3A_480 = arith.constant 1 : i32
        %parallel_loop3A_481 = arith.index_cast %parallel_loop3A_479 : i32 to index
        %parallel_loop3A_482 = arith.index_cast %parallel_loop3A_480 : i32 to index
        %parallel_loop3A_483 = arith.index_cast %parallel_loop3A_259 : i32 to index
        %parallel_loop3A_484 = arith.constant 80 : index
        %parallel_loop3A_485 = tpu.vector_load %arg7[%parallel_loop3A_481, %parallel_loop3A_482, %parallel_loop3A_483, %parallel_loop3A_484] {strides = array<i32>} : memref<2x4x50x128xf32, #tpu.memory_space<vmem>>, vector<1x1x1x16xf32>,
        %parallel_loop3A_486 = vector.shape_cast %parallel_loop3A_485 : vector<1x1x1x16xf32> to vector<16xf32>
        %parallel_loop3A_487 = vector.shape_cast %parallel_loop3A_478 : vector<16xf32> to vector<1x1x1x16xf32>
        tpu.vector_store %arg7[%parallel_loop3A_481, %parallel_loop3A_482, %parallel_loop3A_483, %parallel_loop3A_484], %parallel_loop3A_487 {strides = array<i32>} : memref<2x4x50x128xf32, #tpu.memory_space<vmem>>, vector<1x1x1x16xf32>,
        %parallel_loop3A_488 = arith.constant 0 : i32
        %parallel_loop3A_489 = arith.index_cast %parallel_loop3A_488 : i32 to index
        %parallel_loop3A_490 = arith.index_cast %parallel_loop3A_259 : i32 to index
        %parallel_loop3A_491 = arith.constant 96 : index
        %parallel_loop3A_492 = tpu.vector_load %arg6[%parallel_loop3A_489, %parallel_loop3A_490, %parallel_loop3A_491] {strides = array<i32>} : memref<4x100x128xf32, #tpu.memory_space<vmem>>, vector<1x1x16xf32>,
        %parallel_loop3A_493 = vector.shape_cast %parallel_loop3A_492 : vector<1x1x16xf32> to vector<16xf32>
        %parallel_loop3A_494 = arith.constant 11.3137083 : f32
        %parallel_loop3A_495 = vector.broadcast %parallel_loop3A_494 : f32 to vector<16xf32>
        %parallel_loop3A_496 = arith.mulf %parallel_loop3A_493, %parallel_loop3A_495 : vector<16xf32>
        %parallel_loop3A_497 = arith.constant 0 : i32
        %parallel_loop3A_498 = arith.constant 0 : i32
        %parallel_loop3A_499 = arith.index_cast %parallel_loop3A_497 : i32 to index
        %parallel_loop3A_500 = arith.index_cast %parallel_loop3A_498 : i32 to index
        %parallel_loop3A_501 = arith.index_cast %parallel_loop3A_259 : i32 to index
        %parallel_loop3A_502 = arith.constant 96 : index
        %parallel_loop3A_503 = tpu.vector_load %arg7[%parallel_loop3A_499, %parallel_loop3A_500, %parallel_loop3A_501, %parallel_loop3A_502] {strides = array<i32>} : memref<2x4x50x128xf32, #tpu.memory_space<vmem>>, vector<1x1x1x16xf32>,
        %parallel_loop3A_504 = vector.shape_cast %parallel_loop3A_503 : vector<1x1x1x16xf32> to vector<16xf32>
        %parallel_loop3A_505 = vector.shape_cast %parallel_loop3A_496 : vector<16xf32> to vector<1x1x1x16xf32>
        tpu.vector_store %arg7[%parallel_loop3A_499, %parallel_loop3A_500, %parallel_loop3A_501, %parallel_loop3A_502], %parallel_loop3A_505 {strides = array<i32>} : memref<2x4x50x128xf32, #tpu.memory_space<vmem>>, vector<1x1x1x16xf32>,
        %parallel_loop3A_506 = arith.constant 50 : i32
        %parallel_loop3A_507 = arith.addi %parallel_loop3A_506, %parallel_loop3A_259 : i32
        %parallel_loop3A_508 = arith.constant 0 : i32
        %parallel_loop3A_509 = arith.index_cast %parallel_loop3A_508 : i32 to index
        %parallel_loop3A_510 = arith.index_cast %parallel_loop3A_507 : i32 to index
        %parallel_loop3A_511 = arith.constant 96 : index
        %parallel_loop3A_512 = tpu.vector_load %arg6[%parallel_loop3A_509, %parallel_loop3A_510, %parallel_loop3A_511] {strides = array<i32>} : memref<4x100x128xf32, #tpu.memory_space<vmem>>, vector<1x1x16xf32>,
        %parallel_loop3A_513 = vector.shape_cast %parallel_loop3A_512 : vector<1x1x16xf32> to vector<16xf32>
        %parallel_loop3A_514 = arith.constant 11.3137083 : f32
        %parallel_loop3A_515 = vector.broadcast %parallel_loop3A_514 : f32 to vector<16xf32>
        %parallel_loop3A_516 = arith.mulf %parallel_loop3A_513, %parallel_loop3A_515 : vector<16xf32>
        %parallel_loop3A_517 = arith.constant 0 : i32
        %parallel_loop3A_518 = arith.constant 1 : i32
        %parallel_loop3A_519 = arith.index_cast %parallel_loop3A_517 : i32 to index
        %parallel_loop3A_520 = arith.index_cast %parallel_loop3A_518 : i32 to index
        %parallel_loop3A_521 = arith.index_cast %parallel_loop3A_259 : i32 to index
        %parallel_loop3A_522 = arith.constant 96 : index
        %parallel_loop3A_523 = tpu.vector_load %arg7[%parallel_loop3A_519, %parallel_loop3A_520, %parallel_loop3A_521, %parallel_loop3A_522] {strides = array<i32>} : memref<2x4x50x128xf32, #tpu.memory_space<vmem>>, vector<1x1x1x16xf32>,
        %parallel_loop3A_524 = vector.shape_cast %parallel_loop3A_523 : vector<1x1x1x16xf32> to vector<16xf32>
        %parallel_loop3A_525 = vector.shape_cast %parallel_loop3A_516 : vector<16xf32> to vector<1x1x1x16xf32>
        tpu.vector_store %arg7[%parallel_loop3A_519, %parallel_loop3A_520, %parallel_loop3A_521, %parallel_loop3A_522], %parallel_loop3A_525 {strides = array<i32>} : memref<2x4x50x128xf32, #tpu.memory_space<vmem>>, vector<1x1x1x16xf32>,
        %parallel_loop3A_526 = arith.constant 0 : i32
        %parallel_loop3A_527 = arith.index_cast %parallel_loop3A_526 : i32 to index
        %parallel_loop3A_528 = arith.index_cast %parallel_loop3A_259 : i32 to index
        %parallel_loop3A_529 = arith.constant 112 : index
        %parallel_loop3A_530 = tpu.vector_load %arg6[%parallel_loop3A_527, %parallel_loop3A_528, %parallel_loop3A_529] {strides = array<i32>} : memref<4x100x128xf32, #tpu.memory_space<vmem>>, vector<1x1x16xf32>,
        %parallel_loop3A_531 = vector.shape_cast %parallel_loop3A_530 : vector<1x1x16xf32> to vector<16xf32>
        %parallel_loop3A_532 = arith.constant 11.3137083 : f32
        %parallel_loop3A_533 = vector.broadcast %parallel_loop3A_532 : f32 to vector<16xf32>
        %parallel_loop3A_534 = arith.mulf %parallel_loop3A_531, %parallel_loop3A_533 : vector<16xf32>
        %parallel_loop3A_535 = arith.constant 0 : i32
        %parallel_loop3A_536 = arith.constant 0 : i32
        %parallel_loop3A_537 = arith.index_cast %parallel_loop3A_535 : i32 to index
        %parallel_loop3A_538 = arith.index_cast %parallel_loop3A_536 : i32 to index
        %parallel_loop3A_539 = arith.index_cast %parallel_loop3A_259 : i32 to index
        %parallel_loop3A_540 = arith.constant 112 : index
        %parallel_loop3A_541 = tpu.vector_load %arg7[%parallel_loop3A_537, %parallel_loop3A_538, %parallel_loop3A_539, %parallel_loop3A_540] {strides = array<i32>} : memref<2x4x50x128xf32, #tpu.memory_space<vmem>>, vector<1x1x1x16xf32>,
        %parallel_loop3A_542 = vector.shape_cast %parallel_loop3A_541 : vector<1x1x1x16xf32> to vector<16xf32>
        %parallel_loop3A_543 = vector.shape_cast %parallel_loop3A_534 : vector<16xf32> to vector<1x1x1x16xf32>
        tpu.vector_store %arg7[%parallel_loop3A_537, %parallel_loop3A_538, %parallel_loop3A_539, %parallel_loop3A_540], %parallel_loop3A_543 {strides = array<i32>} : memref<2x4x50x128xf32, #tpu.memory_space<vmem>>, vector<1x1x1x16xf32>,
        %parallel_loop3A_544 = arith.constant 50 : i32
        %parallel_loop3A_545 = arith.addi %parallel_loop3A_544, %parallel_loop3A_259 : i32
        %parallel_loop3A_546 = arith.constant 0 : i32
        %parallel_loop3A_547 = arith.index_cast %parallel_loop3A_546 : i32 to index
        %parallel_loop3A_548 = arith.index_cast %parallel_loop3A_545 : i32 to index
        %parallel_loop3A_549 = arith.constant 112 : index
        %parallel_loop3A_550 = tpu.vector_load %arg6[%parallel_loop3A_547, %parallel_loop3A_548, %parallel_loop3A_549] {strides = array<i32>} : memref<4x100x128xf32, #tpu.memory_space<vmem>>, vector<1x1x16xf32>,
        %parallel_loop3A_551 = vector.shape_cast %parallel_loop3A_550 : vector<1x1x16xf32> to vector<16xf32>
        %parallel_loop3A_552 = arith.constant 11.3137083 : f32
        %parallel_loop3A_553 = vector.broadcast %parallel_loop3A_552 : f32 to vector<16xf32>
        %parallel_loop3A_554 = arith.mulf %parallel_loop3A_551, %parallel_loop3A_553 : vector<16xf32>
        %parallel_loop3A_555 = arith.constant 0 : i32
        %parallel_loop3A_556 = arith.constant 1 : i32
        %parallel_loop3A_557 = arith.index_cast %parallel_loop3A_555 : i32 to index
        %parallel_loop3A_558 = arith.index_cast %parallel_loop3A_556 : i32 to index
        %parallel_loop3A_559 = arith.index_cast %parallel_loop3A_259 : i32 to index
        %parallel_loop3A_560 = arith.constant 112 : index
        %parallel_loop3A_561 = tpu.vector_load %arg7[%parallel_loop3A_557, %parallel_loop3A_558, %parallel_loop3A_559, %parallel_loop3A_560] {strides = array<i32>} : memref<2x4x50x128xf32, #tpu.memory_space<vmem>>, vector<1x1x1x16xf32>,
        %parallel_loop3A_562 = vector.shape_cast %parallel_loop3A_561 : vector<1x1x1x16xf32> to vector<16xf32>
        %parallel_loop3A_563 = vector.shape_cast %parallel_loop3A_554 : vector<16xf32> to vector<1x1x1x16xf32>
        tpu.vector_store %arg7[%parallel_loop3A_557, %parallel_loop3A_558, %parallel_loop3A_559, %parallel_loop3A_560], %parallel_loop3A_563 {strides = array<i32>} : memref<2x4x50x128xf32, #tpu.memory_space<vmem>>, vector<1x1x1x16xf32>,
      } {sc.loop_unroll_factor = 2 : i64, sc.parallel_access}
      %add3A_128 = arith.constant 1 : i32
      %add3A_129 = arith.addi %mul3A_97, %add3A_128 : i32
      %add3A_130 = arith.constant 3 : i32
      %add3A_131 = arith.addi %add3A_129, %add3A_130 : i32
      %lt3A_132 = arith.constant 64 : i32
      %lt3A_133 = arith.cmpi slt, %add3A_131, %lt3A_132 : i32
      %convert_element_type3A_134 = arith.extui %lt3A_133 : i1 to i32
      %cond3A_135 = arith.constant 0 : i32
      %cond3A_136 = arith.cmpi ne, %convert_element_type3A_134, %cond3A_135 : i32
      scf.if %cond3A_136 {
        %add3A_259 = arith.constant 3 : i32
        %add3A_260 = arith.addi %add3A_129, %add3A_259 : i32
        %dma_start3A_261 = arith.constant 0 : i32
        %dma_start3A_262 = arith.constant 0 : i32
        %dma_start3A_263 = arith.constant 0 : i32
        %dma_start3A_264 = arith.constant 0 : i32
        %dma_start3A_265 = tpu.memref_slice %arg6[%dma_start3A_261, %dma_start3A_263, %dma_start3A_264] : memref<4x100x128xf32, #tpu.memory_space<vmem>> -> memref<1x100x128xf32, #tpu.memory_space<vmem>>
        %dma_start3A_266 = tpu.memref_squeeze %dma_start3A_265 : memref<1x100x128xf32, #tpu.memory_space<vmem>> -> memref<100x128xf32, #tpu.memory_space<vmem>>
        %dma_start3A_267 = arith.constant 0 : i32
        %dma_start3A_268 = tpu.memref_slice %arg5[%add3A_260, %dma_start3A_267] : memref<64x104xi32, #tpu.memory_space<vmem>> -> memref<1x100xi32, #tpu.memory_space<vmem>>
        %dma_start3A_269 = tpu.memref_squeeze %dma_start3A_268 : memref<1x100xi32, #tpu.memory_space<vmem>> -> memref<100xi32, #tpu.memory_space<vmem>>
        %dma_start3A_270 = arith.constant 0 : i32
        %dma_start3A_271 = arith.constant 0 : i32
        %dma_start3A_272 = tpu.memref_slice %arg3[%dma_start3A_270, %dma_start3A_271] : memref<100000x128xf32, #tpu.memory_space<hbm>> -> memref<100000x128xf32, #tpu.memory_space<hbm>>
        %dma_start3A_273 = tpu.memref_slice %arg8[%dma_start3A_262] : memref<4x!tpu.dma_semaphore, #tpu.memory_space<semaphore_mem>> -> memref<1x!tpu.dma_semaphore, #tpu.memory_space<semaphore_mem>>
        %dma_start3A_274 = tpu.memref_squeeze %dma_start3A_273 : memref<1x!tpu.dma_semaphore, #tpu.memory_space<semaphore_mem>> -> memref<!tpu.dma_semaphore, #tpu.memory_space<semaphore_mem>>
        tpu.enqueue_indirect_dma source(%dma_start3A_272 : memref<100000x128xf32, #tpu.memory_space<hbm>>) target(%dma_start3A_266 : memref<100x128xf32, #tpu.memory_space<vmem>>) offsets(%dma_start3A_269 : memref<100xi32, #tpu.memory_space<vmem>>) semaphore(%dma_start3A_274 : memref<!tpu.dma_semaphore, #tpu.memory_space<semaphore_mem>>)
      } else {
      }
      %dma_wait3A_137 = arith.constant 1 : i32
      %dma_wait3A_138 = arith.constant 1 : i32
      %dma_wait3A_139 = arith.constant 0 : i32
      %dma_wait3A_140 = arith.constant 0 : i32
      %dma_wait3A_141 = tpu.memref_slice %arg6[%dma_wait3A_137, %dma_wait3A_139, %dma_wait3A_140] : memref<4x100x128xf32, #tpu.memory_space<vmem>> -> memref<1x100x128xf32, #tpu.memory_space<vmem>>
      %dma_wait3A_142 = tpu.memref_squeeze %dma_wait3A_141 : memref<1x100x128xf32, #tpu.memory_space<vmem>> -> memref<100x128xf32, #tpu.memory_space<vmem>>
      %dma_wait3A_143 = arith.constant 0 : i32
      %dma_wait3A_144 = tpu.memref_slice %arg5[%add3A_129, %dma_wait3A_143] : memref<64x104xi32, #tpu.memory_space<vmem>> -> memref<1x100xi32, #tpu.memory_space<vmem>>
      %dma_wait3A_145 = tpu.memref_squeeze %dma_wait3A_144 : memref<1x100xi32, #tpu.memory_space<vmem>> -> memref<100xi32, #tpu.memory_space<vmem>>
      %dma_wait3A_146 = arith.constant 0 : i32
      %dma_wait3A_147 = arith.constant 0 : i32
      %dma_wait3A_148 = tpu.memref_slice %arg3[%dma_wait3A_146, %dma_wait3A_147] : memref<100000x128xf32, #tpu.memory_space<hbm>> -> memref<100000x128xf32, #tpu.memory_space<hbm>>
      %dma_wait3A_149 = tpu.memref_slice %arg8[%dma_wait3A_138] : memref<4x!tpu.dma_semaphore, #tpu.memory_space<semaphore_mem>> -> memref<1x!tpu.dma_semaphore, #tpu.memory_space<semaphore_mem>>
      %dma_wait3A_150 = tpu.memref_squeeze %dma_wait3A_149 : memref<1x!tpu.dma_semaphore, #tpu.memory_space<semaphore_mem>> -> memref<!tpu.dma_semaphore, #tpu.memory_space<semaphore_mem>>
      tpu.wait_indirect_dma semaphore(%dma_wait3A_150 : memref<!tpu.dma_semaphore, #tpu.memory_space<semaphore_mem>>) src(%dma_wait3A_148 : memref<100000x128xf32, #tpu.memory_space<hbm>>) dst(%dma_wait3A_142 : memref<100x128xf32, #tpu.memory_space<vmem>>)
      %parallel_loop3A_151 = arith.constant 0 : i32
      %parallel_loop3A_152 = arith.constant 50 : i32
      %parallel_loop3A_153 = arith.constant 1 : i32
      scf.for %parallel_loop3A_259 = %parallel_loop3A_151 to %parallel_loop3A_152 step %parallel_loop3A_153  : i32 {
        %parallel_loop3A_260 = arith.constant 1 : i32
        %parallel_loop3A_261 = arith.index_cast %parallel_loop3A_260 : i32 to index
        %parallel_loop3A_262 = arith.index_cast %parallel_loop3A_259 : i32 to index
        %parallel_loop3A_263 = arith.constant 0 : index
        %parallel_loop3A_264 = tpu.vector_load %arg6[%parallel_loop3A_261, %parallel_loop3A_262, %parallel_loop3A_263] {strides = array<i32>} : memref<4x100x128xf32, #tpu.memory_space<vmem>>, vector<1x1x16xf32>,
        %parallel_loop3A_265 = vector.shape_cast %parallel_loop3A_264 : vector<1x1x16xf32> to vector<16xf32>
        %parallel_loop3A_266 = arith.constant 11.3137083 : f32
        %parallel_loop3A_267 = vector.broadcast %parallel_loop3A_266 : f32 to vector<16xf32>
        %parallel_loop3A_268 = arith.mulf %parallel_loop3A_265, %parallel_loop3A_267 : vector<16xf32>
        %parallel_loop3A_269 = arith.constant 0 : i32
        %parallel_loop3A_270 = arith.constant 2 : i32
        %parallel_loop3A_271 = arith.index_cast %parallel_loop3A_269 : i32 to index
        %parallel_loop3A_272 = arith.index_cast %parallel_loop3A_270 : i32 to index
        %parallel_loop3A_273 = arith.index_cast %parallel_loop3A_259 : i32 to index
        %parallel_loop3A_274 = arith.constant 0 : index
        %parallel_loop3A_275 = tpu.vector_load %arg7[%parallel_loop3A_271, %parallel_loop3A_272, %parallel_loop3A_273, %parallel_loop3A_274] {strides = array<i32>} : memref<2x4x50x128xf32, #tpu.memory_space<vmem>>, vector<1x1x1x16xf32>,
        %parallel_loop3A_276 = vector.shape_cast %parallel_loop3A_275 : vector<1x1x1x16xf32> to vector<16xf32>
        %parallel_loop3A_277 = vector.shape_cast %parallel_loop3A_268 : vector<16xf32> to vector<1x1x1x16xf32>
        tpu.vector_store %arg7[%parallel_loop3A_271, %parallel_loop3A_272, %parallel_loop3A_273, %parallel_loop3A_274], %parallel_loop3A_277 {strides = array<i32>} : memref<2x4x50x128xf32, #tpu.memory_space<vmem>>, vector<1x1x1x16xf32>,
        %parallel_loop3A_278 = arith.constant 50 : i32
        %parallel_loop3A_279 = arith.addi %parallel_loop3A_278, %parallel_loop3A_259 : i32
        %parallel_loop3A_280 = arith.constant 1 : i32
        %parallel_loop3A_281 = arith.index_cast %parallel_loop3A_280 : i32 to index
        %parallel_loop3A_282 = arith.index_cast %parallel_loop3A_279 : i32 to index
        %parallel_loop3A_283 = arith.constant 0 : index
        %parallel_loop3A_284 = tpu.vector_load %arg6[%parallel_loop3A_281, %parallel_loop3A_282, %parallel_loop3A_283] {strides = array<i32>} : memref<4x100x128xf32, #tpu.memory_space<vmem>>, vector<1x1x16xf32>,
        %parallel_loop3A_285 = vector.shape_cast %parallel_loop3A_284 : vector<1x1x16xf32> to vector<16xf32>
        %parallel_loop3A_286 = arith.constant 11.3137083 : f32
        %parallel_loop3A_287 = vector.broadcast %parallel_loop3A_286 : f32 to vector<16xf32>
        %parallel_loop3A_288 = arith.mulf %parallel_loop3A_285, %parallel_loop3A_287 : vector<16xf32>
        %parallel_loop3A_289 = arith.constant 0 : i32
        %parallel_loop3A_290 = arith.constant 3 : i32
        %parallel_loop3A_291 = arith.index_cast %parallel_loop3A_289 : i32 to index
        %parallel_loop3A_292 = arith.index_cast %parallel_loop3A_290 : i32 to index
        %parallel_loop3A_293 = arith.index_cast %parallel_loop3A_259 : i32 to index
        %parallel_loop3A_294 = arith.constant 0 : index
        %parallel_loop3A_295 = tpu.vector_load %arg7[%parallel_loop3A_291, %parallel_loop3A_292, %parallel_loop3A_293, %parallel_loop3A_294] {strides = array<i32>} : memref<2x4x50x128xf32, #tpu.memory_space<vmem>>, vector<1x1x1x16xf32>,
        %parallel_loop3A_296 = vector.shape_cast %parallel_loop3A_295 : vector<1x1x1x16xf32> to vector<16xf32>
        %parallel_loop3A_297 = vector.shape_cast %parallel_loop3A_288 : vector<16xf32> to vector<1x1x1x16xf32>
        tpu.vector_store %arg7[%parallel_loop3A_291, %parallel_loop3A_292, %parallel_loop3A_293, %parallel_loop3A_294], %parallel_loop3A_297 {strides = array<i32>} : memref<2x4x50x128xf32, #tpu.memory_space<vmem>>, vector<1x1x1x16xf32>,
        %parallel_loop3A_298 = arith.constant 1 : i32
        %parallel_loop3A_299 = arith.index_cast %parallel_loop3A_298 : i32 to index
        %parallel_loop3A_300 = arith.index_cast %parallel_loop3A_259 : i32 to index
        %parallel_loop3A_301 = arith.constant 16 : index
        %parallel_loop3A_302 = tpu.vector_load %arg6[%parallel_loop3A_299, %parallel_loop3A_300, %parallel_loop3A_301] {strides = array<i32>} : memref<4x100x128xf32, #tpu.memory_space<vmem>>, vector<1x1x16xf32>,
        %parallel_loop3A_303 = vector.shape_cast %parallel_loop3A_302 : vector<1x1x16xf32> to vector<16xf32>
        %parallel_loop3A_304 = arith.constant 11.3137083 : f32
        %parallel_loop3A_305 = vector.broadcast %parallel_loop3A_304 : f32 to vector<16xf32>
        %parallel_loop3A_306 = arith.mulf %parallel_loop3A_303, %parallel_loop3A_305 : vector<16xf32>
        %parallel_loop3A_307 = arith.constant 0 : i32
        %parallel_loop3A_308 = arith.constant 2 : i32
        %parallel_loop3A_309 = arith.index_cast %parallel_loop3A_307 : i32 to index
        %parallel_loop3A_310 = arith.index_cast %parallel_loop3A_308 : i32 to index
        %parallel_loop3A_311 = arith.index_cast %parallel_loop3A_259 : i32 to index
        %parallel_loop3A_312 = arith.constant 16 : index
        %parallel_loop3A_313 = tpu.vector_load %arg7[%parallel_loop3A_309, %parallel_loop3A_310, %parallel_loop3A_311, %parallel_loop3A_312] {strides = array<i32>} : memref<2x4x50x128xf32, #tpu.memory_space<vmem>>, vector<1x1x1x16xf32>,
        %parallel_loop3A_314 = vector.shape_cast %parallel_loop3A_313 : vector<1x1x1x16xf32> to vector<16xf32>
        %parallel_loop3A_315 = vector.shape_cast %parallel_loop3A_306 : vector<16xf32> to vector<1x1x1x16xf32>
        tpu.vector_store %arg7[%parallel_loop3A_309, %parallel_loop3A_310, %parallel_loop3A_311, %parallel_loop3A_312], %parallel_loop3A_315 {strides = array<i32>} : memref<2x4x50x128xf32, #tpu.memory_space<vmem>>, vector<1x1x1x16xf32>,
        %parallel_loop3A_316 = arith.constant 50 : i32
        %parallel_loop3A_317 = arith.addi %parallel_loop3A_316, %parallel_loop3A_259 : i32
        %parallel_loop3A_318 = arith.constant 1 : i32
        %parallel_loop3A_319 = arith.index_cast %parallel_loop3A_318 : i32 to index
        %parallel_loop3A_320 = arith.index_cast %parallel_loop3A_317 : i32 to index
        %parallel_loop3A_321 = arith.constant 16 : index
        %parallel_loop3A_322 = tpu.vector_load %arg6[%parallel_loop3A_319, %parallel_loop3A_320, %parallel_loop3A_321] {strides = array<i32>} : memref<4x100x128xf32, #tpu.memory_space<vmem>>, vector<1x1x16xf32>,
        %parallel_loop3A_323 = vector.shape_cast %parallel_loop3A_322 : vector<1x1x16xf32> to vector<16xf32>
        %parallel_loop3A_324 = arith.constant 11.3137083 : f32
        %parallel_loop3A_325 = vector.broadcast %parallel_loop3A_324 : f32 to vector<16xf32>
        %parallel_loop3A_326 = arith.mulf %parallel_loop3A_323, %parallel_loop3A_325 : vector<16xf32>
        %parallel_loop3A_327 = arith.constant 0 : i32
        %parallel_loop3A_328 = arith.constant 3 : i32
        %parallel_loop3A_329 = arith.index_cast %parallel_loop3A_327 : i32 to index
        %parallel_loop3A_330 = arith.index_cast %parallel_loop3A_328 : i32 to index
        %parallel_loop3A_331 = arith.index_cast %parallel_loop3A_259 : i32 to index
        %parallel_loop3A_332 = arith.constant 16 : index
        %parallel_loop3A_333 = tpu.vector_load %arg7[%parallel_loop3A_329, %parallel_loop3A_330, %parallel_loop3A_331, %parallel_loop3A_332] {strides = array<i32>} : memref<2x4x50x128xf32, #tpu.memory_space<vmem>>, vector<1x1x1x16xf32>,
        %parallel_loop3A_334 = vector.shape_cast %parallel_loop3A_333 : vector<1x1x1x16xf32> to vector<16xf32>
        %parallel_loop3A_335 = vector.shape_cast %parallel_loop3A_326 : vector<16xf32> to vector<1x1x1x16xf32>
        tpu.vector_store %arg7[%parallel_loop3A_329, %parallel_loop3A_330, %parallel_loop3A_331, %parallel_loop3A_332], %parallel_loop3A_335 {strides = array<i32>} : memref<2x4x50x128xf32, #tpu.memory_space<vmem>>, vector<1x1x1x16xf32>,
        %parallel_loop3A_336 = arith.constant 1 : i32
        %parallel_loop3A_337 = arith.index_cast %parallel_loop3A_336 : i32 to index
        %parallel_loop3A_338 = arith.index_cast %parallel_loop3A_259 : i32 to index
        %parallel_loop3A_339 = arith.constant 32 : index
        %parallel_loop3A_340 = tpu.vector_load %arg6[%parallel_loop3A_337, %parallel_loop3A_338, %parallel_loop3A_339] {strides = array<i32>} : memref<4x100x128xf32, #tpu.memory_space<vmem>>, vector<1x1x16xf32>,
        %parallel_loop3A_341 = vector.shape_cast %parallel_loop3A_340 : vector<1x1x16xf32> to vector<16xf32>
        %parallel_loop3A_342 = arith.constant 11.3137083 : f32
        %parallel_loop3A_343 = vector.broadcast %parallel_loop3A_342 : f32 to vector<16xf32>
        %parallel_loop3A_344 = arith.mulf %parallel_loop3A_341, %parallel_loop3A_343 : vector<16xf32>
        %parallel_loop3A_345 = arith.constant 0 : i32
        %parallel_loop3A_346 = arith.constant 2 : i32
        %parallel_loop3A_347 = arith.index_cast %parallel_loop3A_345 : i32 to index
        %parallel_loop3A_348 = arith.index_cast %parallel_loop3A_346 : i32 to index
        %parallel_loop3A_349 = arith.index_cast %parallel_loop3A_259 : i32 to index
        %parallel_loop3A_350 = arith.constant 32 : index
        %parallel_loop3A_351 = tpu.vector_load %arg7[%parallel_loop3A_347, %parallel_loop3A_348, %parallel_loop3A_349, %parallel_loop3A_350] {strides = array<i32>} : memref<2x4x50x128xf32, #tpu.memory_space<vmem>>, vector<1x1x1x16xf32>,
        %parallel_loop3A_352 = vector.shape_cast %parallel_loop3A_351 : vector<1x1x1x16xf32> to vector<16xf32>
        %parallel_loop3A_353 = vector.shape_cast %parallel_loop3A_344 : vector<16xf32> to vector<1x1x1x16xf32>
        tpu.vector_store %arg7[%parallel_loop3A_347, %parallel_loop3A_348, %parallel_loop3A_349, %parallel_loop3A_350], %parallel_loop3A_353 {strides = array<i32>} : memref<2x4x50x128xf32, #tpu.memory_space<vmem>>, vector<1x1x1x16xf32>,
        %parallel_loop3A_354 = arith.constant 50 : i32
        %parallel_loop3A_355 = arith.addi %parallel_loop3A_354, %parallel_loop3A_259 : i32
        %parallel_loop3A_356 = arith.constant 1 : i32
        %parallel_loop3A_357 = arith.index_cast %parallel_loop3A_356 : i32 to index
        %parallel_loop3A_358 = arith.index_cast %parallel_loop3A_355 : i32 to index
        %parallel_loop3A_359 = arith.constant 32 : index
        %parallel_loop3A_360 = tpu.vector_load %arg6[%parallel_loop3A_357, %parallel_loop3A_358, %parallel_loop3A_359] {strides = array<i32>} : memref<4x100x128xf32, #tpu.memory_space<vmem>>, vector<1x1x16xf32>,
        %parallel_loop3A_361 = vector.shape_cast %parallel_loop3A_360 : vector<1x1x16xf32> to vector<16xf32>
        %parallel_loop3A_362 = arith.constant 11.3137083 : f32
        %parallel_loop3A_363 = vector.broadcast %parallel_loop3A_362 : f32 to vector<16xf32>
        %parallel_loop3A_364 = arith.mulf %parallel_loop3A_361, %parallel_loop3A_363 : vector<16xf32>
        %parallel_loop3A_365 = arith.constant 0 : i32
        %parallel_loop3A_366 = arith.constant 3 : i32
        %parallel_loop3A_367 = arith.index_cast %parallel_loop3A_365 : i32 to index
        %parallel_loop3A_368 = arith.index_cast %parallel_loop3A_366 : i32 to index
        %parallel_loop3A_369 = arith.index_cast %parallel_loop3A_259 : i32 to index
        %parallel_loop3A_370 = arith.constant 32 : index
        %parallel_loop3A_371 = tpu.vector_load %arg7[%parallel_loop3A_367, %parallel_loop3A_368, %parallel_loop3A_369, %parallel_loop3A_370] {strides = array<i32>} : memref<2x4x50x128xf32, #tpu.memory_space<vmem>>, vector<1x1x1x16xf32>,
        %parallel_loop3A_372 = vector.shape_cast %parallel_loop3A_371 : vector<1x1x1x16xf32> to vector<16xf32>
        %parallel_loop3A_373 = vector.shape_cast %parallel_loop3A_364 : vector<16xf32> to vector<1x1x1x16xf32>
        tpu.vector_store %arg7[%parallel_loop3A_367, %parallel_loop3A_368, %parallel_loop3A_369, %parallel_loop3A_370], %parallel_loop3A_373 {strides = array<i32>} : memref<2x4x50x128xf32, #tpu.memory_space<vmem>>, vector<1x1x1x16xf32>,
        %parallel_loop3A_374 = arith.constant 1 : i32
        %parallel_loop3A_375 = arith.index_cast %parallel_loop3A_374 : i32 to index
        %parallel_loop3A_376 = arith.index_cast %parallel_loop3A_259 : i32 to index
        %parallel_loop3A_377 = arith.constant 48 : index
        %parallel_loop3A_378 = tpu.vector_load %arg6[%parallel_loop3A_375, %parallel_loop3A_376, %parallel_loop3A_377] {strides = array<i32>} : memref<4x100x128xf32, #tpu.memory_space<vmem>>, vector<1x1x16xf32>,
        %parallel_loop3A_379 = vector.shape_cast %parallel_loop3A_378 : vector<1x1x16xf32> to vector<16xf32>
        %parallel_loop3A_380 = arith.constant 11.3137083 : f32
        %parallel_loop3A_381 = vector.broadcast %parallel_loop3A_380 : f32 to vector<16xf32>
        %parallel_loop3A_382 = arith.mulf %parallel_loop3A_379, %parallel_loop3A_381 : vector<16xf32>
        %parallel_loop3A_383 = arith.constant 0 : i32
        %parallel_loop3A_384 = arith.constant 2 : i32
        %parallel_loop3A_385 = arith.index_cast %parallel_loop3A_383 : i32 to index
        %parallel_loop3A_386 = arith.index_cast %parallel_loop3A_384 : i32 to index
        %parallel_loop3A_387 = arith.index_cast %parallel_loop3A_259 : i32 to index
        %parallel_loop3A_388 = arith.constant 48 : index
        %parallel_loop3A_389 = tpu.vector_load %arg7[%parallel_loop3A_385, %parallel_loop3A_386, %parallel_loop3A_387, %parallel_loop3A_388] {strides = array<i32>} : memref<2x4x50x128xf32, #tpu.memory_space<vmem>>, vector<1x1x1x16xf32>,
        %parallel_loop3A_390 = vector.shape_cast %parallel_loop3A_389 : vector<1x1x1x16xf32> to vector<16xf32>
        %parallel_loop3A_391 = vector.shape_cast %parallel_loop3A_382 : vector<16xf32> to vector<1x1x1x16xf32>
        tpu.vector_store %arg7[%parallel_loop3A_385, %parallel_loop3A_386, %parallel_loop3A_387, %parallel_loop3A_388], %parallel_loop3A_391 {strides = array<i32>} : memref<2x4x50x128xf32, #tpu.memory_space<vmem>>, vector<1x1x1x16xf32>,
        %parallel_loop3A_392 = arith.constant 50 : i32
        %parallel_loop3A_393 = arith.addi %parallel_loop3A_392, %parallel_loop3A_259 : i32
        %parallel_loop3A_394 = arith.constant 1 : i32
        %parallel_loop3A_395 = arith.index_cast %parallel_loop3A_394 : i32 to index
        %parallel_loop3A_396 = arith.index_cast %parallel_loop3A_393 : i32 to index
        %parallel_loop3A_397 = arith.constant 48 : index
        %parallel_loop3A_398 = tpu.vector_load %arg6[%parallel_loop3A_395, %parallel_loop3A_396, %parallel_loop3A_397] {strides = array<i32>} : memref<4x100x128xf32, #tpu.memory_space<vmem>>, vector<1x1x16xf32>,
        %parallel_loop3A_399 = vector.shape_cast %parallel_loop3A_398 : vector<1x1x16xf32> to vector<16xf32>
        %parallel_loop3A_400 = arith.constant 11.3137083 : f32
        %parallel_loop3A_401 = vector.broadcast %parallel_loop3A_400 : f32 to vector<16xf32>
        %parallel_loop3A_402 = arith.mulf %parallel_loop3A_399, %parallel_loop3A_401 : vector<16xf32>
        %parallel_loop3A_403 = arith.constant 0 : i32
        %parallel_loop3A_404 = arith.constant 3 : i32
        %parallel_loop3A_405 = arith.index_cast %parallel_loop3A_403 : i32 to index
        %parallel_loop3A_406 = arith.index_cast %parallel_loop3A_404 : i32 to index
        %parallel_loop3A_407 = arith.index_cast %parallel_loop3A_259 : i32 to index
        %parallel_loop3A_408 = arith.constant 48 : index
        %parallel_loop3A_409 = tpu.vector_load %arg7[%parallel_loop3A_405, %parallel_loop3A_406, %parallel_loop3A_407, %parallel_loop3A_408] {strides = array<i32>} : memref<2x4x50x128xf32, #tpu.memory_space<vmem>>, vector<1x1x1x16xf32>,
        %parallel_loop3A_410 = vector.shape_cast %parallel_loop3A_409 : vector<1x1x1x16xf32> to vector<16xf32>
        %parallel_loop3A_411 = vector.shape_cast %parallel_loop3A_402 : vector<16xf32> to vector<1x1x1x16xf32>
        tpu.vector_store %arg7[%parallel_loop3A_405, %parallel_loop3A_406, %parallel_loop3A_407, %parallel_loop3A_408], %parallel_loop3A_411 {strides = array<i32>} : memref<2x4x50x128xf32, #tpu.memory_space<vmem>>, vector<1x1x1x16xf32>,
        %parallel_loop3A_412 = arith.constant 1 : i32
        %parallel_loop3A_413 = arith.index_cast %parallel_loop3A_412 : i32 to index
        %parallel_loop3A_414 = arith.index_cast %parallel_loop3A_259 : i32 to index
        %parallel_loop3A_415 = arith.constant 64 : index
        %parallel_loop3A_416 = tpu.vector_load %arg6[%parallel_loop3A_413, %parallel_loop3A_414, %parallel_loop3A_415] {strides = array<i32>} : memref<4x100x128xf32, #tpu.memory_space<vmem>>, vector<1x1x16xf32>,
        %parallel_loop3A_417 = vector.shape_cast %parallel_loop3A_416 : vector<1x1x16xf32> to vector<16xf32>
        %parallel_loop3A_418 = arith.constant 11.3137083 : f32
        %parallel_loop3A_419 = vector.broadcast %parallel_loop3A_418 : f32 to vector<16xf32>
        %parallel_loop3A_420 = arith.mulf %parallel_loop3A_417, %parallel_loop3A_419 : vector<16xf32>
        %parallel_loop3A_421 = arith.constant 0 : i32
        %parallel_loop3A_422 = arith.constant 2 : i32
        %parallel_loop3A_423 = arith.index_cast %parallel_loop3A_421 : i32 to index
        %parallel_loop3A_424 = arith.index_cast %parallel_loop3A_422 : i32 to index
        %parallel_loop3A_425 = arith.index_cast %parallel_loop3A_259 : i32 to index
        %parallel_loop3A_426 = arith.constant 64 : index
        %parallel_loop3A_427 = tpu.vector_load %arg7[%parallel_loop3A_423, %parallel_loop3A_424, %parallel_loop3A_425, %parallel_loop3A_426] {strides = array<i32>} : memref<2x4x50x128xf32, #tpu.memory_space<vmem>>, vector<1x1x1x16xf32>,
        %parallel_loop3A_428 = vector.shape_cast %parallel_loop3A_427 : vector<1x1x1x16xf32> to vector<16xf32>
        %parallel_loop3A_429 = vector.shape_cast %parallel_loop3A_420 : vector<16xf32> to vector<1x1x1x16xf32>
        tpu.vector_store %arg7[%parallel_loop3A_423, %parallel_loop3A_424, %parallel_loop3A_425, %parallel_loop3A_426], %parallel_loop3A_429 {strides = array<i32>} : memref<2x4x50x128xf32, #tpu.memory_space<vmem>>, vector<1x1x1x16xf32>,
        %parallel_loop3A_430 = arith.constant 50 : i32
        %parallel_loop3A_431 = arith.addi %parallel_loop3A_430, %parallel_loop3A_259 : i32
        %parallel_loop3A_432 = arith.constant 1 : i32
        %parallel_loop3A_433 = arith.index_cast %parallel_loop3A_432 : i32 to index
        %parallel_loop3A_434 = arith.index_cast %parallel_loop3A_431 : i32 to index
        %parallel_loop3A_435 = arith.constant 64 : index
        %parallel_loop3A_436 = tpu.vector_load %arg6[%parallel_loop3A_433, %parallel_loop3A_434, %parallel_loop3A_435] {strides = array<i32>} : memref<4x100x128xf32, #tpu.memory_space<vmem>>, vector<1x1x16xf32>,
        %parallel_loop3A_437 = vector.shape_cast %parallel_loop3A_436 : vector<1x1x16xf32> to vector<16xf32>
        %parallel_loop3A_438 = arith.constant 11.3137083 : f32
        %parallel_loop3A_439 = vector.broadcast %parallel_loop3A_438 : f32 to vector<16xf32>
        %parallel_loop3A_440 = arith.mulf %parallel_loop3A_437, %parallel_loop3A_439 : vector<16xf32>
        %parallel_loop3A_441 = arith.constant 0 : i32
        %parallel_loop3A_442 = arith.constant 3 : i32
        %parallel_loop3A_443 = arith.index_cast %parallel_loop3A_441 : i32 to index
        %parallel_loop3A_444 = arith.index_cast %parallel_loop3A_442 : i32 to index
        %parallel_loop3A_445 = arith.index_cast %parallel_loop3A_259 : i32 to index
        %parallel_loop3A_446 = arith.constant 64 : index
        %parallel_loop3A_447 = tpu.vector_load %arg7[%parallel_loop3A_443, %parallel_loop3A_444, %parallel_loop3A_445, %parallel_loop3A_446] {strides = array<i32>} : memref<2x4x50x128xf32, #tpu.memory_space<vmem>>, vector<1x1x1x16xf32>,
        %parallel_loop3A_448 = vector.shape_cast %parallel_loop3A_447 : vector<1x1x1x16xf32> to vector<16xf32>
        %parallel_loop3A_449 = vector.shape_cast %parallel_loop3A_440 : vector<16xf32> to vector<1x1x1x16xf32>
        tpu.vector_store %arg7[%parallel_loop3A_443, %parallel_loop3A_444, %parallel_loop3A_445, %parallel_loop3A_446], %parallel_loop3A_449 {strides = array<i32>} : memref<2x4x50x128xf32, #tpu.memory_space<vmem>>, vector<1x1x1x16xf32>,
        %parallel_loop3A_450 = arith.constant 1 : i32
        %parallel_loop3A_451 = arith.index_cast %parallel_loop3A_450 : i32 to index
        %parallel_loop3A_452 = arith.index_cast %parallel_loop3A_259 : i32 to index
        %parallel_loop3A_453 = arith.constant 80 : index
        %parallel_loop3A_454 = tpu.vector_load %arg6[%parallel_loop3A_451, %parallel_loop3A_452, %parallel_loop3A_453] {strides = array<i32>} : memref<4x100x128xf32, #tpu.memory_space<vmem>>, vector<1x1x16xf32>,
        %parallel_loop3A_455 = vector.shape_cast %parallel_loop3A_454 : vector<1x1x16xf32> to vector<16xf32>
        %parallel_loop3A_456 = arith.constant 11.3137083 : f32
        %parallel_loop3A_457 = vector.broadcast %parallel_loop3A_456 : f32 to vector<16xf32>
        %parallel_loop3A_458 = arith.mulf %parallel_loop3A_455, %parallel_loop3A_457 : vector<16xf32>
        %parallel_loop3A_459 = arith.constant 0 : i32
        %parallel_loop3A_460 = arith.constant 2 : i32
        %parallel_loop3A_461 = arith.index_cast %parallel_loop3A_459 : i32 to index
        %parallel_loop3A_462 = arith.index_cast %parallel_loop3A_460 : i32 to index
        %parallel_loop3A_463 = arith.index_cast %parallel_loop3A_259 : i32 to index
        %parallel_loop3A_464 = arith.constant 80 : index
        %parallel_loop3A_465 = tpu.vector_load %arg7[%parallel_loop3A_461, %parallel_loop3A_462, %parallel_loop3A_463, %parallel_loop3A_464] {strides = array<i32>} : memref<2x4x50x128xf32, #tpu.memory_space<vmem>>, vector<1x1x1x16xf32>,
        %parallel_loop3A_466 = vector.shape_cast %parallel_loop3A_465 : vector<1x1x1x16xf32> to vector<16xf32>
        %parallel_loop3A_467 = vector.shape_cast %parallel_loop3A_458 : vector<16xf32> to vector<1x1x1x16xf32>
        tpu.vector_store %arg7[%parallel_loop3A_461, %parallel_loop3A_462, %parallel_loop3A_463, %parallel_loop3A_464], %parallel_loop3A_467 {strides = array<i32>} : memref<2x4x50x128xf32, #tpu.memory_space<vmem>>, vector<1x1x1x16xf32>,
        %parallel_loop3A_468 = arith.constant 50 : i32
        %parallel_loop3A_469 = arith.addi %parallel_loop3A_468, %parallel_loop3A_259 : i32
        %parallel_loop3A_470 = arith.constant 1 : i32
        %parallel_loop3A_471 = arith.index_cast %parallel_loop3A_470 : i32 to index
        %parallel_loop3A_472 = arith.index_cast %parallel_loop3A_469 : i32 to index
        %parallel_loop3A_473 = arith.constant 80 : index
        %parallel_loop3A_474 = tpu.vector_load %arg6[%parallel_loop3A_471, %parallel_loop3A_472, %parallel_loop3A_473] {strides = array<i32>} : memref<4x100x128xf32, #tpu.memory_space<vmem>>, vector<1x1x16xf32>,
        %parallel_loop3A_475 = vector.shape_cast %parallel_loop3A_474 : vector<1x1x16xf32> to vector<16xf32>
        %parallel_loop3A_476 = arith.constant 11.3137083 : f32
        %parallel_loop3A_477 = vector.broadcast %parallel_loop3A_476 : f32 to vector<16xf32>
        %parallel_loop3A_478 = arith.mulf %parallel_loop3A_475, %parallel_loop3A_477 : vector<16xf32>
        %parallel_loop3A_479 = arith.constant 0 : i32
        %parallel_loop3A_480 = arith.constant 3 : i32
        %parallel_loop3A_481 = arith.index_cast %parallel_loop3A_479 : i32 to index
        %parallel_loop3A_482 = arith.index_cast %parallel_loop3A_480 : i32 to index
        %parallel_loop3A_483 = arith.index_cast %parallel_loop3A_259 : i32 to index
        %parallel_loop3A_484 = arith.constant 80 : index
        %parallel_loop3A_485 = tpu.vector_load %arg7[%parallel_loop3A_481, %parallel_loop3A_482, %parallel_loop3A_483, %parallel_loop3A_484] {strides = array<i32>} : memref<2x4x50x128xf32, #tpu.memory_space<vmem>>, vector<1x1x1x16xf32>,
        %parallel_loop3A_486 = vector.shape_cast %parallel_loop3A_485 : vector<1x1x1x16xf32> to vector<16xf32>
        %parallel_loop3A_487 = vector.shape_cast %parallel_loop3A_478 : vector<16xf32> to vector<1x1x1x16xf32>
        tpu.vector_store %arg7[%parallel_loop3A_481, %parallel_loop3A_482, %parallel_loop3A_483, %parallel_loop3A_484], %parallel_loop3A_487 {strides = array<i32>} : memref<2x4x50x128xf32, #tpu.memory_space<vmem>>, vector<1x1x1x16xf32>,
        %parallel_loop3A_488 = arith.constant 1 : i32
        %parallel_loop3A_489 = arith.index_cast %parallel_loop3A_488 : i32 to index
        %parallel_loop3A_490 = arith.index_cast %parallel_loop3A_259 : i32 to index
        %parallel_loop3A_491 = arith.constant 96 : index
        %parallel_loop3A_492 = tpu.vector_load %arg6[%parallel_loop3A_489, %parallel_loop3A_490, %parallel_loop3A_491] {strides = array<i32>} : memref<4x100x128xf32, #tpu.memory_space<vmem>>, vector<1x1x16xf32>,
        %parallel_loop3A_493 = vector.shape_cast %parallel_loop3A_492 : vector<1x1x16xf32> to vector<16xf32>
        %parallel_loop3A_494 = arith.constant 11.3137083 : f32
        %parallel_loop3A_495 = vector.broadcast %parallel_loop3A_494 : f32 to vector<16xf32>
        %parallel_loop3A_496 = arith.mulf %parallel_loop3A_493, %parallel_loop3A_495 : vector<16xf32>
        %parallel_loop3A_497 = arith.constant 0 : i32
        %parallel_loop3A_498 = arith.constant 2 : i32
        %parallel_loop3A_499 = arith.index_cast %parallel_loop3A_497 : i32 to index
        %parallel_loop3A_500 = arith.index_cast %parallel_loop3A_498 : i32 to index
        %parallel_loop3A_501 = arith.index_cast %parallel_loop3A_259 : i32 to index
        %parallel_loop3A_502 = arith.constant 96 : index
        %parallel_loop3A_503 = tpu.vector_load %arg7[%parallel_loop3A_499, %parallel_loop3A_500, %parallel_loop3A_501, %parallel_loop3A_502] {strides = array<i32>} : memref<2x4x50x128xf32, #tpu.memory_space<vmem>>, vector<1x1x1x16xf32>,
        %parallel_loop3A_504 = vector.shape_cast %parallel_loop3A_503 : vector<1x1x1x16xf32> to vector<16xf32>
        %parallel_loop3A_505 = vector.shape_cast %parallel_loop3A_496 : vector<16xf32> to vector<1x1x1x16xf32>
        tpu.vector_store %arg7[%parallel_loop3A_499, %parallel_loop3A_500, %parallel_loop3A_501, %parallel_loop3A_502], %parallel_loop3A_505 {strides = array<i32>} : memref<2x4x50x128xf32, #tpu.memory_space<vmem>>, vector<1x1x1x16xf32>,
        %parallel_loop3A_506 = arith.constant 50 : i32
        %parallel_loop3A_507 = arith.addi %parallel_loop3A_506, %parallel_loop3A_259 : i32
        %parallel_loop3A_508 = arith.constant 1 : i32
        %parallel_loop3A_509 = arith.index_cast %parallel_loop3A_508 : i32 to index
        %parallel_loop3A_510 = arith.index_cast %parallel_loop3A_507 : i32 to index
        %parallel_loop3A_511 = arith.constant 96 : index
        %parallel_loop3A_512 = tpu.vector_load %arg6[%parallel_loop3A_509, %parallel_loop3A_510, %parallel_loop3A_511] {strides = array<i32>} : memref<4x100x128xf32, #tpu.memory_space<vmem>>, vector<1x1x16xf32>,
        %parallel_loop3A_513 = vector.shape_cast %parallel_loop3A_512 : vector<1x1x16xf32> to vector<16xf32>
        %parallel_loop3A_514 = arith.constant 11.3137083 : f32
        %parallel_loop3A_515 = vector.broadcast %parallel_loop3A_514 : f32 to vector<16xf32>
        %parallel_loop3A_516 = arith.mulf %parallel_loop3A_513, %parallel_loop3A_515 : vector<16xf32>
        %parallel_loop3A_517 = arith.constant 0 : i32
        %parallel_loop3A_518 = arith.constant 3 : i32
        %parallel_loop3A_519 = arith.index_cast %parallel_loop3A_517 : i32 to index
        %parallel_loop3A_520 = arith.index_cast %parallel_loop3A_518 : i32 to index
        %parallel_loop3A_521 = arith.index_cast %parallel_loop3A_259 : i32 to index
        %parallel_loop3A_522 = arith.constant 96 : index
        %parallel_loop3A_523 = tpu.vector_load %arg7[%parallel_loop3A_519, %parallel_loop3A_520, %parallel_loop3A_521, %parallel_loop3A_522] {strides = array<i32>} : memref<2x4x50x128xf32, #tpu.memory_space<vmem>>, vector<1x1x1x16xf32>,
        %parallel_loop3A_524 = vector.shape_cast %parallel_loop3A_523 : vector<1x1x1x16xf32> to vector<16xf32>
        %parallel_loop3A_525 = vector.shape_cast %parallel_loop3A_516 : vector<16xf32> to vector<1x1x1x16xf32>
        tpu.vector_store %arg7[%parallel_loop3A_519, %parallel_loop3A_520, %parallel_loop3A_521, %parallel_loop3A_522], %parallel_loop3A_525 {strides = array<i32>} : memref<2x4x50x128xf32, #tpu.memory_space<vmem>>, vector<1x1x1x16xf32>,
        %parallel_loop3A_526 = arith.constant 1 : i32
        %parallel_loop3A_527 = arith.index_cast %parallel_loop3A_526 : i32 to index
        %parallel_loop3A_528 = arith.index_cast %parallel_loop3A_259 : i32 to index
        %parallel_loop3A_529 = arith.constant 112 : index
        %parallel_loop3A_530 = tpu.vector_load %arg6[%parallel_loop3A_527, %parallel_loop3A_528, %parallel_loop3A_529] {strides = array<i32>} : memref<4x100x128xf32, #tpu.memory_space<vmem>>, vector<1x1x16xf32>,
        %parallel_loop3A_531 = vector.shape_cast %parallel_loop3A_530 : vector<1x1x16xf32> to vector<16xf32>
        %parallel_loop3A_532 = arith.constant 11.3137083 : f32
        %parallel_loop3A_533 = vector.broadcast %parallel_loop3A_532 : f32 to vector<16xf32>
        %parallel_loop3A_534 = arith.mulf %parallel_loop3A_531, %parallel_loop3A_533 : vector<16xf32>
        %parallel_loop3A_535 = arith.constant 0 : i32
        %parallel_loop3A_536 = arith.constant 2 : i32
        %parallel_loop3A_537 = arith.index_cast %parallel_loop3A_535 : i32 to index
        %parallel_loop3A_538 = arith.index_cast %parallel_loop3A_536 : i32 to index
        %parallel_loop3A_539 = arith.index_cast %parallel_loop3A_259 : i32 to index
        %parallel_loop3A_540 = arith.constant 112 : index
        %parallel_loop3A_541 = tpu.vector_load %arg7[%parallel_loop3A_537, %parallel_loop3A_538, %parallel_loop3A_539, %parallel_loop3A_540] {strides = array<i32>} : memref<2x4x50x128xf32, #tpu.memory_space<vmem>>, vector<1x1x1x16xf32>,
        %parallel_loop3A_542 = vector.shape_cast %parallel_loop3A_541 : vector<1x1x1x16xf32> to vector<16xf32>
        %parallel_loop3A_543 = vector.shape_cast %parallel_loop3A_534 : vector<16xf32> to vector<1x1x1x16xf32>
        tpu.vector_store %arg7[%parallel_loop3A_537, %parallel_loop3A_538, %parallel_loop3A_539, %parallel_loop3A_540], %parallel_loop3A_543 {strides = array<i32>} : memref<2x4x50x128xf32, #tpu.memory_space<vmem>>, vector<1x1x1x16xf32>,
        %parallel_loop3A_544 = arith.constant 50 : i32
        %parallel_loop3A_545 = arith.addi %parallel_loop3A_544, %parallel_loop3A_259 : i32
        %parallel_loop3A_546 = arith.constant 1 : i32
        %parallel_loop3A_547 = arith.index_cast %parallel_loop3A_546 : i32 to index
        %parallel_loop3A_548 = arith.index_cast %parallel_loop3A_545 : i32 to index
        %parallel_loop3A_549 = arith.constant 112 : index
        %parallel_loop3A_550 = tpu.vector_load %arg6[%parallel_loop3A_547, %parallel_loop3A_548, %parallel_loop3A_549] {strides = array<i32>} : memref<4x100x128xf32, #tpu.memory_space<vmem>>, vector<1x1x16xf32>,
        %parallel_loop3A_551 = vector.shape_cast %parallel_loop3A_550 : vector<1x1x16xf32> to vector<16xf32>
        %parallel_loop3A_552 = arith.constant 11.3137083 : f32
        %parallel_loop3A_553 = vector.broadcast %parallel_loop3A_552 : f32 to vector<16xf32>
        %parallel_loop3A_554 = arith.mulf %parallel_loop3A_551, %parallel_loop3A_553 : vector<16xf32>
        %parallel_loop3A_555 = arith.constant 0 : i32
        %parallel_loop3A_556 = arith.constant 3 : i32
        %parallel_loop3A_557 = arith.index_cast %parallel_loop3A_555 : i32 to index
        %parallel_loop3A_558 = arith.index_cast %parallel_loop3A_556 : i32 to index
        %parallel_loop3A_559 = arith.index_cast %parallel_loop3A_259 : i32 to index
        %parallel_loop3A_560 = arith.constant 112 : index
        %parallel_loop3A_561 = tpu.vector_load %arg7[%parallel_loop3A_557, %parallel_loop3A_558, %parallel_loop3A_559, %parallel_loop3A_560] {strides = array<i32>} : memref<2x4x50x128xf32, #tpu.memory_space<vmem>>, vector<1x1x1x16xf32>,
        %parallel_loop3A_562 = vector.shape_cast %parallel_loop3A_561 : vector<1x1x1x16xf32> to vector<16xf32>
        %parallel_loop3A_563 = vector.shape_cast %parallel_loop3A_554 : vector<16xf32> to vector<1x1x1x16xf32>
        tpu.vector_store %arg7[%parallel_loop3A_557, %parallel_loop3A_558, %parallel_loop3A_559, %parallel_loop3A_560], %parallel_loop3A_563 {strides = array<i32>} : memref<2x4x50x128xf32, #tpu.memory_space<vmem>>, vector<1x1x1x16xf32>,
      } {sc.loop_unroll_factor = 2 : i64, sc.parallel_access}
      %mul3A_154 = arith.constant 4 : i32
      %mul3A_155 = arith.muli %add3A_101, %mul3A_154 : i32
      %add3A_156 = arith.addi %mul3A_2, %mul3A_155 : i32
      %dma_start3A_157 = arith.constant 0 : i32
      %dma_start3A_158 = arith.constant 0 : i32
      %dma_start3A_159 = arith.constant 0 : i32
      %dma_start3A_160 = arith.constant 0 : i32
      %dma_start3A_161 = arith.constant 0 : i32
      %dma_start3A_162 = tpu.memref_slice %arg7[%dma_start3A_157, %dma_start3A_159, %dma_start3A_160, %dma_start3A_161] : memref<2x4x50x128xf32, #tpu.memory_space<vmem>> -> memref<1x4x50x128xf32, #tpu.memory_space<vmem>>
      %dma_start3A_163 = tpu.memref_squeeze %dma_start3A_162 : memref<1x4x50x128xf32, #tpu.memory_space<vmem>> -> memref<4x50x128xf32, #tpu.memory_space<vmem>>
      %dma_start3A_164 = arith.constant 0 : i32
      %dma_start3A_165 = arith.constant 0 : i32
      %dma_start3A_166 = tpu.memref_slice %arg4[%add3A_156, %dma_start3A_164, %dma_start3A_165] : memref<4096x50x128xf32, #tpu.memory_space<hbm>> -> memref<4x50x128xf32, #tpu.memory_space<hbm>>
      %dma_start3A_167 = tpu.memref_slice %arg9[%dma_start3A_158] : memref<2x!tpu.dma_semaphore, #tpu.memory_space<semaphore_mem>> -> memref<1x!tpu.dma_semaphore, #tpu.memory_space<semaphore_mem>>
      %dma_start3A_168 = tpu.memref_squeeze %dma_start3A_167 : memref<1x!tpu.dma_semaphore, #tpu.memory_space<semaphore_mem>> -> memref<!tpu.dma_semaphore, #tpu.memory_space<semaphore_mem>>
      %dma_start3A_169 = arith.constant 0 : i32
      %dma_start3A_170 = arith.constant 0 : i32
      %dma_start3A_171 = tpu.memref_slice %arg4[%add3A_156, %dma_start3A_169, %dma_start3A_170] : memref<4096x50x128xf32, #tpu.memory_space<hbm>> -> memref<4x50x128xf32, #tpu.memory_space<hbm>>
      %dma_start3A_172 = arith.constant 0 : i32
      %dma_start3A_173 = arith.constant 0 : i32
      %dma_start3A_174 = arith.constant 0 : i32
      %dma_start3A_175 = tpu.memref_slice %arg7[%dma_start3A_157, %dma_start3A_172, %dma_start3A_173, %dma_start3A_174] : memref<2x4x50x128xf32, #tpu.memory_space<vmem>> -> memref<1x4x50x128xf32, #tpu.memory_space<vmem>>
      %dma_start3A_176 = tpu.memref_squeeze %dma_start3A_175 : memref<1x4x50x128xf32, #tpu.memory_space<vmem>> -> memref<4x50x128xf32, #tpu.memory_space<vmem>>
      tpu.enqueue_dma source(%dma_start3A_176 : memref<4x50x128xf32, #tpu.memory_space<vmem>>) target(%dma_start3A_171 : memref<4x50x128xf32, #tpu.memory_space<hbm>>) target_semaphore(%dma_start3A_168 : memref<!tpu.dma_semaphore, #tpu.memory_space<semaphore_mem>>)
      %add3A_177 = arith.constant 1 : i32
      %add3A_178 = arith.addi %mul3A_99, %add3A_177 : i32
      %add3A_179 = arith.constant 2 : i32
      %add3A_180 = arith.addi %mul3A_97, %add3A_179 : i32
      %ge3A_181 = arith.constant 2 : i32
      %ge3A_182 = arith.cmpi sge, %add3A_178, %ge3A_181 : i32
      %convert_element_type3A_183 = arith.extui %ge3A_182 : i1 to i32
      %cond3A_184 = arith.constant 0 : i32
      %cond3A_185 = arith.cmpi ne, %convert_element_type3A_183, %cond3A_184 : i32
      scf.if %cond3A_185 {
        %dma_wait3A_259 = arith.constant 1 : i32
        %dma_wait3A_260 = arith.constant 1 : i32
        %dma_wait3A_261 = arith.constant 0 : i32
        %dma_wait3A_262 = arith.constant 0 : i32
        %dma_wait3A_263 = arith.constant 0 : i32
        %dma_wait3A_264 = tpu.memref_slice %arg7[%dma_wait3A_259, %dma_wait3A_261, %dma_wait3A_262, %dma_wait3A_263] : memref<2x4x50x128xf32, #tpu.memory_space<vmem>> -> memref<1x4x50x128xf32, #tpu.memory_space<vmem>>
        %dma_wait3A_265 = tpu.memref_squeeze %dma_wait3A_264 : memref<1x4x50x128xf32, #tpu.memory_space<vmem>> -> memref<4x50x128xf32, #tpu.memory_space<vmem>>
        %dma_wait3A_266 = arith.constant 0 : i32
        %dma_wait3A_267 = arith.constant 0 : i32
        %dma_wait3A_268 = arith.constant 0 : i32
        %dma_wait3A_269 = tpu.memref_slice %arg4[%dma_wait3A_266, %dma_wait3A_267, %dma_wait3A_268] : memref<4096x50x128xf32, #tpu.memory_space<hbm>> -> memref<4x50x128xf32, #tpu.memory_space<hbm>>
        %dma_wait3A_270 = tpu.memref_slice %arg9[%dma_wait3A_260] : memref<2x!tpu.dma_semaphore, #tpu.memory_space<semaphore_mem>> -> memref<1x!tpu.dma_semaphore, #tpu.memory_space<semaphore_mem>>
        %dma_wait3A_271 = tpu.memref_squeeze %dma_wait3A_270 : memref<1x!tpu.dma_semaphore, #tpu.memory_space<semaphore_mem>> -> memref<!tpu.dma_semaphore, #tpu.memory_space<semaphore_mem>>
        %dma_wait3A_272 = arith.constant 0 : i32
        %dma_wait3A_273 = arith.constant 0 : i32
        %dma_wait3A_274 = arith.constant 0 : i32
        %dma_wait3A_275 = tpu.memref_slice %arg4[%dma_wait3A_272, %dma_wait3A_273, %dma_wait3A_274] : memref<4096x50x128xf32, #tpu.memory_space<hbm>> -> memref<4x50x128xf32, #tpu.memory_space<hbm>>
        %dma_wait3A_276 = arith.constant 0 : i32
        %dma_wait3A_277 = arith.constant 0 : i32
        %dma_wait3A_278 = arith.constant 0 : i32
        %dma_wait3A_279 = tpu.memref_slice %arg7[%dma_wait3A_259, %dma_wait3A_276, %dma_wait3A_277, %dma_wait3A_278] : memref<2x4x50x128xf32, #tpu.memory_space<vmem>> -> memref<1x4x50x128xf32, #tpu.memory_space<vmem>>
        %dma_wait3A_280 = tpu.memref_squeeze %dma_wait3A_279 : memref<1x4x50x128xf32, #tpu.memory_space<vmem>> -> memref<4x50x128xf32, #tpu.memory_space<vmem>>
        tpu.wait_dma2 semaphore(%dma_wait3A_271 : memref<!tpu.dma_semaphore, #tpu.memory_space<semaphore_mem>>) src(%dma_wait3A_280 : memref<4x50x128xf32, #tpu.memory_space<vmem>>) dst(%dma_wait3A_275 : memref<4x50x128xf32, #tpu.memory_space<hbm>>)
      } else {
      }
      %add3A_186 = arith.constant 3 : i32
      %add3A_187 = arith.addi %add3A_180, %add3A_186 : i32
      %lt3A_188 = arith.constant 64 : i32
      %lt3A_189 = arith.cmpi slt, %add3A_187, %lt3A_188 : i32
      %convert_element_type3A_190 = arith.extui %lt3A_189 : i1 to i32
      %cond3A_191 = arith.constant 0 : i32
      %cond3A_192 = arith.cmpi ne, %convert_element_type3A_190, %cond3A_191 : i32
      scf.if %cond3A_192 {
        %add3A_259 = arith.constant 3 : i32
        %add3A_260 = arith.addi %add3A_180, %add3A_259 : i32
        %dma_start3A_261 = arith.constant 1 : i32
        %dma_start3A_262 = arith.constant 1 : i32
        %dma_start3A_263 = arith.constant 0 : i32
        %dma_start3A_264 = arith.constant 0 : i32
        %dma_start3A_265 = tpu.memref_slice %arg6[%dma_start3A_261, %dma_start3A_263, %dma_start3A_264] : memref<4x100x128xf32, #tpu.memory_space<vmem>> -> memref<1x100x128xf32, #tpu.memory_space<vmem>>
        %dma_start3A_266 = tpu.memref_squeeze %dma_start3A_265 : memref<1x100x128xf32, #tpu.memory_space<vmem>> -> memref<100x128xf32, #tpu.memory_space<vmem>>
        %dma_start3A_267 = arith.constant 0 : i32
        %dma_start3A_268 = tpu.memref_slice %arg5[%add3A_260, %dma_start3A_267] : memref<64x104xi32, #tpu.memory_space<vmem>> -> memref<1x100xi32, #tpu.memory_space<vmem>>
        %dma_start3A_269 = tpu.memref_squeeze %dma_start3A_268 : memref<1x100xi32, #tpu.memory_space<vmem>> -> memref<100xi32, #tpu.memory_space<vmem>>
        %dma_start3A_270 = arith.constant 0 : i32
        %dma_start3A_271 = arith.constant 0 : i32
        %dma_start3A_272 = tpu.memref_slice %arg3[%dma_start3A_270, %dma_start3A_271] : memref<100000x128xf32, #tpu.memory_space<hbm>> -> memref<100000x128xf32, #tpu.memory_space<hbm>>
        %dma_start3A_273 = tpu.memref_slice %arg8[%dma_start3A_262] : memref<4x!tpu.dma_semaphore, #tpu.memory_space<semaphore_mem>> -> memref<1x!tpu.dma_semaphore, #tpu.memory_space<semaphore_mem>>
        %dma_start3A_274 = tpu.memref_squeeze %dma_start3A_273 : memref<1x!tpu.dma_semaphore, #tpu.memory_space<semaphore_mem>> -> memref<!tpu.dma_semaphore, #tpu.memory_space<semaphore_mem>>
        tpu.enqueue_indirect_dma source(%dma_start3A_272 : memref<100000x128xf32, #tpu.memory_space<hbm>>) target(%dma_start3A_266 : memref<100x128xf32, #tpu.memory_space<vmem>>) offsets(%dma_start3A_269 : memref<100xi32, #tpu.memory_space<vmem>>) semaphore(%dma_start3A_274 : memref<!tpu.dma_semaphore, #tpu.memory_space<semaphore_mem>>)
      } else {
      }
      %dma_wait3A_193 = arith.constant 2 : i32
      %dma_wait3A_194 = arith.constant 2 : i32
      %dma_wait3A_195 = arith.constant 0 : i32
      %dma_wait3A_196 = arith.constant 0 : i32
      %dma_wait3A_197 = tpu.memref_slice %arg6[%dma_wait3A_193, %dma_wait3A_195, %dma_wait3A_196] : memref<4x100x128xf32, #tpu.memory_space<vmem>> -> memref<1x100x128xf32, #tpu.memory_space<vmem>>
      %dma_wait3A_198 = tpu.memref_squeeze %dma_wait3A_197 : memref<1x100x128xf32, #tpu.memory_space<vmem>> -> memref<100x128xf32, #tpu.memory_space<vmem>>
      %dma_wait3A_199 = arith.constant 0 : i32
      %dma_wait3A_200 = tpu.memref_slice %arg5[%add3A_180, %dma_wait3A_199] : memref<64x104xi32, #tpu.memory_space<vmem>> -> memref<1x100xi32, #tpu.memory_space<vmem>>
      %dma_wait3A_201 = tpu.memref_squeeze %dma_wait3A_200 : memref<1x100xi32, #tpu.memory_space<vmem>> -> memref<100xi32, #tpu.memory_space<vmem>>
      %dma_wait3A_202 = arith.constant 0 : i32
      %dma_wait3A_203 = arith.constant 0 : i32
      %dma_wait3A_204 = tpu.memref_slice %arg3[%dma_wait3A_202, %dma_wait3A_203] : memref<100000x128xf32, #tpu.memory_space<hbm>> -> memref<100000x128xf32, #tpu.memory_space<hbm>>
      %dma_wait3A_205 = tpu.memref_slice %arg8[%dma_wait3A_194] : memref<4x!tpu.dma_semaphore, #tpu.memory_space<semaphore_mem>> -> memref<1x!tpu.dma_semaphore, #tpu.memory_space<semaphore_mem>>
      %dma_wait3A_206 = tpu.memref_squeeze %dma_wait3A_205 : memref<1x!tpu.dma_semaphore, #tpu.memory_space<semaphore_mem>> -> memref<!tpu.dma_semaphore, #tpu.memory_space<semaphore_mem>>
      tpu.wait_indirect_dma semaphore(%dma_wait3A_206 : memref<!tpu.dma_semaphore, #tpu.memory_space<semaphore_mem>>) src(%dma_wait3A_204 : memref<100000x128xf32, #tpu.memory_space<hbm>>) dst(%dma_wait3A_198 : memref<100x128xf32, #tpu.memory_space<vmem>>)
      %parallel_loop3A_207 = arith.constant 0 : i32
      %parallel_loop3A_208 = arith.constant 50 : i32
      %parallel_loop3A_209 = arith.constant 1 : i32
      scf.for %parallel_loop3A_259 = %parallel_loop3A_207 to %parallel_loop3A_208 step %parallel_loop3A_209  : i32 {
        %parallel_loop3A_260 = arith.constant 2 : i32
        %parallel_loop3A_261 = arith.index_cast %parallel_loop3A_260 : i32 to index
        %parallel_loop3A_262 = arith.index_cast %parallel_loop3A_259 : i32 to index
        %parallel_loop3A_263 = arith.constant 0 : index
        %parallel_loop3A_264 = tpu.vector_load %arg6[%parallel_loop3A_261, %parallel_loop3A_262, %parallel_loop3A_263] {strides = array<i32>} : memref<4x100x128xf32, #tpu.memory_space<vmem>>, vector<1x1x16xf32>,
        %parallel_loop3A_265 = vector.shape_cast %parallel_loop3A_264 : vector<1x1x16xf32> to vector<16xf32>
        %parallel_loop3A_266 = arith.constant 11.3137083 : f32
        %parallel_loop3A_267 = vector.broadcast %parallel_loop3A_266 : f32 to vector<16xf32>
        %parallel_loop3A_268 = arith.mulf %parallel_loop3A_265, %parallel_loop3A_267 : vector<16xf32>
        %parallel_loop3A_269 = arith.constant 1 : i32
        %parallel_loop3A_270 = arith.constant 0 : i32
        %parallel_loop3A_271 = arith.index_cast %parallel_loop3A_269 : i32 to index
        %parallel_loop3A_272 = arith.index_cast %parallel_loop3A_270 : i32 to index
        %parallel_loop3A_273 = arith.index_cast %parallel_loop3A_259 : i32 to index
        %parallel_loop3A_274 = arith.constant 0 : index
        %parallel_loop3A_275 = tpu.vector_load %arg7[%parallel_loop3A_271, %parallel_loop3A_272, %parallel_loop3A_273, %parallel_loop3A_274] {strides = array<i32>} : memref<2x4x50x128xf32, #tpu.memory_space<vmem>>, vector<1x1x1x16xf32>,
        %parallel_loop3A_276 = vector.shape_cast %parallel_loop3A_275 : vector<1x1x1x16xf32> to vector<16xf32>
        %parallel_loop3A_277 = vector.shape_cast %parallel_loop3A_268 : vector<16xf32> to vector<1x1x1x16xf32>
        tpu.vector_store %arg7[%parallel_loop3A_271, %parallel_loop3A_272, %parallel_loop3A_273, %parallel_loop3A_274], %parallel_loop3A_277 {strides = array<i32>} : memref<2x4x50x128xf32, #tpu.memory_space<vmem>>, vector<1x1x1x16xf32>,
        %parallel_loop3A_278 = arith.constant 50 : i32
        %parallel_loop3A_279 = arith.addi %parallel_loop3A_278, %parallel_loop3A_259 : i32
        %parallel_loop3A_280 = arith.constant 2 : i32
        %parallel_loop3A_281 = arith.index_cast %parallel_loop3A_280 : i32 to index
        %parallel_loop3A_282 = arith.index_cast %parallel_loop3A_279 : i32 to index
        %parallel_loop3A_283 = arith.constant 0 : index
        %parallel_loop3A_284 = tpu.vector_load %arg6[%parallel_loop3A_281, %parallel_loop3A_282, %parallel_loop3A_283] {strides = array<i32>} : memref<4x100x128xf32, #tpu.memory_space<vmem>>, vector<1x1x16xf32>,
        %parallel_loop3A_285 = vector.shape_cast %parallel_loop3A_284 : vector<1x1x16xf32> to vector<16xf32>
        %parallel_loop3A_286 = arith.constant 11.3137083 : f32
        %parallel_loop3A_287 = vector.broadcast %parallel_loop3A_286 : f32 to vector<16xf32>
        %parallel_loop3A_288 = arith.mulf %parallel_loop3A_285, %parallel_loop3A_287 : vector<16xf32>
        %parallel_loop3A_289 = arith.constant 1 : i32
        %parallel_loop3A_290 = arith.constant 1 : i32
        %parallel_loop3A_291 = arith.index_cast %parallel_loop3A_289 : i32 to index
        %parallel_loop3A_292 = arith.index_cast %parallel_loop3A_290 : i32 to index
        %parallel_loop3A_293 = arith.index_cast %parallel_loop3A_259 : i32 to index
        %parallel_loop3A_294 = arith.constant 0 : index
        %parallel_loop3A_295 = tpu.vector_load %arg7[%parallel_loop3A_291, %parallel_loop3A_292, %parallel_loop3A_293, %parallel_loop3A_294] {strides = array<i32>} : memref<2x4x50x128xf32, #tpu.memory_space<vmem>>, vector<1x1x1x16xf32>,
        %parallel_loop3A_296 = vector.shape_cast %parallel_loop3A_295 : vector<1x1x1x16xf32> to vector<16xf32>
        %parallel_loop3A_297 = vector.shape_cast %parallel_loop3A_288 : vector<16xf32> to vector<1x1x1x16xf32>
        tpu.vector_store %arg7[%parallel_loop3A_291, %parallel_loop3A_292, %parallel_loop3A_293, %parallel_loop3A_294], %parallel_loop3A_297 {strides = array<i32>} : memref<2x4x50x128xf32, #tpu.memory_space<vmem>>, vector<1x1x1x16xf32>,
        %parallel_loop3A_298 = arith.constant 2 : i32
        %parallel_loop3A_299 = arith.index_cast %parallel_loop3A_298 : i32 to index
        %parallel_loop3A_300 = arith.index_cast %parallel_loop3A_259 : i32 to index
        %parallel_loop3A_301 = arith.constant 16 : index
        %parallel_loop3A_302 = tpu.vector_load %arg6[%parallel_loop3A_299, %parallel_loop3A_300, %parallel_loop3A_301] {strides = array<i32>} : memref<4x100x128xf32, #tpu.memory_space<vmem>>, vector<1x1x16xf32>,
        %parallel_loop3A_303 = vector.shape_cast %parallel_loop3A_302 : vector<1x1x16xf32> to vector<16xf32>
        %parallel_loop3A_304 = arith.constant 11.3137083 : f32
        %parallel_loop3A_305 = vector.broadcast %parallel_loop3A_304 : f32 to vector<16xf32>
        %parallel_loop3A_306 = arith.mulf %parallel_loop3A_303, %parallel_loop3A_305 : vector<16xf32>
        %parallel_loop3A_307 = arith.constant 1 : i32
        %parallel_loop3A_308 = arith.constant 0 : i32
        %parallel_loop3A_309 = arith.index_cast %parallel_loop3A_307 : i32 to index
        %parallel_loop3A_310 = arith.index_cast %parallel_loop3A_308 : i32 to index
        %parallel_loop3A_311 = arith.index_cast %parallel_loop3A_259 : i32 to index
        %parallel_loop3A_312 = arith.constant 16 : index
        %parallel_loop3A_313 = tpu.vector_load %arg7[%parallel_loop3A_309, %parallel_loop3A_310, %parallel_loop3A_311, %parallel_loop3A_312] {strides = array<i32>} : memref<2x4x50x128xf32, #tpu.memory_space<vmem>>, vector<1x1x1x16xf32>,
        %parallel_loop3A_314 = vector.shape_cast %parallel_loop3A_313 : vector<1x1x1x16xf32> to vector<16xf32>
        %parallel_loop3A_315 = vector.shape_cast %parallel_loop3A_306 : vector<16xf32> to vector<1x1x1x16xf32>
        tpu.vector_store %arg7[%parallel_loop3A_309, %parallel_loop3A_310, %parallel_loop3A_311, %parallel_loop3A_312], %parallel_loop3A_315 {strides = array<i32>} : memref<2x4x50x128xf32, #tpu.memory_space<vmem>>, vector<1x1x1x16xf32>,
        %parallel_loop3A_316 = arith.constant 50 : i32
        %parallel_loop3A_317 = arith.addi %parallel_loop3A_316, %parallel_loop3A_259 : i32
        %parallel_loop3A_318 = arith.constant 2 : i32
        %parallel_loop3A_319 = arith.index_cast %parallel_loop3A_318 : i32 to index
        %parallel_loop3A_320 = arith.index_cast %parallel_loop3A_317 : i32 to index
        %parallel_loop3A_321 = arith.constant 16 : index
        %parallel_loop3A_322 = tpu.vector_load %arg6[%parallel_loop3A_319, %parallel_loop3A_320, %parallel_loop3A_321] {strides = array<i32>} : memref<4x100x128xf32, #tpu.memory_space<vmem>>, vector<1x1x16xf32>,
        %parallel_loop3A_323 = vector.shape_cast %parallel_loop3A_322 : vector<1x1x16xf32> to vector<16xf32>
        %parallel_loop3A_324 = arith.constant 11.3137083 : f32
        %parallel_loop3A_325 = vector.broadcast %parallel_loop3A_324 : f32 to vector<16xf32>
        %parallel_loop3A_326 = arith.mulf %parallel_loop3A_323, %parallel_loop3A_325 : vector<16xf32>
        %parallel_loop3A_327 = arith.constant 1 : i32
        %parallel_loop3A_328 = arith.constant 1 : i32
        %parallel_loop3A_329 = arith.index_cast %parallel_loop3A_327 : i32 to index
        %parallel_loop3A_330 = arith.index_cast %parallel_loop3A_328 : i32 to index
        %parallel_loop3A_331 = arith.index_cast %parallel_loop3A_259 : i32 to index
        %parallel_loop3A_332 = arith.constant 16 : index
        %parallel_loop3A_333 = tpu.vector_load %arg7[%parallel_loop3A_329, %parallel_loop3A_330, %parallel_loop3A_331, %parallel_loop3A_332] {strides = array<i32>} : memref<2x4x50x128xf32, #tpu.memory_space<vmem>>, vector<1x1x1x16xf32>,
        %parallel_loop3A_334 = vector.shape_cast %parallel_loop3A_333 : vector<1x1x1x16xf32> to vector<16xf32>
        %parallel_loop3A_335 = vector.shape_cast %parallel_loop3A_326 : vector<16xf32> to vector<1x1x1x16xf32>
        tpu.vector_store %arg7[%parallel_loop3A_329, %parallel_loop3A_330, %parallel_loop3A_331, %parallel_loop3A_332], %parallel_loop3A_335 {strides = array<i32>} : memref<2x4x50x128xf32, #tpu.memory_space<vmem>>, vector<1x1x1x16xf32>,
        %parallel_loop3A_336 = arith.constant 2 : i32
        %parallel_loop3A_337 = arith.index_cast %parallel_loop3A_336 : i32 to index
        %parallel_loop3A_338 = arith.index_cast %parallel_loop3A_259 : i32 to index
        %parallel_loop3A_339 = arith.constant 32 : index
        %parallel_loop3A_340 = tpu.vector_load %arg6[%parallel_loop3A_337, %parallel_loop3A_338, %parallel_loop3A_339] {strides = array<i32>} : memref<4x100x128xf32, #tpu.memory_space<vmem>>, vector<1x1x16xf32>,
        %parallel_loop3A_341 = vector.shape_cast %parallel_loop3A_340 : vector<1x1x16xf32> to vector<16xf32>
        %parallel_loop3A_342 = arith.constant 11.3137083 : f32
        %parallel_loop3A_343 = vector.broadcast %parallel_loop3A_342 : f32 to vector<16xf32>
        %parallel_loop3A_344 = arith.mulf %parallel_loop3A_341, %parallel_loop3A_343 : vector<16xf32>
        %parallel_loop3A_345 = arith.constant 1 : i32
        %parallel_loop3A_346 = arith.constant 0 : i32
        %parallel_loop3A_347 = arith.index_cast %parallel_loop3A_345 : i32 to index
        %parallel_loop3A_348 = arith.index_cast %parallel_loop3A_346 : i32 to index
        %parallel_loop3A_349 = arith.index_cast %parallel_loop3A_259 : i32 to index
        %parallel_loop3A_350 = arith.constant 32 : index
        %parallel_loop3A_351 = tpu.vector_load %arg7[%parallel_loop3A_347, %parallel_loop3A_348, %parallel_loop3A_349, %parallel_loop3A_350] {strides = array<i32>} : memref<2x4x50x128xf32, #tpu.memory_space<vmem>>, vector<1x1x1x16xf32>,
        %parallel_loop3A_352 = vector.shape_cast %parallel_loop3A_351 : vector<1x1x1x16xf32> to vector<16xf32>
        %parallel_loop3A_353 = vector.shape_cast %parallel_loop3A_344 : vector<16xf32> to vector<1x1x1x16xf32>
        tpu.vector_store %arg7[%parallel_loop3A_347, %parallel_loop3A_348, %parallel_loop3A_349, %parallel_loop3A_350], %parallel_loop3A_353 {strides = array<i32>} : memref<2x4x50x128xf32, #tpu.memory_space<vmem>>, vector<1x1x1x16xf32>,
        %parallel_loop3A_354 = arith.constant 50 : i32
        %parallel_loop3A_355 = arith.addi %parallel_loop3A_354, %parallel_loop3A_259 : i32
        %parallel_loop3A_356 = arith.constant 2 : i32
        %parallel_loop3A_357 = arith.index_cast %parallel_loop3A_356 : i32 to index
        %parallel_loop3A_358 = arith.index_cast %parallel_loop3A_355 : i32 to index
        %parallel_loop3A_359 = arith.constant 32 : index
        %parallel_loop3A_360 = tpu.vector_load %arg6[%parallel_loop3A_357, %parallel_loop3A_358, %parallel_loop3A_359] {strides = array<i32>} : memref<4x100x128xf32, #tpu.memory_space<vmem>>, vector<1x1x16xf32>,
        %parallel_loop3A_361 = vector.shape_cast %parallel_loop3A_360 : vector<1x1x16xf32> to vector<16xf32>
        %parallel_loop3A_362 = arith.constant 11.3137083 : f32
        %parallel_loop3A_363 = vector.broadcast %parallel_loop3A_362 : f32 to vector<16xf32>
        %parallel_loop3A_364 = arith.mulf %parallel_loop3A_361, %parallel_loop3A_363 : vector<16xf32>
        %parallel_loop3A_365 = arith.constant 1 : i32
        %parallel_loop3A_366 = arith.constant 1 : i32
        %parallel_loop3A_367 = arith.index_cast %parallel_loop3A_365 : i32 to index
        %parallel_loop3A_368 = arith.index_cast %parallel_loop3A_366 : i32 to index
        %parallel_loop3A_369 = arith.index_cast %parallel_loop3A_259 : i32 to index
        %parallel_loop3A_370 = arith.constant 32 : index
        %parallel_loop3A_371 = tpu.vector_load %arg7[%parallel_loop3A_367, %parallel_loop3A_368, %parallel_loop3A_369, %parallel_loop3A_370] {strides = array<i32>} : memref<2x4x50x128xf32, #tpu.memory_space<vmem>>, vector<1x1x1x16xf32>,
        %parallel_loop3A_372 = vector.shape_cast %parallel_loop3A_371 : vector<1x1x1x16xf32> to vector<16xf32>
        %parallel_loop3A_373 = vector.shape_cast %parallel_loop3A_364 : vector<16xf32> to vector<1x1x1x16xf32>
        tpu.vector_store %arg7[%parallel_loop3A_367, %parallel_loop3A_368, %parallel_loop3A_369, %parallel_loop3A_370], %parallel_loop3A_373 {strides = array<i32>} : memref<2x4x50x128xf32, #tpu.memory_space<vmem>>, vector<1x1x1x16xf32>,
        %parallel_loop3A_374 = arith.constant 2 : i32
        %parallel_loop3A_375 = arith.index_cast %parallel_loop3A_374 : i32 to index
        %parallel_loop3A_376 = arith.index_cast %parallel_loop3A_259 : i32 to index
        %parallel_loop3A_377 = arith.constant 48 : index
        %parallel_loop3A_378 = tpu.vector_load %arg6[%parallel_loop3A_375, %parallel_loop3A_376, %parallel_loop3A_377] {strides = array<i32>} : memref<4x100x128xf32, #tpu.memory_space<vmem>>, vector<1x1x16xf32>,
        %parallel_loop3A_379 = vector.shape_cast %parallel_loop3A_378 : vector<1x1x16xf32> to vector<16xf32>
        %parallel_loop3A_380 = arith.constant 11.3137083 : f32
        %parallel_loop3A_381 = vector.broadcast %parallel_loop3A_380 : f32 to vector<16xf32>
        %parallel_loop3A_382 = arith.mulf %parallel_loop3A_379, %parallel_loop3A_381 : vector<16xf32>
        %parallel_loop3A_383 = arith.constant 1 : i32
        %parallel_loop3A_384 = arith.constant 0 : i32
        %parallel_loop3A_385 = arith.index_cast %parallel_loop3A_383 : i32 to index
        %parallel_loop3A_386 = arith.index_cast %parallel_loop3A_384 : i32 to index
        %parallel_loop3A_387 = arith.index_cast %parallel_loop3A_259 : i32 to index
        %parallel_loop3A_388 = arith.constant 48 : index
        %parallel_loop3A_389 = tpu.vector_load %arg7[%parallel_loop3A_385, %parallel_loop3A_386, %parallel_loop3A_387, %parallel_loop3A_388] {strides = array<i32>} : memref<2x4x50x128xf32, #tpu.memory_space<vmem>>, vector<1x1x1x16xf32>,
        %parallel_loop3A_390 = vector.shape_cast %parallel_loop3A_389 : vector<1x1x1x16xf32> to vector<16xf32>
        %parallel_loop3A_391 = vector.shape_cast %parallel_loop3A_382 : vector<16xf32> to vector<1x1x1x16xf32>
        tpu.vector_store %arg7[%parallel_loop3A_385, %parallel_loop3A_386, %parallel_loop3A_387, %parallel_loop3A_388], %parallel_loop3A_391 {strides = array<i32>} : memref<2x4x50x128xf32, #tpu.memory_space<vmem>>, vector<1x1x1x16xf32>,
        %parallel_loop3A_392 = arith.constant 50 : i32
        %parallel_loop3A_393 = arith.addi %parallel_loop3A_392, %parallel_loop3A_259 : i32
        %parallel_loop3A_394 = arith.constant 2 : i32
        %parallel_loop3A_395 = arith.index_cast %parallel_loop3A_394 : i32 to index
        %parallel_loop3A_396 = arith.index_cast %parallel_loop3A_393 : i32 to index
        %parallel_loop3A_397 = arith.constant 48 : index
        %parallel_loop3A_398 = tpu.vector_load %arg6[%parallel_loop3A_395, %parallel_loop3A_396, %parallel_loop3A_397] {strides = array<i32>} : memref<4x100x128xf32, #tpu.memory_space<vmem>>, vector<1x1x16xf32>,
        %parallel_loop3A_399 = vector.shape_cast %parallel_loop3A_398 : vector<1x1x16xf32> to vector<16xf32>
        %parallel_loop3A_400 = arith.constant 11.3137083 : f32
        %parallel_loop3A_401 = vector.broadcast %parallel_loop3A_400 : f32 to vector<16xf32>
        %parallel_loop3A_402 = arith.mulf %parallel_loop3A_399, %parallel_loop3A_401 : vector<16xf32>
        %parallel_loop3A_403 = arith.constant 1 : i32
        %parallel_loop3A_404 = arith.constant 1 : i32
        %parallel_loop3A_405 = arith.index_cast %parallel_loop3A_403 : i32 to index
        %parallel_loop3A_406 = arith.index_cast %parallel_loop3A_404 : i32 to index
        %parallel_loop3A_407 = arith.index_cast %parallel_loop3A_259 : i32 to index
        %parallel_loop3A_408 = arith.constant 48 : index
        %parallel_loop3A_409 = tpu.vector_load %arg7[%parallel_loop3A_405, %parallel_loop3A_406, %parallel_loop3A_407, %parallel_loop3A_408] {strides = array<i32>} : memref<2x4x50x128xf32, #tpu.memory_space<vmem>>, vector<1x1x1x16xf32>,
        %parallel_loop3A_410 = vector.shape_cast %parallel_loop3A_409 : vector<1x1x1x16xf32> to vector<16xf32>
        %parallel_loop3A_411 = vector.shape_cast %parallel_loop3A_402 : vector<16xf32> to vector<1x1x1x16xf32>
        tpu.vector_store %arg7[%parallel_loop3A_405, %parallel_loop3A_406, %parallel_loop3A_407, %parallel_loop3A_408], %parallel_loop3A_411 {strides = array<i32>} : memref<2x4x50x128xf32, #tpu.memory_space<vmem>>, vector<1x1x1x16xf32>,
        %parallel_loop3A_412 = arith.constant 2 : i32
        %parallel_loop3A_413 = arith.index_cast %parallel_loop3A_412 : i32 to index
        %parallel_loop3A_414 = arith.index_cast %parallel_loop3A_259 : i32 to index
        %parallel_loop3A_415 = arith.constant 64 : index
        %parallel_loop3A_416 = tpu.vector_load %arg6[%parallel_loop3A_413, %parallel_loop3A_414, %parallel_loop3A_415] {strides = array<i32>} : memref<4x100x128xf32, #tpu.memory_space<vmem>>, vector<1x1x16xf32>,
        %parallel_loop3A_417 = vector.shape_cast %parallel_loop3A_416 : vector<1x1x16xf32> to vector<16xf32>
        %parallel_loop3A_418 = arith.constant 11.3137083 : f32
        %parallel_loop3A_419 = vector.broadcast %parallel_loop3A_418 : f32 to vector<16xf32>
        %parallel_loop3A_420 = arith.mulf %parallel_loop3A_417, %parallel_loop3A_419 : vector<16xf32>
        %parallel_loop3A_421 = arith.constant 1 : i32
        %parallel_loop3A_422 = arith.constant 0 : i32
        %parallel_loop3A_423 = arith.index_cast %parallel_loop3A_421 : i32 to index
        %parallel_loop3A_424 = arith.index_cast %parallel_loop3A_422 : i32 to index
        %parallel_loop3A_425 = arith.index_cast %parallel_loop3A_259 : i32 to index
        %parallel_loop3A_426 = arith.constant 64 : index
        %parallel_loop3A_427 = tpu.vector_load %arg7[%parallel_loop3A_423, %parallel_loop3A_424, %parallel_loop3A_425, %parallel_loop3A_426] {strides = array<i32>} : memref<2x4x50x128xf32, #tpu.memory_space<vmem>>, vector<1x1x1x16xf32>,
        %parallel_loop3A_428 = vector.shape_cast %parallel_loop3A_427 : vector<1x1x1x16xf32> to vector<16xf32>
        %parallel_loop3A_429 = vector.shape_cast %parallel_loop3A_420 : vector<16xf32> to vector<1x1x1x16xf32>
        tpu.vector_store %arg7[%parallel_loop3A_423, %parallel_loop3A_424, %parallel_loop3A_425, %parallel_loop3A_426], %parallel_loop3A_429 {strides = array<i32>} : memref<2x4x50x128xf32, #tpu.memory_space<vmem>>, vector<1x1x1x16xf32>,
        %parallel_loop3A_430 = arith.constant 50 : i32
        %parallel_loop3A_431 = arith.addi %parallel_loop3A_430, %parallel_loop3A_259 : i32
        %parallel_loop3A_432 = arith.constant 2 : i32
        %parallel_loop3A_433 = arith.index_cast %parallel_loop3A_432 : i32 to index
        %parallel_loop3A_434 = arith.index_cast %parallel_loop3A_431 : i32 to index
        %parallel_loop3A_435 = arith.constant 64 : index
        %parallel_loop3A_436 = tpu.vector_load %arg6[%parallel_loop3A_433, %parallel_loop3A_434, %parallel_loop3A_435] {strides = array<i32>} : memref<4x100x128xf32, #tpu.memory_space<vmem>>, vector<1x1x16xf32>,
        %parallel_loop3A_437 = vector.shape_cast %parallel_loop3A_436 : vector<1x1x16xf32> to vector<16xf32>
        %parallel_loop3A_438 = arith.constant 11.3137083 : f32
        %parallel_loop3A_439 = vector.broadcast %parallel_loop3A_438 : f32 to vector<16xf32>
        %parallel_loop3A_440 = arith.mulf %parallel_loop3A_437, %parallel_loop3A_439 : vector<16xf32>
        %parallel_loop3A_441 = arith.constant 1 : i32
        %parallel_loop3A_442 = arith.constant 1 : i32
        %parallel_loop3A_443 = arith.index_cast %parallel_loop3A_441 : i32 to index
        %parallel_loop3A_444 = arith.index_cast %parallel_loop3A_442 : i32 to index
        %parallel_loop3A_445 = arith.index_cast %parallel_loop3A_259 : i32 to index
        %parallel_loop3A_446 = arith.constant 64 : index
        %parallel_loop3A_447 = tpu.vector_load %arg7[%parallel_loop3A_443, %parallel_loop3A_444, %parallel_loop3A_445, %parallel_loop3A_446] {strides = array<i32>} : memref<2x4x50x128xf32, #tpu.memory_space<vmem>>, vector<1x1x1x16xf32>,
        %parallel_loop3A_448 = vector.shape_cast %parallel_loop3A_447 : vector<1x1x1x16xf32> to vector<16xf32>
        %parallel_loop3A_449 = vector.shape_cast %parallel_loop3A_440 : vector<16xf32> to vector<1x1x1x16xf32>
        tpu.vector_store %arg7[%parallel_loop3A_443, %parallel_loop3A_444, %parallel_loop3A_445, %parallel_loop3A_446], %parallel_loop3A_449 {strides = array<i32>} : memref<2x4x50x128xf32, #tpu.memory_space<vmem>>, vector<1x1x1x16xf32>,
        %parallel_loop3A_450 = arith.constant 2 : i32
        %parallel_loop3A_451 = arith.index_cast %parallel_loop3A_450 : i32 to index
        %parallel_loop3A_452 = arith.index_cast %parallel_loop3A_259 : i32 to index
        %parallel_loop3A_453 = arith.constant 80 : index
        %parallel_loop3A_454 = tpu.vector_load %arg6[%parallel_loop3A_451, %parallel_loop3A_452, %parallel_loop3A_453] {strides = array<i32>} : memref<4x100x128xf32, #tpu.memory_space<vmem>>, vector<1x1x16xf32>,
        %parallel_loop3A_455 = vector.shape_cast %parallel_loop3A_454 : vector<1x1x16xf32> to vector<16xf32>
        %parallel_loop3A_456 = arith.constant 11.3137083 : f32
        %parallel_loop3A_457 = vector.broadcast %parallel_loop3A_456 : f32 to vector<16xf32>
        %parallel_loop3A_458 = arith.mulf %parallel_loop3A_455, %parallel_loop3A_457 : vector<16xf32>
        %parallel_loop3A_459 = arith.constant 1 : i32
        %parallel_loop3A_460 = arith.constant 0 : i32
        %parallel_loop3A_461 = arith.index_cast %parallel_loop3A_459 : i32 to index
        %parallel_loop3A_462 = arith.index_cast %parallel_loop3A_460 : i32 to index
        %parallel_loop3A_463 = arith.index_cast %parallel_loop3A_259 : i32 to index
        %parallel_loop3A_464 = arith.constant 80 : index
        %parallel_loop3A_465 = tpu.vector_load %arg7[%parallel_loop3A_461, %parallel_loop3A_462, %parallel_loop3A_463, %parallel_loop3A_464] {strides = array<i32>} : memref<2x4x50x128xf32, #tpu.memory_space<vmem>>, vector<1x1x1x16xf32>,
        %parallel_loop3A_466 = vector.shape_cast %parallel_loop3A_465 : vector<1x1x1x16xf32> to vector<16xf32>
        %parallel_loop3A_467 = vector.shape_cast %parallel_loop3A_458 : vector<16xf32> to vector<1x1x1x16xf32>
        tpu.vector_store %arg7[%parallel_loop3A_461, %parallel_loop3A_462, %parallel_loop3A_463, %parallel_loop3A_464], %parallel_loop3A_467 {strides = array<i32>} : memref<2x4x50x128xf32, #tpu.memory_space<vmem>>, vector<1x1x1x16xf32>,
        %parallel_loop3A_468 = arith.constant 50 : i32
        %parallel_loop3A_469 = arith.addi %parallel_loop3A_468, %parallel_loop3A_259 : i32
        %parallel_loop3A_470 = arith.constant 2 : i32
        %parallel_loop3A_471 = arith.index_cast %parallel_loop3A_470 : i32 to index
        %parallel_loop3A_472 = arith.index_cast %parallel_loop3A_469 : i32 to index
        %parallel_loop3A_473 = arith.constant 80 : index
        %parallel_loop3A_474 = tpu.vector_load %arg6[%parallel_loop3A_471, %parallel_loop3A_472, %parallel_loop3A_473] {strides = array<i32>} : memref<4x100x128xf32, #tpu.memory_space<vmem>>, vector<1x1x16xf32>,
        %parallel_loop3A_475 = vector.shape_cast %parallel_loop3A_474 : vector<1x1x16xf32> to vector<16xf32>
        %parallel_loop3A_476 = arith.constant 11.3137083 : f32
        %parallel_loop3A_477 = vector.broadcast %parallel_loop3A_476 : f32 to vector<16xf32>
        %parallel_loop3A_478 = arith.mulf %parallel_loop3A_475, %parallel_loop3A_477 : vector<16xf32>
        %parallel_loop3A_479 = arith.constant 1 : i32
        %parallel_loop3A_480 = arith.constant 1 : i32
        %parallel_loop3A_481 = arith.index_cast %parallel_loop3A_479 : i32 to index
        %parallel_loop3A_482 = arith.index_cast %parallel_loop3A_480 : i32 to index
        %parallel_loop3A_483 = arith.index_cast %parallel_loop3A_259 : i32 to index
        %parallel_loop3A_484 = arith.constant 80 : index
        %parallel_loop3A_485 = tpu.vector_load %arg7[%parallel_loop3A_481, %parallel_loop3A_482, %parallel_loop3A_483, %parallel_loop3A_484] {strides = array<i32>} : memref<2x4x50x128xf32, #tpu.memory_space<vmem>>, vector<1x1x1x16xf32>,
        %parallel_loop3A_486 = vector.shape_cast %parallel_loop3A_485 : vector<1x1x1x16xf32> to vector<16xf32>
        %parallel_loop3A_487 = vector.shape_cast %parallel_loop3A_478 : vector<16xf32> to vector<1x1x1x16xf32>
        tpu.vector_store %arg7[%parallel_loop3A_481, %parallel_loop3A_482, %parallel_loop3A_483, %parallel_loop3A_484], %parallel_loop3A_487 {strides = array<i32>} : memref<2x4x50x128xf32, #tpu.memory_space<vmem>>, vector<1x1x1x16xf32>,
        %parallel_loop3A_488 = arith.constant 2 : i32
        %parallel_loop3A_489 = arith.index_cast %parallel_loop3A_488 : i32 to index
        %parallel_loop3A_490 = arith.index_cast %parallel_loop3A_259 : i32 to index
        %parallel_loop3A_491 = arith.constant 96 : index
        %parallel_loop3A_492 = tpu.vector_load %arg6[%parallel_loop3A_489, %parallel_loop3A_490, %parallel_loop3A_491] {strides = array<i32>} : memref<4x100x128xf32, #tpu.memory_space<vmem>>, vector<1x1x16xf32>,
        %parallel_loop3A_493 = vector.shape_cast %parallel_loop3A_492 : vector<1x1x16xf32> to vector<16xf32>
        %parallel_loop3A_494 = arith.constant 11.3137083 : f32
        %parallel_loop3A_495 = vector.broadcast %parallel_loop3A_494 : f32 to vector<16xf32>
        %parallel_loop3A_496 = arith.mulf %parallel_loop3A_493, %parallel_loop3A_495 : vector<16xf32>
        %parallel_loop3A_497 = arith.constant 1 : i32
        %parallel_loop3A_498 = arith.constant 0 : i32
        %parallel_loop3A_499 = arith.index_cast %parallel_loop3A_497 : i32 to index
        %parallel_loop3A_500 = arith.index_cast %parallel_loop3A_498 : i32 to index
        %parallel_loop3A_501 = arith.index_cast %parallel_loop3A_259 : i32 to index
        %parallel_loop3A_502 = arith.constant 96 : index
        %parallel_loop3A_503 = tpu.vector_load %arg7[%parallel_loop3A_499, %parallel_loop3A_500, %parallel_loop3A_501, %parallel_loop3A_502] {strides = array<i32>} : memref<2x4x50x128xf32, #tpu.memory_space<vmem>>, vector<1x1x1x16xf32>,
        %parallel_loop3A_504 = vector.shape_cast %parallel_loop3A_503 : vector<1x1x1x16xf32> to vector<16xf32>
        %parallel_loop3A_505 = vector.shape_cast %parallel_loop3A_496 : vector<16xf32> to vector<1x1x1x16xf32>
        tpu.vector_store %arg7[%parallel_loop3A_499, %parallel_loop3A_500, %parallel_loop3A_501, %parallel_loop3A_502], %parallel_loop3A_505 {strides = array<i32>} : memref<2x4x50x128xf32, #tpu.memory_space<vmem>>, vector<1x1x1x16xf32>,
        %parallel_loop3A_506 = arith.constant 50 : i32
        %parallel_loop3A_507 = arith.addi %parallel_loop3A_506, %parallel_loop3A_259 : i32
        %parallel_loop3A_508 = arith.constant 2 : i32
        %parallel_loop3A_509 = arith.index_cast %parallel_loop3A_508 : i32 to index
        %parallel_loop3A_510 = arith.index_cast %parallel_loop3A_507 : i32 to index
        %parallel_loop3A_511 = arith.constant 96 : index
        %parallel_loop3A_512 = tpu.vector_load %arg6[%parallel_loop3A_509, %parallel_loop3A_510, %parallel_loop3A_511] {strides = array<i32>} : memref<4x100x128xf32, #tpu.memory_space<vmem>>, vector<1x1x16xf32>,
        %parallel_loop3A_513 = vector.shape_cast %parallel_loop3A_512 : vector<1x1x16xf32> to vector<16xf32>
        %parallel_loop3A_514 = arith.constant 11.3137083 : f32
        %parallel_loop3A_515 = vector.broadcast %parallel_loop3A_514 : f32 to vector<16xf32>
        %parallel_loop3A_516 = arith.mulf %parallel_loop3A_513, %parallel_loop3A_515 : vector<16xf32>
        %parallel_loop3A_517 = arith.constant 1 : i32
        %parallel_loop3A_518 = arith.constant 1 : i32
        %parallel_loop3A_519 = arith.index_cast %parallel_loop3A_517 : i32 to index
        %parallel_loop3A_520 = arith.index_cast %parallel_loop3A_518 : i32 to index
        %parallel_loop3A_521 = arith.index_cast %parallel_loop3A_259 : i32 to index
        %parallel_loop3A_522 = arith.constant 96 : index
        %parallel_loop3A_523 = tpu.vector_load %arg7[%parallel_loop3A_519, %parallel_loop3A_520, %parallel_loop3A_521, %parallel_loop3A_522] {strides = array<i32>} : memref<2x4x50x128xf32, #tpu.memory_space<vmem>>, vector<1x1x1x16xf32>,
        %parallel_loop3A_524 = vector.shape_cast %parallel_loop3A_523 : vector<1x1x1x16xf32> to vector<16xf32>
        %parallel_loop3A_525 = vector.shape_cast %parallel_loop3A_516 : vector<16xf32> to vector<1x1x1x16xf32>
        tpu.vector_store %arg7[%parallel_loop3A_519, %parallel_loop3A_520, %parallel_loop3A_521, %parallel_loop3A_522], %parallel_loop3A_525 {strides = array<i32>} : memref<2x4x50x128xf32, #tpu.memory_space<vmem>>, vector<1x1x1x16xf32>,
        %parallel_loop3A_526 = arith.constant 2 : i32
        %parallel_loop3A_527 = arith.index_cast %parallel_loop3A_526 : i32 to index
        %parallel_loop3A_528 = arith.index_cast %parallel_loop3A_259 : i32 to index
        %parallel_loop3A_529 = arith.constant 112 : index
        %parallel_loop3A_530 = tpu.vector_load %arg6[%parallel_loop3A_527, %parallel_loop3A_528, %parallel_loop3A_529] {strides = array<i32>} : memref<4x100x128xf32, #tpu.memory_space<vmem>>, vector<1x1x16xf32>,
        %parallel_loop3A_531 = vector.shape_cast %parallel_loop3A_530 : vector<1x1x16xf32> to vector<16xf32>
        %parallel_loop3A_532 = arith.constant 11.3137083 : f32
        %parallel_loop3A_533 = vector.broadcast %parallel_loop3A_532 : f32 to vector<16xf32>
        %parallel_loop3A_534 = arith.mulf %parallel_loop3A_531, %parallel_loop3A_533 : vector<16xf32>
        %parallel_loop3A_535 = arith.constant 1 : i32
        %parallel_loop3A_536 = arith.constant 0 : i32
        %parallel_loop3A_537 = arith.index_cast %parallel_loop3A_535 : i32 to index
        %parallel_loop3A_538 = arith.index_cast %parallel_loop3A_536 : i32 to index
        %parallel_loop3A_539 = arith.index_cast %parallel_loop3A_259 : i32 to index
        %parallel_loop3A_540 = arith.constant 112 : index
        %parallel_loop3A_541 = tpu.vector_load %arg7[%parallel_loop3A_537, %parallel_loop3A_538, %parallel_loop3A_539, %parallel_loop3A_540] {strides = array<i32>} : memref<2x4x50x128xf32, #tpu.memory_space<vmem>>, vector<1x1x1x16xf32>,
        %parallel_loop3A_542 = vector.shape_cast %parallel_loop3A_541 : vector<1x1x1x16xf32> to vector<16xf32>
        %parallel_loop3A_543 = vector.shape_cast %parallel_loop3A_534 : vector<16xf32> to vector<1x1x1x16xf32>
        tpu.vector_store %arg7[%parallel_loop3A_537, %parallel_loop3A_538, %parallel_loop3A_539, %parallel_loop3A_540], %parallel_loop3A_543 {strides = array<i32>} : memref<2x4x50x128xf32, #tpu.memory_space<vmem>>, vector<1x1x1x16xf32>,
        %parallel_loop3A_544 = arith.constant 50 : i32
        %parallel_loop3A_545 = arith.addi %parallel_loop3A_544, %parallel_loop3A_259 : i32
        %parallel_loop3A_546 = arith.constant 2 : i32
        %parallel_loop3A_547 = arith.index_cast %parallel_loop3A_546 : i32 to index
        %parallel_loop3A_548 = arith.index_cast %parallel_loop3A_545 : i32 to index
        %parallel_loop3A_549 = arith.constant 112 : index
        %parallel_loop3A_550 = tpu.vector_load %arg6[%parallel_loop3A_547, %parallel_loop3A_548, %parallel_loop3A_549] {strides = array<i32>} : memref<4x100x128xf32, #tpu.memory_space<vmem>>, vector<1x1x16xf32>,
        %parallel_loop3A_551 = vector.shape_cast %parallel_loop3A_550 : vector<1x1x16xf32> to vector<16xf32>
        %parallel_loop3A_552 = arith.constant 11.3137083 : f32
        %parallel_loop3A_553 = vector.broadcast %parallel_loop3A_552 : f32 to vector<16xf32>
        %parallel_loop3A_554 = arith.mulf %parallel_loop3A_551, %parallel_loop3A_553 : vector<16xf32>
        %parallel_loop3A_555 = arith.constant 1 : i32
        %parallel_loop3A_556 = arith.constant 1 : i32
        %parallel_loop3A_557 = arith.index_cast %parallel_loop3A_555 : i32 to index
        %parallel_loop3A_558 = arith.index_cast %parallel_loop3A_556 : i32 to index
        %parallel_loop3A_559 = arith.index_cast %parallel_loop3A_259 : i32 to index
        %parallel_loop3A_560 = arith.constant 112 : index
        %parallel_loop3A_561 = tpu.vector_load %arg7[%parallel_loop3A_557, %parallel_loop3A_558, %parallel_loop3A_559, %parallel_loop3A_560] {strides = array<i32>} : memref<2x4x50x128xf32, #tpu.memory_space<vmem>>, vector<1x1x1x16xf32>,
        %parallel_loop3A_562 = vector.shape_cast %parallel_loop3A_561 : vector<1x1x1x16xf32> to vector<16xf32>
        %parallel_loop3A_563 = vector.shape_cast %parallel_loop3A_554 : vector<16xf32> to vector<1x1x1x16xf32>
        tpu.vector_store %arg7[%parallel_loop3A_557, %parallel_loop3A_558, %parallel_loop3A_559, %parallel_loop3A_560], %parallel_loop3A_563 {strides = array<i32>} : memref<2x4x50x128xf32, #tpu.memory_space<vmem>>, vector<1x1x1x16xf32>,
      } {sc.loop_unroll_factor = 2 : i64, sc.parallel_access}
      %add3A_210 = arith.constant 3 : i32
      %add3A_211 = arith.addi %mul3A_97, %add3A_210 : i32
      %add3A_212 = arith.constant 3 : i32
      %add3A_213 = arith.addi %add3A_211, %add3A_212 : i32
      %lt3A_214 = arith.constant 64 : i32
      %lt3A_215 = arith.cmpi slt, %add3A_213, %lt3A_214 : i32
      %convert_element_type3A_216 = arith.extui %lt3A_215 : i1 to i32
      %cond3A_217 = arith.constant 0 : i32
      %cond3A_218 = arith.cmpi ne, %convert_element_type3A_216, %cond3A_217 : i32
      scf.if %cond3A_218 {
        %add3A_259 = arith.constant 3 : i32
        %add3A_260 = arith.addi %add3A_211, %add3A_259 : i32
        %dma_start3A_261 = arith.constant 2 : i32
        %dma_start3A_262 = arith.constant 2 : i32
        %dma_start3A_263 = arith.constant 0 : i32
        %dma_start3A_264 = arith.constant 0 : i32
        %dma_start3A_265 = tpu.memref_slice %arg6[%dma_start3A_261, %dma_start3A_263, %dma_start3A_264] : memref<4x100x128xf32, #tpu.memory_space<vmem>> -> memref<1x100x128xf32, #tpu.memory_space<vmem>>
        %dma_start3A_266 = tpu.memref_squeeze %dma_start3A_265 : memref<1x100x128xf32, #tpu.memory_space<vmem>> -> memref<100x128xf32, #tpu.memory_space<vmem>>
        %dma_start3A_267 = arith.constant 0 : i32
        %dma_start3A_268 = tpu.memref_slice %arg5[%add3A_260, %dma_start3A_267] : memref<64x104xi32, #tpu.memory_space<vmem>> -> memref<1x100xi32, #tpu.memory_space<vmem>>
        %dma_start3A_269 = tpu.memref_squeeze %dma_start3A_268 : memref<1x100xi32, #tpu.memory_space<vmem>> -> memref<100xi32, #tpu.memory_space<vmem>>
        %dma_start3A_270 = arith.constant 0 : i32
        %dma_start3A_271 = arith.constant 0 : i32
        %dma_start3A_272 = tpu.memref_slice %arg3[%dma_start3A_270, %dma_start3A_271] : memref<100000x128xf32, #tpu.memory_space<hbm>> -> memref<100000x128xf32, #tpu.memory_space<hbm>>
        %dma_start3A_273 = tpu.memref_slice %arg8[%dma_start3A_262] : memref<4x!tpu.dma_semaphore, #tpu.memory_space<semaphore_mem>> -> memref<1x!tpu.dma_semaphore, #tpu.memory_space<semaphore_mem>>
        %dma_start3A_274 = tpu.memref_squeeze %dma_start3A_273 : memref<1x!tpu.dma_semaphore, #tpu.memory_space<semaphore_mem>> -> memref<!tpu.dma_semaphore, #tpu.memory_space<semaphore_mem>>
        tpu.enqueue_indirect_dma source(%dma_start3A_272 : memref<100000x128xf32, #tpu.memory_space<hbm>>) target(%dma_start3A_266 : memref<100x128xf32, #tpu.memory_space<vmem>>) offsets(%dma_start3A_269 : memref<100xi32, #tpu.memory_space<vmem>>) semaphore(%dma_start3A_274 : memref<!tpu.dma_semaphore, #tpu.memory_space<semaphore_mem>>)
      } else {
      }
      %dma_wait3A_219 = arith.constant 3 : i32
      %dma_wait3A_220 = arith.constant 3 : i32
      %dma_wait3A_221 = arith.constant 0 : i32
      %dma_wait3A_222 = arith.constant 0 : i32
      %dma_wait3A_223 = tpu.memref_slice %arg6[%dma_wait3A_219, %dma_wait3A_221, %dma_wait3A_222] : memref<4x100x128xf32, #tpu.memory_space<vmem>> -> memref<1x100x128xf32, #tpu.memory_space<vmem>>
      %dma_wait3A_224 = tpu.memref_squeeze %dma_wait3A_223 : memref<1x100x128xf32, #tpu.memory_space<vmem>> -> memref<100x128xf32, #tpu.memory_space<vmem>>
      %dma_wait3A_225 = arith.constant 0 : i32
      %dma_wait3A_226 = tpu.memref_slice %arg5[%add3A_211, %dma_wait3A_225] : memref<64x104xi32, #tpu.memory_space<vmem>> -> memref<1x100xi32, #tpu.memory_space<vmem>>
      %dma_wait3A_227 = tpu.memref_squeeze %dma_wait3A_226 : memref<1x100xi32, #tpu.memory_space<vmem>> -> memref<100xi32, #tpu.memory_space<vmem>>
      %dma_wait3A_228 = arith.constant 0 : i32
      %dma_wait3A_229 = arith.constant 0 : i32
      %dma_wait3A_230 = tpu.memref_slice %arg3[%dma_wait3A_228, %dma_wait3A_229] : memref<100000x128xf32, #tpu.memory_space<hbm>> -> memref<100000x128xf32, #tpu.memory_space<hbm>>
      %dma_wait3A_231 = tpu.memref_slice %arg8[%dma_wait3A_220] : memref<4x!tpu.dma_semaphore, #tpu.memory_space<semaphore_mem>> -> memref<1x!tpu.dma_semaphore, #tpu.memory_space<semaphore_mem>>
      %dma_wait3A_232 = tpu.memref_squeeze %dma_wait3A_231 : memref<1x!tpu.dma_semaphore, #tpu.memory_space<semaphore_mem>> -> memref<!tpu.dma_semaphore, #tpu.memory_space<semaphore_mem>>
      tpu.wait_indirect_dma semaphore(%dma_wait3A_232 : memref<!tpu.dma_semaphore, #tpu.memory_space<semaphore_mem>>) src(%dma_wait3A_230 : memref<100000x128xf32, #tpu.memory_space<hbm>>) dst(%dma_wait3A_224 : memref<100x128xf32, #tpu.memory_space<vmem>>)
      %parallel_loop3A_233 = arith.constant 0 : i32
      %parallel_loop3A_234 = arith.constant 50 : i32
      %parallel_loop3A_235 = arith.constant 1 : i32
      scf.for %parallel_loop3A_259 = %parallel_loop3A_233 to %parallel_loop3A_234 step %parallel_loop3A_235  : i32 {
        %parallel_loop3A_260 = arith.constant 3 : i32
        %parallel_loop3A_261 = arith.index_cast %parallel_loop3A_260 : i32 to index
        %parallel_loop3A_262 = arith.index_cast %parallel_loop3A_259 : i32 to index
        %parallel_loop3A_263 = arith.constant 0 : index
        %parallel_loop3A_264 = tpu.vector_load %arg6[%parallel_loop3A_261, %parallel_loop3A_262, %parallel_loop3A_263] {strides = array<i32>} : memref<4x100x128xf32, #tpu.memory_space<vmem>>, vector<1x1x16xf32>,
        %parallel_loop3A_265 = vector.shape_cast %parallel_loop3A_264 : vector<1x1x16xf32> to vector<16xf32>
        %parallel_loop3A_266 = arith.constant 11.3137083 : f32
        %parallel_loop3A_267 = vector.broadcast %parallel_loop3A_266 : f32 to vector<16xf32>
        %parallel_loop3A_268 = arith.mulf %parallel_loop3A_265, %parallel_loop3A_267 : vector<16xf32>
        %parallel_loop3A_269 = arith.constant 1 : i32
        %parallel_loop3A_270 = arith.constant 2 : i32
        %parallel_loop3A_271 = arith.index_cast %parallel_loop3A_269 : i32 to index
        %parallel_loop3A_272 = arith.index_cast %parallel_loop3A_270 : i32 to index
        %parallel_loop3A_273 = arith.index_cast %parallel_loop3A_259 : i32 to index
        %parallel_loop3A_274 = arith.constant 0 : index
        %parallel_loop3A_275 = tpu.vector_load %arg7[%parallel_loop3A_271, %parallel_loop3A_272, %parallel_loop3A_273, %parallel_loop3A_274] {strides = array<i32>} : memref<2x4x50x128xf32, #tpu.memory_space<vmem>>, vector<1x1x1x16xf32>,
        %parallel_loop3A_276 = vector.shape_cast %parallel_loop3A_275 : vector<1x1x1x16xf32> to vector<16xf32>
        %parallel_loop3A_277 = vector.shape_cast %parallel_loop3A_268 : vector<16xf32> to vector<1x1x1x16xf32>
        tpu.vector_store %arg7[%parallel_loop3A_271, %parallel_loop3A_272, %parallel_loop3A_273, %parallel_loop3A_274], %parallel_loop3A_277 {strides = array<i32>} : memref<2x4x50x128xf32, #tpu.memory_space<vmem>>, vector<1x1x1x16xf32>,
        %parallel_loop3A_278 = arith.constant 50 : i32
        %parallel_loop3A_279 = arith.addi %parallel_loop3A_278, %parallel_loop3A_259 : i32
        %parallel_loop3A_280 = arith.constant 3 : i32
        %parallel_loop3A_281 = arith.index_cast %parallel_loop3A_280 : i32 to index
        %parallel_loop3A_282 = arith.index_cast %parallel_loop3A_279 : i32 to index
        %parallel_loop3A_283 = arith.constant 0 : index
        %parallel_loop3A_284 = tpu.vector_load %arg6[%parallel_loop3A_281, %parallel_loop3A_282, %parallel_loop3A_283] {strides = array<i32>} : memref<4x100x128xf32, #tpu.memory_space<vmem>>, vector<1x1x16xf32>,
        %parallel_loop3A_285 = vector.shape_cast %parallel_loop3A_284 : vector<1x1x16xf32> to vector<16xf32>
        %parallel_loop3A_286 = arith.constant 11.3137083 : f32
        %parallel_loop3A_287 = vector.broadcast %parallel_loop3A_286 : f32 to vector<16xf32>
        %parallel_loop3A_288 = arith.mulf %parallel_loop3A_285, %parallel_loop3A_287 : vector<16xf32>
        %parallel_loop3A_289 = arith.constant 1 : i32
        %parallel_loop3A_290 = arith.constant 3 : i32
        %parallel_loop3A_291 = arith.index_cast %parallel_loop3A_289 : i32 to index
        %parallel_loop3A_292 = arith.index_cast %parallel_loop3A_290 : i32 to index
        %parallel_loop3A_293 = arith.index_cast %parallel_loop3A_259 : i32 to index
        %parallel_loop3A_294 = arith.constant 0 : index
        %parallel_loop3A_295 = tpu.vector_load %arg7[%parallel_loop3A_291, %parallel_loop3A_292, %parallel_loop3A_293, %parallel_loop3A_294] {strides = array<i32>} : memref<2x4x50x128xf32, #tpu.memory_space<vmem>>, vector<1x1x1x16xf32>,
        %parallel_loop3A_296 = vector.shape_cast %parallel_loop3A_295 : vector<1x1x1x16xf32> to vector<16xf32>
        %parallel_loop3A_297 = vector.shape_cast %parallel_loop3A_288 : vector<16xf32> to vector<1x1x1x16xf32>
        tpu.vector_store %arg7[%parallel_loop3A_291, %parallel_loop3A_292, %parallel_loop3A_293, %parallel_loop3A_294], %parallel_loop3A_297 {strides = array<i32>} : memref<2x4x50x128xf32, #tpu.memory_space<vmem>>, vector<1x1x1x16xf32>,
        %parallel_loop3A_298 = arith.constant 3 : i32
        %parallel_loop3A_299 = arith.index_cast %parallel_loop3A_298 : i32 to index
        %parallel_loop3A_300 = arith.index_cast %parallel_loop3A_259 : i32 to index
        %parallel_loop3A_301 = arith.constant 16 : index
        %parallel_loop3A_302 = tpu.vector_load %arg6[%parallel_loop3A_299, %parallel_loop3A_300, %parallel_loop3A_301] {strides = array<i32>} : memref<4x100x128xf32, #tpu.memory_space<vmem>>, vector<1x1x16xf32>,
        %parallel_loop3A_303 = vector.shape_cast %parallel_loop3A_302 : vector<1x1x16xf32> to vector<16xf32>
        %parallel_loop3A_304 = arith.constant 11.3137083 : f32
        %parallel_loop3A_305 = vector.broadcast %parallel_loop3A_304 : f32 to vector<16xf32>
        %parallel_loop3A_306 = arith.mulf %parallel_loop3A_303, %parallel_loop3A_305 : vector<16xf32>
        %parallel_loop3A_307 = arith.constant 1 : i32
        %parallel_loop3A_308 = arith.constant 2 : i32
        %parallel_loop3A_309 = arith.index_cast %parallel_loop3A_307 : i32 to index
        %parallel_loop3A_310 = arith.index_cast %parallel_loop3A_308 : i32 to index
        %parallel_loop3A_311 = arith.index_cast %parallel_loop3A_259 : i32 to index
        %parallel_loop3A_312 = arith.constant 16 : index
        %parallel_loop3A_313 = tpu.vector_load %arg7[%parallel_loop3A_309, %parallel_loop3A_310, %parallel_loop3A_311, %parallel_loop3A_312] {strides = array<i32>} : memref<2x4x50x128xf32, #tpu.memory_space<vmem>>, vector<1x1x1x16xf32>,
        %parallel_loop3A_314 = vector.shape_cast %parallel_loop3A_313 : vector<1x1x1x16xf32> to vector<16xf32>
        %parallel_loop3A_315 = vector.shape_cast %parallel_loop3A_306 : vector<16xf32> to vector<1x1x1x16xf32>
        tpu.vector_store %arg7[%parallel_loop3A_309, %parallel_loop3A_310, %parallel_loop3A_311, %parallel_loop3A_312], %parallel_loop3A_315 {strides = array<i32>} : memref<2x4x50x128xf32, #tpu.memory_space<vmem>>, vector<1x1x1x16xf32>,
        %parallel_loop3A_316 = arith.constant 50 : i32
        %parallel_loop3A_317 = arith.addi %parallel_loop3A_316, %parallel_loop3A_259 : i32
        %parallel_loop3A_318 = arith.constant 3 : i32
        %parallel_loop3A_319 = arith.index_cast %parallel_loop3A_318 : i32 to index
        %parallel_loop3A_320 = arith.index_cast %parallel_loop3A_317 : i32 to index
        %parallel_loop3A_321 = arith.constant 16 : index
        %parallel_loop3A_322 = tpu.vector_load %arg6[%parallel_loop3A_319, %parallel_loop3A_320, %parallel_loop3A_321] {strides = array<i32>} : memref<4x100x128xf32, #tpu.memory_space<vmem>>, vector<1x1x16xf32>,
        %parallel_loop3A_323 = vector.shape_cast %parallel_loop3A_322 : vector<1x1x16xf32> to vector<16xf32>
        %parallel_loop3A_324 = arith.constant 11.3137083 : f32
        %parallel_loop3A_325 = vector.broadcast %parallel_loop3A_324 : f32 to vector<16xf32>
        %parallel_loop3A_326 = arith.mulf %parallel_loop3A_323, %parallel_loop3A_325 : vector<16xf32>
        %parallel_loop3A_327 = arith.constant 1 : i32
        %parallel_loop3A_328 = arith.constant 3 : i32
        %parallel_loop3A_329 = arith.index_cast %parallel_loop3A_327 : i32 to index
        %parallel_loop3A_330 = arith.index_cast %parallel_loop3A_328 : i32 to index
        %parallel_loop3A_331 = arith.index_cast %parallel_loop3A_259 : i32 to index
        %parallel_loop3A_332 = arith.constant 16 : index
        %parallel_loop3A_333 = tpu.vector_load %arg7[%parallel_loop3A_329, %parallel_loop3A_330, %parallel_loop3A_331, %parallel_loop3A_332] {strides = array<i32>} : memref<2x4x50x128xf32, #tpu.memory_space<vmem>>, vector<1x1x1x16xf32>,
        %parallel_loop3A_334 = vector.shape_cast %parallel_loop3A_333 : vector<1x1x1x16xf32> to vector<16xf32>
        %parallel_loop3A_335 = vector.shape_cast %parallel_loop3A_326 : vector<16xf32> to vector<1x1x1x16xf32>
        tpu.vector_store %arg7[%parallel_loop3A_329, %parallel_loop3A_330, %parallel_loop3A_331, %parallel_loop3A_332], %parallel_loop3A_335 {strides = array<i32>} : memref<2x4x50x128xf32, #tpu.memory_space<vmem>>, vector<1x1x1x16xf32>,
        %parallel_loop3A_336 = arith.constant 3 : i32
        %parallel_loop3A_337 = arith.index_cast %parallel_loop3A_336 : i32 to index
        %parallel_loop3A_338 = arith.index_cast %parallel_loop3A_259 : i32 to index
        %parallel_loop3A_339 = arith.constant 32 : index
        %parallel_loop3A_340 = tpu.vector_load %arg6[%parallel_loop3A_337, %parallel_loop3A_338, %parallel_loop3A_339] {strides = array<i32>} : memref<4x100x128xf32, #tpu.memory_space<vmem>>, vector<1x1x16xf32>,
        %parallel_loop3A_341 = vector.shape_cast %parallel_loop3A_340 : vector<1x1x16xf32> to vector<16xf32>
        %parallel_loop3A_342 = arith.constant 11.3137083 : f32
        %parallel_loop3A_343 = vector.broadcast %parallel_loop3A_342 : f32 to vector<16xf32>
        %parallel_loop3A_344 = arith.mulf %parallel_loop3A_341, %parallel_loop3A_343 : vector<16xf32>
        %parallel_loop3A_345 = arith.constant 1 : i32
        %parallel_loop3A_346 = arith.constant 2 : i32
        %parallel_loop3A_347 = arith.index_cast %parallel_loop3A_345 : i32 to index
        %parallel_loop3A_348 = arith.index_cast %parallel_loop3A_346 : i32 to index
        %parallel_loop3A_349 = arith.index_cast %parallel_loop3A_259 : i32 to index
        %parallel_loop3A_350 = arith.constant 32 : index
        %parallel_loop3A_351 = tpu.vector_load %arg7[%parallel_loop3A_347, %parallel_loop3A_348, %parallel_loop3A_349, %parallel_loop3A_350] {strides = array<i32>} : memref<2x4x50x128xf32, #tpu.memory_space<vmem>>, vector<1x1x1x16xf32>,
        %parallel_loop3A_352 = vector.shape_cast %parallel_loop3A_351 : vector<1x1x1x16xf32> to vector<16xf32>
        %parallel_loop3A_353 = vector.shape_cast %parallel_loop3A_344 : vector<16xf32> to vector<1x1x1x16xf32>
        tpu.vector_store %arg7[%parallel_loop3A_347, %parallel_loop3A_348, %parallel_loop3A_349, %parallel_loop3A_350], %parallel_loop3A_353 {strides = array<i32>} : memref<2x4x50x128xf32, #tpu.memory_space<vmem>>, vector<1x1x1x16xf32>,
        %parallel_loop3A_354 = arith.constant 50 : i32
        %parallel_loop3A_355 = arith.addi %parallel_loop3A_354, %parallel_loop3A_259 : i32
        %parallel_loop3A_356 = arith.constant 3 : i32
        %parallel_loop3A_357 = arith.index_cast %parallel_loop3A_356 : i32 to index
        %parallel_loop3A_358 = arith.index_cast %parallel_loop3A_355 : i32 to index
        %parallel_loop3A_359 = arith.constant 32 : index
        %parallel_loop3A_360 = tpu.vector_load %arg6[%parallel_loop3A_357, %parallel_loop3A_358, %parallel_loop3A_359] {strides = array<i32>} : memref<4x100x128xf32, #tpu.memory_space<vmem>>, vector<1x1x16xf32>,
        %parallel_loop3A_361 = vector.shape_cast %parallel_loop3A_360 : vector<1x1x16xf32> to vector<16xf32>
        %parallel_loop3A_362 = arith.constant 11.3137083 : f32
        %parallel_loop3A_363 = vector.broadcast %parallel_loop3A_362 : f32 to vector<16xf32>
        %parallel_loop3A_364 = arith.mulf %parallel_loop3A_361, %parallel_loop3A_363 : vector<16xf32>
        %parallel_loop3A_365 = arith.constant 1 : i32
        %parallel_loop3A_366 = arith.constant 3 : i32
        %parallel_loop3A_367 = arith.index_cast %parallel_loop3A_365 : i32 to index
        %parallel_loop3A_368 = arith.index_cast %parallel_loop3A_366 : i32 to index
        %parallel_loop3A_369 = arith.index_cast %parallel_loop3A_259 : i32 to index
        %parallel_loop3A_370 = arith.constant 32 : index
        %parallel_loop3A_371 = tpu.vector_load %arg7[%parallel_loop3A_367, %parallel_loop3A_368, %parallel_loop3A_369, %parallel_loop3A_370] {strides = array<i32>} : memref<2x4x50x128xf32, #tpu.memory_space<vmem>>, vector<1x1x1x16xf32>,
        %parallel_loop3A_372 = vector.shape_cast %parallel_loop3A_371 : vector<1x1x1x16xf32> to vector<16xf32>
        %parallel_loop3A_373 = vector.shape_cast %parallel_loop3A_364 : vector<16xf32> to vector<1x1x1x16xf32>
        tpu.vector_store %arg7[%parallel_loop3A_367, %parallel_loop3A_368, %parallel_loop3A_369, %parallel_loop3A_370], %parallel_loop3A_373 {strides = array<i32>} : memref<2x4x50x128xf32, #tpu.memory_space<vmem>>, vector<1x1x1x16xf32>,
        %parallel_loop3A_374 = arith.constant 3 : i32
        %parallel_loop3A_375 = arith.index_cast %parallel_loop3A_374 : i32 to index
        %parallel_loop3A_376 = arith.index_cast %parallel_loop3A_259 : i32 to index
        %parallel_loop3A_377 = arith.constant 48 : index
        %parallel_loop3A_378 = tpu.vector_load %arg6[%parallel_loop3A_375, %parallel_loop3A_376, %parallel_loop3A_377] {strides = array<i32>} : memref<4x100x128xf32, #tpu.memory_space<vmem>>, vector<1x1x16xf32>,
        %parallel_loop3A_379 = vector.shape_cast %parallel_loop3A_378 : vector<1x1x16xf32> to vector<16xf32>
        %parallel_loop3A_380 = arith.constant 11.3137083 : f32
        %parallel_loop3A_381 = vector.broadcast %parallel_loop3A_380 : f32 to vector<16xf32>
        %parallel_loop3A_382 = arith.mulf %parallel_loop3A_379, %parallel_loop3A_381 : vector<16xf32>
        %parallel_loop3A_383 = arith.constant 1 : i32
        %parallel_loop3A_384 = arith.constant 2 : i32
        %parallel_loop3A_385 = arith.index_cast %parallel_loop3A_383 : i32 to index
        %parallel_loop3A_386 = arith.index_cast %parallel_loop3A_384 : i32 to index
        %parallel_loop3A_387 = arith.index_cast %parallel_loop3A_259 : i32 to index
        %parallel_loop3A_388 = arith.constant 48 : index
        %parallel_loop3A_389 = tpu.vector_load %arg7[%parallel_loop3A_385, %parallel_loop3A_386, %parallel_loop3A_387, %parallel_loop3A_388] {strides = array<i32>} : memref<2x4x50x128xf32, #tpu.memory_space<vmem>>, vector<1x1x1x16xf32>,
        %parallel_loop3A_390 = vector.shape_cast %parallel_loop3A_389 : vector<1x1x1x16xf32> to vector<16xf32>
        %parallel_loop3A_391 = vector.shape_cast %parallel_loop3A_382 : vector<16xf32> to vector<1x1x1x16xf32>
        tpu.vector_store %arg7[%parallel_loop3A_385, %parallel_loop3A_386, %parallel_loop3A_387, %parallel_loop3A_388], %parallel_loop3A_391 {strides = array<i32>} : memref<2x4x50x128xf32, #tpu.memory_space<vmem>>, vector<1x1x1x16xf32>,
        %parallel_loop3A_392 = arith.constant 50 : i32
        %parallel_loop3A_393 = arith.addi %parallel_loop3A_392, %parallel_loop3A_259 : i32
        %parallel_loop3A_394 = arith.constant 3 : i32
        %parallel_loop3A_395 = arith.index_cast %parallel_loop3A_394 : i32 to index
        %parallel_loop3A_396 = arith.index_cast %parallel_loop3A_393 : i32 to index
        %parallel_loop3A_397 = arith.constant 48 : index
        %parallel_loop3A_398 = tpu.vector_load %arg6[%parallel_loop3A_395, %parallel_loop3A_396, %parallel_loop3A_397] {strides = array<i32>} : memref<4x100x128xf32, #tpu.memory_space<vmem>>, vector<1x1x16xf32>,
        %parallel_loop3A_399 = vector.shape_cast %parallel_loop3A_398 : vector<1x1x16xf32> to vector<16xf32>
        %parallel_loop3A_400 = arith.constant 11.3137083 : f32
        %parallel_loop3A_401 = vector.broadcast %parallel_loop3A_400 : f32 to vector<16xf32>
        %parallel_loop3A_402 = arith.mulf %parallel_loop3A_399, %parallel_loop3A_401 : vector<16xf32>
        %parallel_loop3A_403 = arith.constant 1 : i32
        %parallel_loop3A_404 = arith.constant 3 : i32
        %parallel_loop3A_405 = arith.index_cast %parallel_loop3A_403 : i32 to index
        %parallel_loop3A_406 = arith.index_cast %parallel_loop3A_404 : i32 to index
        %parallel_loop3A_407 = arith.index_cast %parallel_loop3A_259 : i32 to index
        %parallel_loop3A_408 = arith.constant 48 : index
        %parallel_loop3A_409 = tpu.vector_load %arg7[%parallel_loop3A_405, %parallel_loop3A_406, %parallel_loop3A_407, %parallel_loop3A_408] {strides = array<i32>} : memref<2x4x50x128xf32, #tpu.memory_space<vmem>>, vector<1x1x1x16xf32>,
        %parallel_loop3A_410 = vector.shape_cast %parallel_loop3A_409 : vector<1x1x1x16xf32> to vector<16xf32>
        %parallel_loop3A_411 = vector.shape_cast %parallel_loop3A_402 : vector<16xf32> to vector<1x1x1x16xf32>
        tpu.vector_store %arg7[%parallel_loop3A_405, %parallel_loop3A_406, %parallel_loop3A_407, %parallel_loop3A_408], %parallel_loop3A_411 {strides = array<i32>} : memref<2x4x50x128xf32, #tpu.memory_space<vmem>>, vector<1x1x1x16xf32>,
        %parallel_loop3A_412 = arith.constant 3 : i32
        %parallel_loop3A_413 = arith.index_cast %parallel_loop3A_412 : i32 to index
        %parallel_loop3A_414 = arith.index_cast %parallel_loop3A_259 : i32 to index
        %parallel_loop3A_415 = arith.constant 64 : index
        %parallel_loop3A_416 = tpu.vector_load %arg6[%parallel_loop3A_413, %parallel_loop3A_414, %parallel_loop3A_415] {strides = array<i32>} : memref<4x100x128xf32, #tpu.memory_space<vmem>>, vector<1x1x16xf32>,
        %parallel_loop3A_417 = vector.shape_cast %parallel_loop3A_416 : vector<1x1x16xf32> to vector<16xf32>
        %parallel_loop3A_418 = arith.constant 11.3137083 : f32
        %parallel_loop3A_419 = vector.broadcast %parallel_loop3A_418 : f32 to vector<16xf32>
        %parallel_loop3A_420 = arith.mulf %parallel_loop3A_417, %parallel_loop3A_419 : vector<16xf32>
        %parallel_loop3A_421 = arith.constant 1 : i32
        %parallel_loop3A_422 = arith.constant 2 : i32
        %parallel_loop3A_423 = arith.index_cast %parallel_loop3A_421 : i32 to index
        %parallel_loop3A_424 = arith.index_cast %parallel_loop3A_422 : i32 to index
        %parallel_loop3A_425 = arith.index_cast %parallel_loop3A_259 : i32 to index
        %parallel_loop3A_426 = arith.constant 64 : index
        %parallel_loop3A_427 = tpu.vector_load %arg7[%parallel_loop3A_423, %parallel_loop3A_424, %parallel_loop3A_425, %parallel_loop3A_426] {strides = array<i32>} : memref<2x4x50x128xf32, #tpu.memory_space<vmem>>, vector<1x1x1x16xf32>,
        %parallel_loop3A_428 = vector.shape_cast %parallel_loop3A_427 : vector<1x1x1x16xf32> to vector<16xf32>
        %parallel_loop3A_429 = vector.shape_cast %parallel_loop3A_420 : vector<16xf32> to vector<1x1x1x16xf32>
        tpu.vector_store %arg7[%parallel_loop3A_423, %parallel_loop3A_424, %parallel_loop3A_425, %parallel_loop3A_426], %parallel_loop3A_429 {strides = array<i32>} : memref<2x4x50x128xf32, #tpu.memory_space<vmem>>, vector<1x1x1x16xf32>,
        %parallel_loop3A_430 = arith.constant 50 : i32
        %parallel_loop3A_431 = arith.addi %parallel_loop3A_430, %parallel_loop3A_259 : i32
        %parallel_loop3A_432 = arith.constant 3 : i32
        %parallel_loop3A_433 = arith.index_cast %parallel_loop3A_432 : i32 to index
        %parallel_loop3A_434 = arith.index_cast %parallel_loop3A_431 : i32 to index
        %parallel_loop3A_435 = arith.constant 64 : index
        %parallel_loop3A_436 = tpu.vector_load %arg6[%parallel_loop3A_433, %parallel_loop3A_434, %parallel_loop3A_435] {strides = array<i32>} : memref<4x100x128xf32, #tpu.memory_space<vmem>>, vector<1x1x16xf32>,
        %parallel_loop3A_437 = vector.shape_cast %parallel_loop3A_436 : vector<1x1x16xf32> to vector<16xf32>
        %parallel_loop3A_438 = arith.constant 11.3137083 : f32
        %parallel_loop3A_439 = vector.broadcast %parallel_loop3A_438 : f32 to vector<16xf32>
        %parallel_loop3A_440 = arith.mulf %parallel_loop3A_437, %parallel_loop3A_439 : vector<16xf32>
        %parallel_loop3A_441 = arith.constant 1 : i32
        %parallel_loop3A_442 = arith.constant 3 : i32
        %parallel_loop3A_443 = arith.index_cast %parallel_loop3A_441 : i32 to index
        %parallel_loop3A_444 = arith.index_cast %parallel_loop3A_442 : i32 to index
        %parallel_loop3A_445 = arith.index_cast %parallel_loop3A_259 : i32 to index
        %parallel_loop3A_446 = arith.constant 64 : index
        %parallel_loop3A_447 = tpu.vector_load %arg7[%parallel_loop3A_443, %parallel_loop3A_444, %parallel_loop3A_445, %parallel_loop3A_446] {strides = array<i32>} : memref<2x4x50x128xf32, #tpu.memory_space<vmem>>, vector<1x1x1x16xf32>,
        %parallel_loop3A_448 = vector.shape_cast %parallel_loop3A_447 : vector<1x1x1x16xf32> to vector<16xf32>
        %parallel_loop3A_449 = vector.shape_cast %parallel_loop3A_440 : vector<16xf32> to vector<1x1x1x16xf32>
        tpu.vector_store %arg7[%parallel_loop3A_443, %parallel_loop3A_444, %parallel_loop3A_445, %parallel_loop3A_446], %parallel_loop3A_449 {strides = array<i32>} : memref<2x4x50x128xf32, #tpu.memory_space<vmem>>, vector<1x1x1x16xf32>,
        %parallel_loop3A_450 = arith.constant 3 : i32
        %parallel_loop3A_451 = arith.index_cast %parallel_loop3A_450 : i32 to index
        %parallel_loop3A_452 = arith.index_cast %parallel_loop3A_259 : i32 to index
        %parallel_loop3A_453 = arith.constant 80 : index
        %parallel_loop3A_454 = tpu.vector_load %arg6[%parallel_loop3A_451, %parallel_loop3A_452, %parallel_loop3A_453] {strides = array<i32>} : memref<4x100x128xf32, #tpu.memory_space<vmem>>, vector<1x1x16xf32>,
        %parallel_loop3A_455 = vector.shape_cast %parallel_loop3A_454 : vector<1x1x16xf32> to vector<16xf32>
        %parallel_loop3A_456 = arith.constant 11.3137083 : f32
        %parallel_loop3A_457 = vector.broadcast %parallel_loop3A_456 : f32 to vector<16xf32>
        %parallel_loop3A_458 = arith.mulf %parallel_loop3A_455, %parallel_loop3A_457 : vector<16xf32>
        %parallel_loop3A_459 = arith.constant 1 : i32
        %parallel_loop3A_460 = arith.constant 2 : i32
        %parallel_loop3A_461 = arith.index_cast %parallel_loop3A_459 : i32 to index
        %parallel_loop3A_462 = arith.index_cast %parallel_loop3A_460 : i32 to index
        %parallel_loop3A_463 = arith.index_cast %parallel_loop3A_259 : i32 to index
        %parallel_loop3A_464 = arith.constant 80 : index
        %parallel_loop3A_465 = tpu.vector_load %arg7[%parallel_loop3A_461, %parallel_loop3A_462, %parallel_loop3A_463, %parallel_loop3A_464] {strides = array<i32>} : memref<2x4x50x128xf32, #tpu.memory_space<vmem>>, vector<1x1x1x16xf32>,
        %parallel_loop3A_466 = vector.shape_cast %parallel_loop3A_465 : vector<1x1x1x16xf32> to vector<16xf32>
        %parallel_loop3A_467 = vector.shape_cast %parallel_loop3A_458 : vector<16xf32> to vector<1x1x1x16xf32>
        tpu.vector_store %arg7[%parallel_loop3A_461, %parallel_loop3A_462, %parallel_loop3A_463, %parallel_loop3A_464], %parallel_loop3A_467 {strides = array<i32>} : memref<2x4x50x128xf32, #tpu.memory_space<vmem>>, vector<1x1x1x16xf32>,
        %parallel_loop3A_468 = arith.constant 50 : i32
        %parallel_loop3A_469 = arith.addi %parallel_loop3A_468, %parallel_loop3A_259 : i32
        %parallel_loop3A_470 = arith.constant 3 : i32
        %parallel_loop3A_471 = arith.index_cast %parallel_loop3A_470 : i32 to index
        %parallel_loop3A_472 = arith.index_cast %parallel_loop3A_469 : i32 to index
        %parallel_loop3A_473 = arith.constant 80 : index
        %parallel_loop3A_474 = tpu.vector_load %arg6[%parallel_loop3A_471, %parallel_loop3A_472, %parallel_loop3A_473] {strides = array<i32>} : memref<4x100x128xf32, #tpu.memory_space<vmem>>, vector<1x1x16xf32>,
        %parallel_loop3A_475 = vector.shape_cast %parallel_loop3A_474 : vector<1x1x16xf32> to vector<16xf32>
        %parallel_loop3A_476 = arith.constant 11.3137083 : f32
        %parallel_loop3A_477 = vector.broadcast %parallel_loop3A_476 : f32 to vector<16xf32>
        %parallel_loop3A_478 = arith.mulf %parallel_loop3A_475, %parallel_loop3A_477 : vector<16xf32>
        %parallel_loop3A_479 = arith.constant 1 : i32
        %parallel_loop3A_480 = arith.constant 3 : i32
        %parallel_loop3A_481 = arith.index_cast %parallel_loop3A_479 : i32 to index
        %parallel_loop3A_482 = arith.index_cast %parallel_loop3A_480 : i32 to index
        %parallel_loop3A_483 = arith.index_cast %parallel_loop3A_259 : i32 to index
        %parallel_loop3A_484 = arith.constant 80 : index
        %parallel_loop3A_485 = tpu.vector_load %arg7[%parallel_loop3A_481, %parallel_loop3A_482, %parallel_loop3A_483, %parallel_loop3A_484] {strides = array<i32>} : memref<2x4x50x128xf32, #tpu.memory_space<vmem>>, vector<1x1x1x16xf32>,
        %parallel_loop3A_486 = vector.shape_cast %parallel_loop3A_485 : vector<1x1x1x16xf32> to vector<16xf32>
        %parallel_loop3A_487 = vector.shape_cast %parallel_loop3A_478 : vector<16xf32> to vector<1x1x1x16xf32>
        tpu.vector_store %arg7[%parallel_loop3A_481, %parallel_loop3A_482, %parallel_loop3A_483, %parallel_loop3A_484], %parallel_loop3A_487 {strides = array<i32>} : memref<2x4x50x128xf32, #tpu.memory_space<vmem>>, vector<1x1x1x16xf32>,
        %parallel_loop3A_488 = arith.constant 3 : i32
        %parallel_loop3A_489 = arith.index_cast %parallel_loop3A_488 : i32 to index
        %parallel_loop3A_490 = arith.index_cast %parallel_loop3A_259 : i32 to index
        %parallel_loop3A_491 = arith.constant 96 : index
        %parallel_loop3A_492 = tpu.vector_load %arg6[%parallel_loop3A_489, %parallel_loop3A_490, %parallel_loop3A_491] {strides = array<i32>} : memref<4x100x128xf32, #tpu.memory_space<vmem>>, vector<1x1x16xf32>,
        %parallel_loop3A_493 = vector.shape_cast %parallel_loop3A_492 : vector<1x1x16xf32> to vector<16xf32>
        %parallel_loop3A_494 = arith.constant 11.3137083 : f32
        %parallel_loop3A_495 = vector.broadcast %parallel_loop3A_494 : f32 to vector<16xf32>
        %parallel_loop3A_496 = arith.mulf %parallel_loop3A_493, %parallel_loop3A_495 : vector<16xf32>
        %parallel_loop3A_497 = arith.constant 1 : i32
        %parallel_loop3A_498 = arith.constant 2 : i32
        %parallel_loop3A_499 = arith.index_cast %parallel_loop3A_497 : i32 to index
        %parallel_loop3A_500 = arith.index_cast %parallel_loop3A_498 : i32 to index
        %parallel_loop3A_501 = arith.index_cast %parallel_loop3A_259 : i32 to index
        %parallel_loop3A_502 = arith.constant 96 : index
        %parallel_loop3A_503 = tpu.vector_load %arg7[%parallel_loop3A_499, %parallel_loop3A_500, %parallel_loop3A_501, %parallel_loop3A_502] {strides = array<i32>} : memref<2x4x50x128xf32, #tpu.memory_space<vmem>>, vector<1x1x1x16xf32>,
        %parallel_loop3A_504 = vector.shape_cast %parallel_loop3A_503 : vector<1x1x1x16xf32> to vector<16xf32>
        %parallel_loop3A_505 = vector.shape_cast %parallel_loop3A_496 : vector<16xf32> to vector<1x1x1x16xf32>
        tpu.vector_store %arg7[%parallel_loop3A_499, %parallel_loop3A_500, %parallel_loop3A_501, %parallel_loop3A_502], %parallel_loop3A_505 {strides = array<i32>} : memref<2x4x50x128xf32, #tpu.memory_space<vmem>>, vector<1x1x1x16xf32>,
        %parallel_loop3A_506 = arith.constant 50 : i32
        %parallel_loop3A_507 = arith.addi %parallel_loop3A_506, %parallel_loop3A_259 : i32
        %parallel_loop3A_508 = arith.constant 3 : i32
        %parallel_loop3A_509 = arith.index_cast %parallel_loop3A_508 : i32 to index
        %parallel_loop3A_510 = arith.index_cast %parallel_loop3A_507 : i32 to index
        %parallel_loop3A_511 = arith.constant 96 : index
        %parallel_loop3A_512 = tpu.vector_load %arg6[%parallel_loop3A_509, %parallel_loop3A_510, %parallel_loop3A_511] {strides = array<i32>} : memref<4x100x128xf32, #tpu.memory_space<vmem>>, vector<1x1x16xf32>,
        %parallel_loop3A_513 = vector.shape_cast %parallel_loop3A_512 : vector<1x1x16xf32> to vector<16xf32>
        %parallel_loop3A_514 = arith.constant 11.3137083 : f32
        %parallel_loop3A_515 = vector.broadcast %parallel_loop3A_514 : f32 to vector<16xf32>
        %parallel_loop3A_516 = arith.mulf %parallel_loop3A_513, %parallel_loop3A_515 : vector<16xf32>
        %parallel_loop3A_517 = arith.constant 1 : i32
        %parallel_loop3A_518 = arith.constant 3 : i32
        %parallel_loop3A_519 = arith.index_cast %parallel_loop3A_517 : i32 to index
        %parallel_loop3A_520 = arith.index_cast %parallel_loop3A_518 : i32 to index
        %parallel_loop3A_521 = arith.index_cast %parallel_loop3A_259 : i32 to index
        %parallel_loop3A_522 = arith.constant 96 : index
        %parallel_loop3A_523 = tpu.vector_load %arg7[%parallel_loop3A_519, %parallel_loop3A_520, %parallel_loop3A_521, %parallel_loop3A_522] {strides = array<i32>} : memref<2x4x50x128xf32, #tpu.memory_space<vmem>>, vector<1x1x1x16xf32>,
        %parallel_loop3A_524 = vector.shape_cast %parallel_loop3A_523 : vector<1x1x1x16xf32> to vector<16xf32>
        %parallel_loop3A_525 = vector.shape_cast %parallel_loop3A_516 : vector<16xf32> to vector<1x1x1x16xf32>
        tpu.vector_store %arg7[%parallel_loop3A_519, %parallel_loop3A_520, %parallel_loop3A_521, %parallel_loop3A_522], %parallel_loop3A_525 {strides = array<i32>} : memref<2x4x50x128xf32, #tpu.memory_space<vmem>>, vector<1x1x1x16xf32>,
        %parallel_loop3A_526 = arith.constant 3 : i32
        %parallel_loop3A_527 = arith.index_cast %parallel_loop3A_526 : i32 to index
        %parallel_loop3A_528 = arith.index_cast %parallel_loop3A_259 : i32 to index
        %parallel_loop3A_529 = arith.constant 112 : index
        %parallel_loop3A_530 = tpu.vector_load %arg6[%parallel_loop3A_527, %parallel_loop3A_528, %parallel_loop3A_529] {strides = array<i32>} : memref<4x100x128xf32, #tpu.memory_space<vmem>>, vector<1x1x16xf32>,
        %parallel_loop3A_531 = vector.shape_cast %parallel_loop3A_530 : vector<1x1x16xf32> to vector<16xf32>
        %parallel_loop3A_532 = arith.constant 11.3137083 : f32
        %parallel_loop3A_533 = vector.broadcast %parallel_loop3A_532 : f32 to vector<16xf32>
        %parallel_loop3A_534 = arith.mulf %parallel_loop3A_531, %parallel_loop3A_533 : vector<16xf32>
        %parallel_loop3A_535 = arith.constant 1 : i32
        %parallel_loop3A_536 = arith.constant 2 : i32
        %parallel_loop3A_537 = arith.index_cast %parallel_loop3A_535 : i32 to index
        %parallel_loop3A_538 = arith.index_cast %parallel_loop3A_536 : i32 to index
        %parallel_loop3A_539 = arith.index_cast %parallel_loop3A_259 : i32 to index
        %parallel_loop3A_540 = arith.constant 112 : index
        %parallel_loop3A_541 = tpu.vector_load %arg7[%parallel_loop3A_537, %parallel_loop3A_538, %parallel_loop3A_539, %parallel_loop3A_540] {strides = array<i32>} : memref<2x4x50x128xf32, #tpu.memory_space<vmem>>, vector<1x1x1x16xf32>,
        %parallel_loop3A_542 = vector.shape_cast %parallel_loop3A_541 : vector<1x1x1x16xf32> to vector<16xf32>
        %parallel_loop3A_543 = vector.shape_cast %parallel_loop3A_534 : vector<16xf32> to vector<1x1x1x16xf32>
        tpu.vector_store %arg7[%parallel_loop3A_537, %parallel_loop3A_538, %parallel_loop3A_539, %parallel_loop3A_540], %parallel_loop3A_543 {strides = array<i32>} : memref<2x4x50x128xf32, #tpu.memory_space<vmem>>, vector<1x1x1x16xf32>,
        %parallel_loop3A_544 = arith.constant 50 : i32
        %parallel_loop3A_545 = arith.addi %parallel_loop3A_544, %parallel_loop3A_259 : i32
        %parallel_loop3A_546 = arith.constant 3 : i32
        %parallel_loop3A_547 = arith.index_cast %parallel_loop3A_546 : i32 to index
        %parallel_loop3A_548 = arith.index_cast %parallel_loop3A_545 : i32 to index
        %parallel_loop3A_549 = arith.constant 112 : index
        %parallel_loop3A_550 = tpu.vector_load %arg6[%parallel_loop3A_547, %parallel_loop3A_548, %parallel_loop3A_549] {strides = array<i32>} : memref<4x100x128xf32, #tpu.memory_space<vmem>>, vector<1x1x16xf32>,
        %parallel_loop3A_551 = vector.shape_cast %parallel_loop3A_550 : vector<1x1x16xf32> to vector<16xf32>
        %parallel_loop3A_552 = arith.constant 11.3137083 : f32
        %parallel_loop3A_553 = vector.broadcast %parallel_loop3A_552 : f32 to vector<16xf32>
        %parallel_loop3A_554 = arith.mulf %parallel_loop3A_551, %parallel_loop3A_553 : vector<16xf32>
        %parallel_loop3A_555 = arith.constant 1 : i32
        %parallel_loop3A_556 = arith.constant 3 : i32
        %parallel_loop3A_557 = arith.index_cast %parallel_loop3A_555 : i32 to index
        %parallel_loop3A_558 = arith.index_cast %parallel_loop3A_556 : i32 to index
        %parallel_loop3A_559 = arith.index_cast %parallel_loop3A_259 : i32 to index
        %parallel_loop3A_560 = arith.constant 112 : index
        %parallel_loop3A_561 = tpu.vector_load %arg7[%parallel_loop3A_557, %parallel_loop3A_558, %parallel_loop3A_559, %parallel_loop3A_560] {strides = array<i32>} : memref<2x4x50x128xf32, #tpu.memory_space<vmem>>, vector<1x1x1x16xf32>,
        %parallel_loop3A_562 = vector.shape_cast %parallel_loop3A_561 : vector<1x1x1x16xf32> to vector<16xf32>
        %parallel_loop3A_563 = vector.shape_cast %parallel_loop3A_554 : vector<16xf32> to vector<1x1x1x16xf32>
        tpu.vector_store %arg7[%parallel_loop3A_557, %parallel_loop3A_558, %parallel_loop3A_559, %parallel_loop3A_560], %parallel_loop3A_563 {strides = array<i32>} : memref<2x4x50x128xf32, #tpu.memory_space<vmem>>, vector<1x1x1x16xf32>,
      } {sc.loop_unroll_factor = 2 : i64, sc.parallel_access}
      %mul3A_236 = arith.constant 4 : i32
      %mul3A_237 = arith.muli %add3A_178, %mul3A_236 : i32
      %add3A_238 = arith.addi %mul3A_2, %mul3A_237 : i32
      %dma_start3A_239 = arith.constant 1 : i32
      %dma_start3A_240 = arith.constant 1 : i32
      %dma_start3A_241 = arith.constant 0 : i32
      %dma_start3A_242 = arith.constant 0 : i32
      %dma_start3A_243 = arith.constant 0 : i32
      %dma_start3A_244 = tpu.memref_slice %arg7[%dma_start3A_239, %dma_start3A_241, %dma_start3A_242, %dma_start3A_243] : memref<2x4x50x128xf32, #tpu.memory_space<vmem>> -> memref<1x4x50x128xf32, #tpu.memory_space<vmem>>
      %dma_start3A_245 = tpu.memref_squeeze %dma_start3A_244 : memref<1x4x50x128xf32, #tpu.memory_space<vmem>> -> memref<4x50x128xf32, #tpu.memory_space<vmem>>
      %dma_start3A_246 = arith.constant 0 : i32
      %dma_start3A_247 = arith.constant 0 : i32
      %dma_start3A_248 = tpu.memref_slice %arg4[%add3A_238, %dma_start3A_246, %dma_start3A_247] : memref<4096x50x128xf32, #tpu.memory_space<hbm>> -> memref<4x50x128xf32, #tpu.memory_space<hbm>>
      %dma_start3A_249 = tpu.memref_slice %arg9[%dma_start3A_240] : memref<2x!tpu.dma_semaphore, #tpu.memory_space<semaphore_mem>> -> memref<1x!tpu.dma_semaphore, #tpu.memory_space<semaphore_mem>>
      %dma_start3A_250 = tpu.memref_squeeze %dma_start3A_249 : memref<1x!tpu.dma_semaphore, #tpu.memory_space<semaphore_mem>> -> memref<!tpu.dma_semaphore, #tpu.memory_space<semaphore_mem>>
      %dma_start3A_251 = arith.constant 0 : i32
      %dma_start3A_252 = arith.constant 0 : i32
      %dma_start3A_253 = tpu.memref_slice %arg4[%add3A_238, %dma_start3A_251, %dma_start3A_252] : memref<4096x50x128xf32, #tpu.memory_space<hbm>> -> memref<4x50x128xf32, #tpu.memory_space<hbm>>
      %dma_start3A_254 = arith.constant 0 : i32
      %dma_start3A_255 = arith.constant 0 : i32
      %dma_start3A_256 = arith.constant 0 : i32
      %dma_start3A_257 = tpu.memref_slice %arg7[%dma_start3A_239, %dma_start3A_254, %dma_start3A_255, %dma_start3A_256] : memref<2x4x50x128xf32, #tpu.memory_space<vmem>> -> memref<1x4x50x128xf32, #tpu.memory_space<vmem>>
      %dma_start3A_258 = tpu.memref_squeeze %dma_start3A_257 : memref<1x4x50x128xf32, #tpu.memory_space<vmem>> -> memref<4x50x128xf32, #tpu.memory_space<vmem>>
      tpu.enqueue_dma source(%dma_start3A_258 : memref<4x50x128xf32, #tpu.memory_space<vmem>>) target(%dma_start3A_253 : memref<4x50x128xf32, #tpu.memory_space<hbm>>) target_semaphore(%dma_start3A_250 : memref<!tpu.dma_semaphore, #tpu.memory_space<semaphore_mem>>)
    }
    %scan3A_51 = arith.constant 16 : i32
    %dma_wait3A = arith.constant 0 : i32
    %dma_wait3A_52 = arith.constant 0 : i32
    %dma_wait3A_53 = arith.constant 0 : i32
    %dma_wait3A_54 = arith.constant 0 : i32
    %dma_wait3A_55 = arith.constant 0 : i32
    %dma_wait3A_56 = tpu.memref_slice %arg7[%dma_wait3A, %dma_wait3A_53, %dma_wait3A_54, %dma_wait3A_55] : memref<2x4x50x128xf32, #tpu.memory_space<vmem>> -> memref<1x4x50x128xf32, #tpu.memory_space<vmem>>
    %dma_wait3A_57 = tpu.memref_squeeze %dma_wait3A_56 : memref<1x4x50x128xf32, #tpu.memory_space<vmem>> -> memref<4x50x128xf32, #tpu.memory_space<vmem>>
    %dma_wait3A_58 = arith.constant 0 : i32
    %dma_wait3A_59 = arith.constant 0 : i32
    %dma_wait3A_60 = arith.constant 0 : i32
    %dma_wait3A_61 = tpu.memref_slice %arg4[%dma_wait3A_58, %dma_wait3A_59, %dma_wait3A_60] : memref<4096x50x128xf32, #tpu.memory_space<hbm>> -> memref<4x50x128xf32, #tpu.memory_space<hbm>>
    %dma_wait3A_62 = tpu.memref_slice %arg9[%dma_wait3A_52] : memref<2x!tpu.dma_semaphore, #tpu.memory_space<semaphore_mem>> -> memref<1x!tpu.dma_semaphore, #tpu.memory_space<semaphore_mem>>
    %dma_wait3A_63 = tpu.memref_squeeze %dma_wait3A_62 : memref<1x!tpu.dma_semaphore, #tpu.memory_space<semaphore_mem>> -> memref<!tpu.dma_semaphore, #tpu.memory_space<semaphore_mem>>
    %dma_wait3A_64 = arith.constant 0 : i32
    %dma_wait3A_65 = arith.constant 0 : i32
    %dma_wait3A_66 = arith.constant 0 : i32
    %dma_wait3A_67 = tpu.memref_slice %arg4[%dma_wait3A_64, %dma_wait3A_65, %dma_wait3A_66] : memref<4096x50x128xf32, #tpu.memory_space<hbm>> -> memref<4x50x128xf32, #tpu.memory_space<hbm>>
    %dma_wait3A_68 = arith.constant 0 : i32
    %dma_wait3A_69 = arith.constant 0 : i32
    %dma_wait3A_70 = arith.constant 0 : i32
    %dma_wait3A_71 = tpu.memref_slice %arg7[%dma_wait3A, %dma_wait3A_68, %dma_wait3A_69, %dma_wait3A_70] : memref<2x4x50x128xf32, #tpu.memory_space<vmem>> -> memref<1x4x50x128xf32, #tpu.memory_space<vmem>>
    %dma_wait3A_72 = tpu.memref_squeeze %dma_wait3A_71 : memref<1x4x50x128xf32, #tpu.memory_space<vmem>> -> memref<4x50x128xf32, #tpu.memory_space<vmem>>
    tpu.wait_dma2 semaphore(%dma_wait3A_63 : memref<!tpu.dma_semaphore, #tpu.memory_space<semaphore_mem>>) src(%dma_wait3A_72 : memref<4x50x128xf32, #tpu.memory_space<vmem>>) dst(%dma_wait3A_67 : memref<4x50x128xf32, #tpu.memory_space<hbm>>)
    %dma_wait3A_73 = arith.constant 1 : i32
    %dma_wait3A_74 = arith.constant 1 : i32
    %dma_wait3A_75 = arith.constant 0 : i32
    %dma_wait3A_76 = arith.constant 0 : i32
    %dma_wait3A_77 = arith.constant 0 : i32
    %dma_wait3A_78 = tpu.memref_slice %arg7[%dma_wait3A_73, %dma_wait3A_75, %dma_wait3A_76, %dma_wait3A_77] : memref<2x4x50x128xf32, #tpu.memory_space<vmem>> -> memref<1x4x50x128xf32, #tpu.memory_space<vmem>>
    %dma_wait3A_79 = tpu.memref_squeeze %dma_wait3A_78 : memref<1x4x50x128xf32, #tpu.memory_space<vmem>> -> memref<4x50x128xf32, #tpu.memory_space<vmem>>
    %dma_wait3A_80 = arith.constant 0 : i32
    %dma_wait3A_81 = arith.constant 0 : i32
    %dma_wait3A_82 = arith.constant 0 : i32
    %dma_wait3A_83 = tpu.memref_slice %arg4[%dma_wait3A_80, %dma_wait3A_81, %dma_wait3A_82] : memref<4096x50x128xf32, #tpu.memory_space<hbm>> -> memref<4x50x128xf32, #tpu.memory_space<hbm>>
    %dma_wait3A_84 = tpu.memref_slice %arg9[%dma_wait3A_74] : memref<2x!tpu.dma_semaphore, #tpu.memory_space<semaphore_mem>> -> memref<1x!tpu.dma_semaphore, #tpu.memory_space<semaphore_mem>>
    %dma_wait3A_85 = tpu.memref_squeeze %dma_wait3A_84 : memref<1x!tpu.dma_semaphore, #tpu.memory_space<semaphore_mem>> -> memref<!tpu.dma_semaphore, #tpu.memory_space<semaphore_mem>>
    %dma_wait3A_86 = arith.constant 0 : i32
    %dma_wait3A_87 = arith.constant 0 : i32
    %dma_wait3A_88 = arith.constant 0 : i32
    %dma_wait3A_89 = tpu.memref_slice %arg4[%dma_wait3A_86, %dma_wait3A_87, %dma_wait3A_88] : memref<4096x50x128xf32, #tpu.memory_space<hbm>> -> memref<4x50x128xf32, #tpu.memory_space<hbm>>
    %dma_wait3A_90 = arith.constant 0 : i32
    %dma_wait3A_91 = arith.constant 0 : i32
    %dma_wait3A_92 = arith.constant 0 : i32
    %dma_wait3A_93 = tpu.memref_slice %arg7[%dma_wait3A_73, %dma_wait3A_90, %dma_wait3A_91, %dma_wait3A_92] : memref<2x4x50x128xf32, #tpu.memory_space<vmem>> -> memref<1x4x50x128xf32, #tpu.memory_space<vmem>>
    %dma_wait3A_94 = tpu.memref_squeeze %dma_wait3A_93 : memref<1x4x50x128xf32, #tpu.memory_space<vmem>> -> memref<4x50x128xf32, #tpu.memory_space<vmem>>
    tpu.wait_dma2 semaphore(%dma_wait3A_85 : memref<!tpu.dma_semaphore, #tpu.memory_space<semaphore_mem>>) src(%dma_wait3A_94 : memref<4x50x128xf32, #tpu.memory_space<vmem>>) dst(%dma_wait3A_89 : memref<4x50x128xf32, #tpu.memory_space<hbm>>)
    return
  }
}

</mosaic_0001>

<sc_bundles>
// kernel: _lookup.3.cloned.1.call-start
scs
__scs_entry_jumppad:
0x0: {  	(pc) =	sbr.rel $0x88, $3  }
0x1: {  	(tag) =	ssettag $0x0;
	lr =	simm.s32 $0x1  }
0x2: {  	[smem:$0x3F9F] =	sst lr;
	_ =	strace $0xD0000000  }
0x3: {  	_ = 	snop  }
0x4: {  	_ = 	snop  }
0x5: {  	_ = 	snop  }
0x6: {  	_ = 	snop  }
0x7: {  	_ = 	snop  }
__scs_overlays_trampoline_lowered:
0x8: {  	[smem:$0x3FAE] =	sst s0  }
0x9: {  	[smem:$0x3FAF] =	sst s1  }
0xa: {  	[smem:$0x3FB0] =	sst s2  }
0xb: {  	[smem:$0x3FB1] =	sst s3  }
0xc: {  	[smem:$0x3FB2] =	sst s4  }
0xd: {  	[smem:$0x3FB3] =	sst s5  }
0xe: {  	[smem:$0x3FB4] =	sst s6  }
0xf: {  	[smem:$0x3FB5] =	sst s7  }
0x10: {  	[smem:$0x3FB6] =	sst s8  }
0x11: {  	[smem:$0x3FB7] =	sst s9;
	s0 =	simm.s32 @!p0 $0x0  }
0x12: {  	s1 =	sld [smem:$0x3F9D];
	s0 =	simm.s32 @p0 $0x1  }
0x13: {  	[smem:$0x3FB8] =	sst s0;
	s0 =	simm.s32 @!p1 $0x0  }
0x14: {  	s2 =	sld [smem:$0x3F9C];
	s0 =	simm.s32 @p1 $0x1  }
0x15: {  	[smem:$0x3FB9] =	sst s0;
	s0 =	simm.s32 @!p2 $0x0  }
0x16: {  	s3 =	sld [smem:$0x3FDB];
	s0 =	simm.s32 @p2 $0x1  }
0x17: {  	s4 =	simm.s32 $0x1BF5;
	[smem:$0x3FBB] =	sst s0  }
0x18: {  	s0 =	sld [smem:$0x3F9E];
	_ =	swait.ge [sflag:s4], $0x0  }
0x19: {  	s7 =	sld [smem:$0x3F9F]  }
0x1a: {  	s8 =	sadd.s32 $0xFFFFE003, lr  }
0x1b: {  	s9 =	sadd.s32 $0xFFFFFEF7, lr;
	s5 =	simm.s32 $0xFFFFFFFF;
	p2 =	slt.u32 s8, $0xFFFFF086  }
0x1c: {  	p1 =	slt.u32 s9, $0xF7A;
	s5 =	simm.s32 @!p2 $0x0  }
0x1d: {  	s5 =	simm.s32 @p1 $0x1;
	p0 =	seq.s32 s7, s2  }
0x1e: {  	s7 =	smul.u32 @!p0 $0xF7A, s2;
	p2 =	seq.s32 @!p0 s5, $0x0  }
0x1f: {  	s9 =	smul.u32 $0xF7A, s1;
	s8 =	simm.s32 @!p0 $0x1BF5;
	p2 =	por !p2, p0  }
0x20: {  	[sflag:s8] =	ssyncset.s32 @!p0 $0xFFFFF086;
	s6 =	sadd.s32 @!p0 s3, s7;
	s7 =	simm.s32 @!p0 $0x108  }
0x21: {  	s3 =	sadd.s32 s3, s9;
	s6 =	sadd.s32 @!p0 $0x88, s6;
	s7 =	simm.s32 @p2 $0x1082  }
0x22: {  	[simem:s7], [sflag:s8] =	dma.local @!p0 [hbm:s6], $0xF7A  }
0x23: {  	s9 =	sor.u32 $0xD0000000, s2;
	s6 =	simm.s32 $0x108;
	_ =	swait.ge @!p0 [sflag:s8], $0x0  }
0x24: {  	s3 =	sadd.s32 $0x88, s3;
	s6 =	simm.s32 @!p1 $0x1082;
	[sflag:s4] =	ssyncset.s32 $0xFFFFF086  }
0x25: {  	[simem:s6], [sflag:s4] =	dma.local [hbm:s3], $0xF7A  }
0x26: {  	[smem:$0x3F9F] =	sst s1;
	(tag) =	ssettag s2;
	_ =	strace s9  }
0x27: {  	s1 =	sld [smem:$0x3FAF]  }
0x28: {  	s2 =	sld [smem:$0x3FB0]  }
0x29: {  	s4 =	sld [smem:$0x3FB2]  }
0x2a: {  	p0 =	seq.s32 s5, $0x0;
	s5 =	sld [smem:$0x3FB3]  }
0x2b: {  	s6 =	sld [smem:$0x3FB4]  }
0x2c: {  	s7 =	sld [smem:$0x3FB5]  }
0x2d: {  	s3 =	simm.s32 $0x108;
	s8 =	sld [smem:$0x3FB6]  }
0x2e: {  	s3 =	simm.s32 @!p0 $0x1082;
	s9 =	sld [smem:$0x3FB7]  }
0x2f: {  	lr =	sadd.s32 s0, s3;
	s0 =	sld [smem:$0x3FAE]  }
0x30: {  	s3 =	sld [smem:$0x3FB1]  }
0x31: {  	[smem:$0x3FBA] =	sst s10  }
0x32: {  	s10 =	sld [smem:$0x3FB8];
	_ =	sdelay $0x3  }
0x33: {  	p0 =	seq.s32 s10, $0x1;
	s10 =	sld [smem:$0x3FBA];
	_ =	sdelay $0x3  }
0x34: {  	[smem:$0x3FBA] =	sst s10  }
0x35: {  	s10 =	sld [smem:$0x3FB9];
	_ =	sdelay $0x3  }
0x36: {  	p1 =	seq.s32 s10, $0x1;
	s10 =	sld [smem:$0x3FBA];
	_ =	sdelay $0x3  }
0x37: {  	[smem:$0x3FBA] =	sst s10  }
0x38: {  	s10 =	sld [smem:$0x3FBB]  }
0x39: {  	_ = 	snop;
	(pc) =	sbr.ind lr, $3  }
0x3a: {  	_ = 	snop  }
0x3b: {  	_ = 	snop  }
0x3c: {  	p2 =	seq.s32 s10, $0x1;
	s10 =	sld [smem:$0x3FBA]  }
0x3d: {  	_ =	shalt  }
0x3e: {  	_ =	shalt  }
0x3f: {  	_ =	shalt  }
0x40: {  	_ =	shalt  }
0x41: {  	_ =	shalt  }
0x42: {  	_ =	shalt  }
0x43: {  	_ =	shalt  }
0x44: {  	_ =	shalt  }
0x45: {  	_ =	shalt  }
0x46: {  	_ =	shalt  }
0x47: {  	_ =	shalt  }
0x48: {  	_ =	shalt  }
0x49: {  	_ =	shalt  }
0x4a: {  	_ =	shalt  }
0x4b: {  	_ =	shalt  }
0x4c: {  	_ =	shalt  }
0x4d: {  	_ =	shalt  }
0x4e: {  	_ =	shalt  }
0x4f: {  	_ =	shalt  }
0x50: {  	_ =	shalt  }
0x51: {  	_ =	shalt  }
0x52: {  	_ =	shalt  }
0x53: {  	_ =	shalt  }
0x54: {  	_ =	shalt  }
0x55: {  	_ =	shalt  }
0x56: {  	_ =	shalt  }
0x57: {  	_ =	shalt  }
0x58: {  	_ =	shalt  }
0x59: {  	_ =	shalt  }
0x5a: {  	_ =	shalt  }
0x5b: {  	_ =	shalt  }
0x5c: {  	_ =	shalt  }
0x5d: {  	_ =	shalt  }
0x5e: {  	_ =	shalt  }
0x5f: {  	_ =	shalt  }
0x60: {  	_ =	shalt  }
0x61: {  	_ =	shalt  }
0x62: {  	_ =	shalt  }
0x63: {  	_ =	shalt  }
0x64: {  	_ =	shalt  }
0x65: {  	_ =	shalt  }
0x66: {  	_ =	shalt  }
0x67: {  	_ =	shalt  }
0x68: {  	_ =	shalt  }
0x69: {  	_ =	shalt  }
0x6a: {  	_ =	shalt  }
0x6b: {  	_ =	shalt  }
0x6c: {  	_ =	shalt  }
0x6d: {  	_ =	shalt  }
0x6e: {  	_ =	shalt  }
0x6f: {  	_ =	shalt  }
0x70: {  	_ =	shalt  }
0x71: {  	_ =	shalt  }
0x72: {  	_ =	shalt  }
0x73: {  	_ =	shalt  }
0x74: {  	_ =	shalt  }
0x75: {  	_ =	shalt  }
0x76: {  	_ =	shalt  }
0x77: {  	_ =	shalt  }
0x78: {  	_ =	shalt  }
0x79: {  	_ =	shalt  }
0x7a: {  	_ =	shalt  }
0x7b: {  	_ =	shalt  }
0x7c: {  	_ =	shalt  }
0x7d: {  	_ =	shalt  }
0x7e: {  	_ =	shalt  }
0x7f: {  	_ =	shalt  }
0x80: {  	_ =	shalt  }
0x81: {  	_ =	shalt  }
0x82: {  	_ =	shalt  }
0x83: {  	_ =	shalt  }
0x84: {  	_ =	shalt  }
0x85: {  	_ =	shalt  }
0x86: {  	_ =	shalt  }
0x87: {  	_ =	shalt  }
.Lfunc_end0:
.L_simem_size_0:
called_computation_lowered:
.L_overlay_start_0:
0x88: {  	s2 =	sld [smem:$0x3FD9]  }
0x89: {  	s3 =	sld [smem:$0x3FFE];
	_ =	sdelay $0x1  }
0x8a: {  	s1 =	srdreg.scid  }
0x8b: {  	s0 =	sand.u32 $0x1, s1  }
0x8c: {  	s17 =	sshll.u32 s0, $0xA;
	s2 =	sadd.s32 s3, s2  }
0x8d: {  	s2 =	sadd.s32 s2, s17  }
0x8e: {  	[smem:$0x3FC6] =	sst s2  }
0x8f: {  	_ = 	snop  }
0x90: {  	s2 =	sld [smem:$0x3FC9]  }
0x91: {  	s18 =	sld [smem:$0x3FC8];
	(tm) =	ssettm $0x1  }
0x92: {  	s4 =	sld [smem:$0x3FFB];
	_ =	sdelay $0x3  }
0x93: {  	_ =	strace s4  }
0x94: {  	s4 =	sld [smem:$0x3FFC];
	_ =	sdelay $0x3  }
0x95: {  	_ =	strace s4  }
0x96: {  	s4 =	sld [smem:$0x3FFD];
	_ =	sdelay $0x3  }
0x97: {  	_ =	strace s4  }
0x98: {  	_ =	strace $0x8FFFFFFF  }
0x99: {  	s19 =	sld [smem:$0x3FDB];
	_ =	sdelay $0x1  }
0x9a: {  	s5 =	simm.s32 $_scs_section_size  }
0x9b: {  	s6 =	simm.s32 $_size__tile_overlayer_lowered;
	s7 =	simm.s32 $_tile_overlayer_lowered  }
0x9c: {  	s22 =	simm.s32 $0x1BFF;
	s21 =	sshll.u32 s7, $0x1;
	s4 =	sadd.s32 s5, s19  }
0x9d: {  	s8 =	simm.s32 $0x0;
	s20 =	sshll.u32 s6, $0x1;
	s6 =	sadd.s32 s21, s4  }
0x9e: {  	[timem:s8], [sflag:s22] =	dma.local [hbm:s6], s20  }
0x9f: {  	_ =	swait.ge [sflag:s22], s20  }
0xa0: {  	s5 =	ssub.s32 $0x0, s20;
	[sflag:s22] =	ssyncset.done $0x0  }
0xa1: {  	[sflag:s22] =	ssyncadd.s32 s5;
	_ =	sdelay $0x1  }
0xa2: {  	s23 =	simm.s32 $0x1B8B  }
0xa3: {  	_ =	swait.ge [sflag:s23], $0x1  }
0xa4: {  	[sflag:s23] =	ssyncset.done $0x0  }
0xa5: {  	s25 =	simm.s32 $0x1B8E;
	s24 =	sld [smem:$0x3FFE];
	[sflag:s23] =	ssyncadd.s32 $0xFFFFFFFF  }
0xa6: {  	s26 =	simm.s32 $execute0_lowered;
	[smem:$0x3FD2] =	sst s25  }
0xa7: {  	s6 =	sshll.u32 s26, $0x1;
	_ =	strace $0x80000046;
	[dreg:$0x1] =	wrdreg $0xFFFFFFFF  }
0xa8: {  	s28 =	simm.s32 $_size_execute0_lowered;
	s4 =	sadd.s32 s4, s6;
	[dreg:$0x0] =	wrdreg $0x0  }
0xa9: {  	s6 =	sshll.u32 s28, $0x1;
	[dreg:$0x2] =	wrdreg s4  }
0xaa: {  	[dreg:$0x3] =	wrdreg s6  }
0xab: {  	[dreg:$0x4] =	wrdreg $0xC0  }
0xac: {  	_ =	task [dreg:s8], $0x5FFFF  }
0xad: {  	[dreg:$0x1] =	wrdreg $0xFFFFFFFF  }
0xae: {  	[dreg:$0x0] =	wrdreg $0x60  }
0xaf: {  	[dreg:$0x2] =	wrdreg s2  }
0xb0: {  	[dreg:$0x3] =	wrdreg s18  }
0xb1: {  	[dreg:$0x4] =	wrdreg s24  }
0xb2: {  	[dreg:$0x5] =	wrdreg $0x9  }
0xb3: {  	_ =	task.clear_ibuf [dreg:s8], $0x6FFFF;
	_ =	strace $0x90000046  }
0xb4: {  	s29 =	simm.s32 $0x9;
	_ =	strace $0x80000048  }
0xb5: {  	_ =	swait.ge [sflag:s29], $0x1  }
0xb6: {  	[sflag:s29] =	ssyncadd.s32 $0xFFFFFFFF  }
0xb7: {  	_ =	strace $0x90000048  }
0xb8: {  	_ =	sfence  }
0xb9: {  	s30 =	sld [smem:$0x0];
	_ =	sdelay $0x2  }
0xba: {  	s31 =	sshll.u32 s1, $0xD;
	s1 =	sshrl.u32 s1, $0x2  }
0xbb: {  	s3 =	sand.u32 $0x4000, s31;
	s1 =	sadd.s32 s1, s30  }
0xbc: {  	s0 =	sor.u32 s3, s0;
	s1 =	sshll.u32 s1, $0x11  }
0xbd: {  	s0 =	sor.u32 s1, s0  }
0xbe: {  	s0 =	sadd.s32 $0x8F2B, s0  }
0xbf: {  	[sflag:s0] =	ssyncadd.remote.s32 $0x1  }
0xc0: {  	_ =	sfence.sel $0xFFFF  }
0xc1: {  	[dreg:$0x0] =	wrdreg $0xFFFFFFFF;
	(pc) =	sbr.abs _section_cstart, $3  }
0xc2: {  	[dreg:$0x1] =	wrdreg $0xFFFFFFFF  }
0xc3: {  	_ =	task.clear_ibuf [dreg:s8], $0x2FFFF;
	_ =	strace $0x9FFFFFFF  }
0xc4: {  	(tm) =	ssettm $0x7FFFFFFF  }
0xc5: {  	_ =	shalt  }
tec
execute0_lowered:
.L_overlay_start_1:
0x0: {  	(tag) =	ssettag $0x1  }
0x1: {  	s0 =	rddreg [dreg:$0x0]  }
0x2: {  	s1 =	rddreg [dreg:$0x1]  }
0x3: {  	s2 =	rddreg [dreg:$0x2]  }
0x4: {  	s3 =	simm.s32 $0x0;
	s4 =	srdreg.scid;
	s5 =	stileid.u32  }
0x5: {  	s9 =	simm.s32 $0x64;
	s15 =	simm.s32 $0xBC00;
	s16 =	simm.s32 $0x1  }
0x6: {  	s17 =	simm.s32 $0x2;
	s18 =	simm.s32 $0xF000;
	s19 =	simm.s32 $0x10C00  }
0x7: {  	s20 =	simm.s32 $0x12800;
	s21 =	simm.s32 $0x14400;
	s22 =	simm.s32 $0x3  }
0x8: {  	s23 =	simm.s32 $0x4;
	s24 =	simm.s32 $0x16000;
	s25 =	simm.s32 $0x17C00  }
0x9: {  	s26 =	simm.s32 $0x19800;
	s4 =	sand.u32 $0x1, s4;
	s5 =	sshll.u32 s5, $0x1  }
0xa: {  	s28 =	simm.s32 $0x1B400;
	s6 =	ssub.s32 $0x2, s4;
	s5 =	sor.u32 s4, s5  }
0xb: {  	[smem:$0x7FF] =	sst s3;
	s30 =	sshrl.u32 s6, $0x1;
	s7 =	sshll.u32 s5, $0xA  }
0xc: {  	s4 =	sadd.s32 $0x400, s2;
	s2 =	ssub.s32 s6, s30;
	s0 =	sadd.s32 s0, s7  }
0xd: {  	_ =	strace $0x80000047;
	[dreg:$0x4] =	wrdreg s0;
	s31 =	smax.u32 s2, $0x1  }
0xe: {  	s5 =	sshll.u32 s5, $0x7;
	s6 =	simm.s32 $0x0;
	[dreg:$0x5] =	wrdreg s31  }
.LBB2_1:
0xf: {  	[dreg:$0x6] =	wrdreg s6  }
0x10: {  	s0 =	rddreg [dreg:$0x4];
	s13 =	simm.s32 $0x7  }
0x11: {  	[tilespmem:s3], [sflag:$0x7] =	stream.linear.gather [hbm4b:s0+s3], $0x2000, $0x38;
	[tilespmem:$0x1D000] =	vst v63  }
0x12: {  	_ =	swait.ge [sflag:s13], $0x2000  }
0x13: {  	[sflag:s13] =	ssyncset.done $0x0  }
0x14: {  	s14 =	simm.s32 $0x2000;
	[sflag:s13] =	ssyncadd.s32 $0xFFFFE000  }
0x15: {  	[tilespmem:s14], [sflag:$0x1] =	stream.indirect.gather [hbm4b:s1+s9], $0x80, s3, s9, $0xb8;
	[tilespmem:$0x1D000] =	vst v63  }
0x16: {  	s29 =	simm.s32 $0x80;
	s2 =	simm.s32 $0x5400  }
0x17: {  	[tilespmem:s2], [sflag:$0x2] =	stream.indirect.gather [hbm4b:s1+s9], $0x80, s29, s9, $0xb8;
	[tilespmem:$0x1D000] =	vst v63  }
0x18: {  	s30 =	simm.s32 $0x100;
	s31 =	simm.s32 $0x8800;
	s0 =	simm.s32 $0x0  }
0x19: {  	[tilespmem:s31], [sflag:$0x3] =	stream.indirect.gather [hbm4b:s1+s9], $0x80, s30, s9, $0xb8;
	[tilespmem:$0x1D000] =	vst v63  }
.LBB2_2:
0x1a: {  	p0 =	seq.s32 s0, $0x0  }
0x1b: {  	s6 =	simm.s32 @!p0 $0x5  }
0x1c: {  	s2 =	sshll.u32 s0, $0xB;
	_ =	swait.ge @!p0 [sflag:s6], $0x6400  }
0x1d: {  	s2 =	sshrl.u32 s2, $0x2;
	[sflag:s6] =	ssyncset.done @!p0 $0x0  }
0x1e: {  	s14 =	sadd.s32 $0x180, s2;
	[sflag:s6] =	ssyncadd.s32 @!p0 $0xFFFF9C00  }
0x1f: {  	[tilespmem:s15], [sflag:$0x4] =	stream.indirect.gather [hbm4b:s1+s9], $0x80, s14, s9, $0xb8;
	[tilespmem:$0x1D000] =	vst v63  }
0x20: {  	_ =	swait.ge [sflag:s16], $0x3200  }
0x21: {  	[sflag:s16] =	ssyncset.done $0x0  }
0x22: {  	s8 =	simm.s32 $0x39F0;
	[sflag:s16] =	ssyncadd.s32 $0xFFFFCE00  }
0x23: {  	v0 =	vld [tilespmem:s8+$0xFFFFE690];
	_ =	sdelay $0x3  }
0x24: {  	v1 =	vld [tilespmem:s8+$0xFFFFE610]  }
0x25: {  	v0 =	vmul.f32 $1.131370830e+01, v0  }
0x26: {  	s10 =	simm.s32 $0x10CF0  }
0x27: {  	[tilespmem:s10+$0xFFFFE390] =	vst v0  }
0x28: {  	v0 =	vld [tilespmem:s8+$0xFFFFFF90]  }
0x29: {  	v1 =	vmul.f32 $1.131370830e+01, v1;
	_ =	sdelay $0x1  }
0x2a: {  	[tilespmem:s10+$0xFFFFE310] =	vst v1  }
0x2b: {  	v1 =	vld [tilespmem:s8+$0xFFFFFF10]  }
0x2c: {  	v0 =	vmul.f32 $1.131370830e+01, v0;
	_ =	sdelay $0x1  }
0x2d: {  	[tilespmem:s10+$0xFFFFFF90] =	vst v0  }
0x2e: {  	v0 =	vld [tilespmem:s8+$0xFFFFE6A0]  }
0x2f: {  	v1 =	vmul.f32 $1.131370830e+01, v1;
	_ =	sdelay $0x1  }
0x30: {  	[tilespmem:s10+$0xFFFFFF10] =	vst v1  }
0x31: {  	v1 =	vld [tilespmem:s8+$0xFFFFE620]  }
0x32: {  	v0 =	vmul.f32 $1.131370830e+01, v0;
	_ =	sdelay $0x1  }
0x33: {  	[tilespmem:s10+$0xFFFFE3A0] =	vst v0  }
0x34: {  	v0 =	vld [tilespmem:s8+$0xFFFFFFA0]  }
0x35: {  	v1 =	vmul.f32 $1.131370830e+01, v1;
	_ =	sdelay $0x1  }
0x36: {  	[tilespmem:s10+$0xFFFFE320] =	vst v1  }
0x37: {  	v1 =	vld [tilespmem:s8+$0xFFFFFF20]  }
0x38: {  	v0 =	vmul.f32 $1.131370830e+01, v0  }
0x39: {  	s13 =	simm.s32 $0x3AF0  }
0x3a: {  	[tilespmem:s10+$0xFFFFFFA0] =	vst v0;
	v0 =	vld [tilespmem:s13+$0xFFFFE690]  }
0x3b: {  	v2 =	vld [tilespmem:s8+$0xFFFFE6B0]  }
0x3c: {  	v1 =	vmul.f32 $1.131370830e+01, v1;
	_ =	sdelay $0x1  }
0x3d: {  	[tilespmem:s10+$0xFFFFFF20] =	vst v1;
	v1 =	vld [tilespmem:s13+$0xFFFFE610]  }
0x3e: {  	v3 =	vld [tilespmem:s8+$0xFFFFE630];
	v0 =	vmul.f32 $1.131370830e+01, v0  }
0x3f: {  	s11 =	simm.s32 $0x10DF0;
	v2 =	vmul.f32 $1.131370830e+01, v2  }
0x40: {  	[tilespmem:s11+$0xFFFFE390] =	vst v0  }
0x41: {  	v0 =	vld [tilespmem:s13+$0xFFFFFF90];
	[tilespmem:s10+$0xFFFFE3B0] =	vst v2  }
0x42: {  	v1 =	vmul.f32 $1.131370830e+01, v1;
	v2 =	vld [tilespmem:s8+$0xFFFFFFB0]  }
0x43: {  	v3 =	vmul.f32 $1.131370830e+01, v3  }
0x44: {  	[tilespmem:s11+$0xFFFFE310] =	vst v1  }
0x45: {  	v1 =	vld [tilespmem:s13+$0xFFFFFF10];
	[tilespmem:s10+$0xFFFFE330] =	vst v3  }
0x46: {  	v3 =	vld [tilespmem:s8+$0xFFFFFF30];
	v0 =	vmul.f32 $1.131370830e+01, v0  }
0x47: {  	v2 =	vmul.f32 $1.131370830e+01, v2  }
0x48: {  	[tilespmem:s11+$0xFFFFFF90] =	vst v0  }
0x49: {  	v0 =	vld [tilespmem:s13+$0xFFFFE6A0];
	[tilespmem:s10+$0xFFFFFFB0] =	vst v2  }
0x4a: {  	v1 =	vmul.f32 $1.131370830e+01, v1;
	v2 =	vld [tilespmem:s8+$0xFFFFE6C0]  }
0x4b: {  	v3 =	vmul.f32 $1.131370830e+01, v3  }
0x4c: {  	[tilespmem:s11+$0xFFFFFF10] =	vst v1  }
0x4d: {  	v1 =	vld [tilespmem:s13+$0xFFFFE620];
	[tilespmem:s10+$0xFFFFFF30] =	vst v3  }
0x4e: {  	v3 =	vld [tilespmem:s8+$0xFFFFE640];
	v0 =	vmul.f32 $1.131370830e+01, v0  }
0x4f: {  	v2 =	vmul.f32 $1.131370830e+01, v2  }
0x50: {  	[tilespmem:s11+$0xFFFFE3A0] =	vst v0  }
0x51: {  	v0 =	vld [tilespmem:s13+$0xFFFFFFA0];
	[tilespmem:s10+$0xFFFFE3C0] =	vst v2  }
0x52: {  	v1 =	vmul.f32 $1.131370830e+01, v1;
	v2 =	vld [tilespmem:s8+$0xFFFFFFC0]  }
0x53: {  	v3 =	vmul.f32 $1.131370830e+01, v3  }
0x54: {  	[tilespmem:s11+$0xFFFFE320] =	vst v1  }
0x55: {  	v1 =	vld [tilespmem:s13+$0xFFFFFF20];
	[tilespmem:s10+$0xFFFFE340] =	vst v3  }
0x56: {  	v3 =	vld [tilespmem:s8+$0xFFFFFF40];
	v0 =	vmul.f32 $1.131370830e+01, v0  }
0x57: {  	s14 =	simm.s32 $0x3BF0;
	v2 =	vmul.f32 $1.131370830e+01, v2  }
0x58: {  	[tilespmem:s11+$0xFFFFFFA0] =	vst v0;
	v0 =	vld [tilespmem:s14+$0xFFFFE690]  }
0x59: {  	[tilespmem:s10+$0xFFFFFFC0] =	vst v2;
	v2 =	vld [tilespmem:s13+$0xFFFFE6B0]  }
0x5a: {  	v1 =	vmul.f32 $1.131370830e+01, v1;
	v4 =	vld [tilespmem:s8+$0xFFFFE6D0]  }
0x5b: {  	v3 =	vmul.f32 $1.131370830e+01, v3  }
0x5c: {  	[tilespmem:s11+$0xFFFFFF20] =	vst v1;
	v1 =	vld [tilespmem:s14+$0xFFFFE610]  }
0x5d: {  	[tilespmem:s10+$0xFFFFFF40] =	vst v3;
	v3 =	vld [tilespmem:s13+$0xFFFFE630];
	v0 =	vmul.f32 $1.131370830e+01, v0  }
0x5e: {  	s6 =	simm.s32 $0x10EF0;
	v5 =	vld [tilespmem:s8+$0xFFFFE650];
	v2 =	vmul.f32 $1.131370830e+01, v2  }
0x5f: {  	[tilespmem:s6+$0xFFFFE390] =	vst v0;
	v0 =	vmul.f32 $1.131370830e+01, v4  }
0x60: {  	v4 =	vld [tilespmem:s14+$0xFFFFFF90];
	[tilespmem:s11+$0xFFFFE3B0] =	vst v2  }
0x61: {  	v1 =	vmul.f32 $1.131370830e+01, v1;
	v2 =	vld [tilespmem:s13+$0xFFFFFFB0];
	[tilespmem:s10+$0xFFFFE3D0] =	vst v0  }
0x62: {  	v0 =	vmul.f32 $1.131370830e+01, v3;
	v3 =	vld [tilespmem:s8+$0xFFFFFFD0]  }
0x63: {  	[tilespmem:s6+$0xFFFFE310] =	vst v1;
	v1 =	vmul.f32 $1.131370830e+01, v5  }
0x64: {  	v5 =	vld [tilespmem:s14+$0xFFFFFF10];
	[tilespmem:s11+$0xFFFFE330] =	vst v0  }
0x65: {  	[tilespmem:s10+$0xFFFFE350] =	vst v1;
	v0 =	vmul.f32 $1.131370830e+01, v4;
	v4 =	vld [tilespmem:s13+$0xFFFFFF30]  }
0x66: {  	v1 =	vmul.f32 $1.131370830e+01, v2;
	v2 =	vld [tilespmem:s8+$0xFFFFFF50]  }
0x67: {  	[tilespmem:s6+$0xFFFFFF90] =	vst v0;
	v0 =	vmul.f32 $1.131370830e+01, v3  }
0x68: {  	v3 =	vld [tilespmem:s14+$0xFFFFE6A0];
	[tilespmem:s11+$0xFFFFFFB0] =	vst v1  }
0x69: {  	v1 =	vmul.f32 $1.131370830e+01, v5;
	v5 =	vld [tilespmem:s13+$0xFFFFE6C0];
	[tilespmem:s10+$0xFFFFFFD0] =	vst v0  }
0x6a: {  	v0 =	vmul.f32 $1.131370830e+01, v4;
	v4 =	vld [tilespmem:s8+$0xFFFFE6E0]  }
0x6b: {  	[tilespmem:s6+$0xFFFFFF10] =	vst v1;
	v1 =	vmul.f32 $1.131370830e+01, v2  }
0x6c: {  	v2 =	vld [tilespmem:s14+$0xFFFFE620];
	[tilespmem:s11+$0xFFFFFF30] =	vst v0  }
0x6d: {  	v0 =	vmul.f32 $1.131370830e+01, v3;
	v3 =	vld [tilespmem:s13+$0xFFFFE640];
	[tilespmem:s10+$0xFFFFFF50] =	vst v1  }
0x6e: {  	v1 =	vmul.f32 $1.131370830e+01, v5;
	v5 =	vld [tilespmem:s8+$0xFFFFE660]  }
0x6f: {  	[tilespmem:s6+$0xFFFFE3A0] =	vst v0;
	v0 =	vmul.f32 $1.131370830e+01, v4  }
0x70: {  	v4 =	vld [tilespmem:s14+$0xFFFFFFA0];
	[tilespmem:s11+$0xFFFFE3C0] =	vst v1  }
0x71: {  	v1 =	vmul.f32 $1.131370830e+01, v2;
	v2 =	vld [tilespmem:s13+$0xFFFFFFC0];
	[tilespmem:s10+$0xFFFFE3E0] =	vst v0  }
0x72: {  	v0 =	vmul.f32 $1.131370830e+01, v3;
	v3 =	vld [tilespmem:s8+$0xFFFFFFE0]  }
0x73: {  	[tilespmem:s6+$0xFFFFE320] =	vst v1;
	v1 =	vmul.f32 $1.131370830e+01, v5  }
0x74: {  	v5 =	vld [tilespmem:s14+$0xFFFFFF20];
	[tilespmem:s11+$0xFFFFE340] =	vst v0  }
0x75: {  	v0 =	vmul.f32 $1.131370830e+01, v4;
	v4 =	vld [tilespmem:s13+$0xFFFFFF40];
	[tilespmem:s10+$0xFFFFE360] =	vst v1  }
0x76: {  	s7 =	simm.s32 $0x3CF0;
	v1 =	vmul.f32 $1.131370830e+01, v2;
	v2 =	vld [tilespmem:s8+$0xFFFFFF60]  }
0x77: {  	[tilespmem:s6+$0xFFFFFFA0] =	vst v0;
	v0 =	vmul.f32 $1.131370830e+01, v3;
	v3 =	vld [tilespmem:s7+$0xFFFFE690]  }
0x78: {  	[tilespmem:s11+$0xFFFFFFC0] =	vst v1;
	v1 =	vld [tilespmem:s14+$0xFFFFE6B0]  }
0x79: {  	v5 =	vmul.f32 $1.131370830e+01, v5;
	[tilespmem:s10+$0xFFFFFFE0] =	vst v0;
	v0 =	vld [tilespmem:s13+$0xFFFFE6D0]  }
0x7a: {  	v4 =	vmul.f32 $1.131370830e+01, v4;
	v6 =	vld [tilespmem:s8+$0xFFFFE6F0]  }
0x7b: {  	[tilespmem:s6+$0xFFFFFF20] =	vst v5;
	v5 =	vld [tilespmem:s7+$0xFFFFE610];
	v2 =	vmul.f32 $1.131370830e+01, v2  }
0x7c: {  	[tilespmem:s11+$0xFFFFFF40] =	vst v4;
	v3 =	vmul.f32 $1.131370830e+01, v3;
	v4 =	vld [tilespmem:s14+$0xFFFFE630]  }
0x7d: {  	s29 =	simm.s32 $0x10FF0;
	[tilespmem:s10+$0xFFFFFF60] =	vst v2;
	v1 =	vmul.f32 $1.131370830e+01, v1;
	v2 =	vld [tilespmem:s13+$0xFFFFE650]  }
0x7e: {  	[tilespmem:s29+$0xFFFFE390] =	vst v3;
	v0 =	vmul.f32 $1.131370830e+01, v0;
	v3 =	vld [tilespmem:s8+$0xFFFFE670]  }
0x7f: {  	v7 =	vld [tilespmem:s7+$0xFFFFFF90];
	[tilespmem:s6+$0xFFFFE3B0] =	vst v1;
	v1 =	vmul.f32 $1.131370830e+01, v6  }
0x80: {  	v5 =	vmul.f32 $1.131370830e+01, v5;
	v6 =	vld [tilespmem:s14+$0xFFFFFFB0];
	[tilespmem:s11+$0xFFFFE3D0] =	vst v0  }
0x81: {  	v0 =	vmul.f32 $1.131370830e+01, v4;
	v4 =	vld [tilespmem:s13+$0xFFFFFFD0];
	[tilespmem:s10+$0xFFFFE3F0] =	vst v1  }
0x82: {  	[tilespmem:s29+$0xFFFFE310] =	vst v5;
	v1 =	vmul.f32 $1.131370830e+01, v2;
	v2 =	vld [tilespmem:s8+$0xFFFFFFF0]  }
0x83: {  	v5 =	vld [tilespmem:s7+$0xFFFFFF10];
	[tilespmem:s6+$0xFFFFE330] =	vst v0;
	v0 =	vmul.f32 $1.131370830e+01, v3  }
0x84: {  	v3 =	vmul.f32 $1.131370830e+01, v7;
	v7 =	vld [tilespmem:s14+$0xFFFFFF30];
	[tilespmem:s11+$0xFFFFE350] =	vst v1  }
0x85: {  	v1 =	vmul.f32 $1.131370830e+01, v6;
	v6 =	vld [tilespmem:s13+$0xFFFFFF50];
	[tilespmem:s10+$0xFFFFE370] =	vst v0  }
0x86: {  	[tilespmem:s29+$0xFFFFFF90] =	vst v3;
	v0 =	vmul.f32 $1.131370830e+01, v4;
	v3 =	vld [tilespmem:s8+$0xFFFFFF70]  }
0x87: {  	v4 =	vld [tilespmem:s7+$0xFFFFE6A0];
	[tilespmem:s6+$0xFFFFFFB0] =	vst v1;
	v1 =	vmul.f32 $1.131370830e+01, v2  }
0x88: {  	v2 =	vmul.f32 $1.131370830e+01, v5;
	v5 =	vld [tilespmem:s14+$0xFFFFE6C0];
	[tilespmem:s11+$0xFFFFFFD0] =	vst v0  }
0x89: {  	v0 =	vmul.f32 $1.131370830e+01, v7;
	v7 =	vld [tilespmem:s13+$0xFFFFE6E0];
	[tilespmem:s10+$0xFFFFFFF0] =	vst v1  }
0x8a: {  	[tilespmem:s29+$0xFFFFFF10] =	vst v2;
	v1 =	vmul.f32 $1.131370830e+01, v6;
	v2 =	vld [tilespmem:s8+$0xFFFFE700]  }
0x8b: {  	v6 =	vld [tilespmem:s7+$0xFFFFE620];
	[tilespmem:s6+$0xFFFFFF30] =	vst v0;
	v0 =	vmul.f32 $1.131370830e+01, v3  }
0x8c: {  	v3 =	vmul.f32 $1.131370830e+01, v4;
	v4 =	vld [tilespmem:s14+$0xFFFFE640];
	[tilespmem:s11+$0xFFFFFF50] =	vst v1  }
0x8d: {  	v1 =	vmul.f32 $1.131370830e+01, v5;
	v5 =	vld [tilespmem:s13+$0xFFFFE660];
	[tilespmem:s10+$0xFFFFFF70] =	vst v0  }
0x8e: {  	[tilespmem:s29+$0xFFFFE3A0] =	vst v3;
	v0 =	vmul.f32 $1.131370830e+01, v7;
	v3 =	vld [tilespmem:s8+$0xFFFFE680]  }
0x8f: {  	v7 =	vld [tilespmem:s7+$0xFFFFFFA0];
	[tilespmem:s6+$0xFFFFE3C0] =	vst v1;
	v1 =	vmul.f32 $1.131370830e+01, v2  }
0x90: {  	v2 =	vmul.f32 $1.131370830e+01, v6;
	v8 =	vld [tilespmem:s14+$0xFFFFFFC0];
	[tilespmem:s11+$0xFFFFE3E0] =	vst v0  }
0x91: {  	v4 =	vmul.f32 $1.131370830e+01, v4;
	v9 =	vld [tilespmem:s13+$0xFFFFFFE0];
	[tilespmem:s10+$0xFFFFE400] =	vst v1  }
0x92: {  	[tilespmem:s29+$0xFFFFE320] =	vst v2;
	v1 =	vmul.f32 $1.131370830e+01, v5;
	v0 =	vld [tilespmem:s8+$0x0]  }
0x93: {  	v6 =	vld [tilespmem:s7+$0xFFFFFF20];
	[tilespmem:s6+$0xFFFFE340] =	vst v4;
	v3 =	vmul.f32 $1.131370830e+01, v3  }
0x94: {  	v7 =	vmul.f32 $1.131370830e+01, v7;
	v4 =	vld [tilespmem:s14+$0xFFFFFF40];
	[tilespmem:s11+$0xFFFFE360] =	vst v1  }
0x95: {  	v2 =	vld [tilespmem:s13+$0xFFFFFF60];
	[tilespmem:s10+$0xFFFFE380] =	vst v3;
	v5 =	vmul.f32 $1.131370830e+01, v8  }
0x96: {  	s30 =	simm.s32 $0x6;
	s31 =	simm.s32 $0x3DF0;
	[tilespmem:s29+$0xFFFFFFA0] =	vst v7;
	v3 =	vmul.f32 $1.131370830e+01, v9;
	v1 =	vld [tilespmem:s8+$0xFFFFFF80];
	s8 =	simm.s32 $0x10FF0  }
.LBB2_3:
0x97: {  	v7 =	vld [tilespmem:s31+$0xFFFFE690];
	[tilespmem:s6+$0xFFFFFFC0] =	vst v5;
	v0 =	vmul.f32 $1.131370830e+01, v0;
	s12 =	smov.u32 s7;
	s7 =	smov.u32 s31  }
0x98: {  	v5 =	vmul.f32 $1.131370830e+01, v6;
	v6 =	vld [tilespmem:s12+$0xFFFFE6B0];
	[tilespmem:s11+$0xFFFFFFE0] =	vst v3  }
0x99: {  	v3 =	vmul.f32 $1.131370830e+01, v4;
	v4 =	vld [tilespmem:s14+$0xFFFFE6D0];
	[tilespmem:s10+$0x0] =	vst v0  }
0x9a: {  	s30 =	sadd.s32 $0x2, s30;
	[tilespmem:s29+$0xFFFFFF20] =	vst v5;
	v0 =	vmul.f32 $1.131370830e+01, v2;
	v2 =	vld [tilespmem:s13+$0xFFFFE6F0]  }
0x9b: {  	p1 =	slt.u32 s30, $0x30;
	v5 =	vld [tilespmem:s31+$0xFFFFE610];
	[tilespmem:s6+$0xFFFFFF40] =	vst v3;
	v1 =	vmul.f32 $1.131370830e+01, v1  }
0x9c: {  	v3 =	vmul.f32 $1.131370830e+01, v7;
	v7 =	vld [tilespmem:s12+$0xFFFFE630];
	[tilespmem:s11+$0xFFFFFF60] =	vst v0  }
0x9d: {  	s29 =	sadd.s32 $0x100, s29;
	v0 =	vmul.f32 $1.131370830e+01, v6;
	v6 =	vld [tilespmem:s14+$0xFFFFE650];
	[tilespmem:s10+$0xFFFFFF80] =	vst v1;
	s10 =	smov.u32 s11;
	s11 =	smov.u32 s6  }
0x9e: {  	s6 =	smov.u32 s8;
	s8 =	smov.u32 s29;
	[tilespmem:s29+$0xFFFFE390] =	vst v3;
	v1 =	vmul.f32 $1.131370830e+01, v4;
	v3 =	vld [tilespmem:s13+$0xFFFFE670]  }
0x9f: {  	v4 =	vld [tilespmem:s31+$0xFFFFFF90];
	[tilespmem:s6+$0xFFFFE3B0] =	vst v0;
	v0 =	vmul.f32 $1.131370830e+01, v2  }
0xa0: {  	v2 =	vmul.f32 $1.131370830e+01, v5;
	v5 =	vld [tilespmem:s12+$0xFFFFFFB0];
	[tilespmem:s11+$0xFFFFE3D0] =	vst v1  }
0xa1: {  	v1 =	vmul.f32 $1.131370830e+01, v7;
	v7 =	vld [tilespmem:s14+$0xFFFFFFD0];
	[tilespmem:s10+$0xFFFFE3F0] =	vst v0  }
0xa2: {  	[tilespmem:s29+$0xFFFFE310] =	vst v2;
	v0 =	vmul.f32 $1.131370830e+01, v6;
	v2 =	vld [tilespmem:s13+$0xFFFFFFF0]  }
0xa3: {  	v6 =	vld [tilespmem:s31+$0xFFFFFF10];
	[tilespmem:s6+$0xFFFFE330] =	vst v1;
	v1 =	vmul.f32 $1.131370830e+01, v3  }
0xa4: {  	v3 =	vmul.f32 $1.131370830e+01, v4;
	v4 =	vld [tilespmem:s12+$0xFFFFFF30];
	[tilespmem:s11+$0xFFFFE350] =	vst v0  }
0xa5: {  	v0 =	vmul.f32 $1.131370830e+01, v5;
	v5 =	vld [tilespmem:s14+$0xFFFFFF50];
	[tilespmem:s10+$0xFFFFE370] =	vst v1  }
0xa6: {  	[tilespmem:s29+$0xFFFFFF90] =	vst v3;
	v1 =	vmul.f32 $1.131370830e+01, v7;
	v3 =	vld [tilespmem:s13+$0xFFFFFF70]  }
0xa7: {  	v7 =	vld [tilespmem:s31+$0xFFFFE6A0];
	[tilespmem:s6+$0xFFFFFFB0] =	vst v0;
	v0 =	vmul.f32 $1.131370830e+01, v2  }
0xa8: {  	v2 =	vmul.f32 $1.131370830e+01, v6;
	v6 =	vld [tilespmem:s12+$0xFFFFE6C0];
	[tilespmem:s11+$0xFFFFFFD0] =	vst v1  }
0xa9: {  	v1 =	vmul.f32 $1.131370830e+01, v4;
	v4 =	vld [tilespmem:s14+$0xFFFFE6E0];
	[tilespmem:s10+$0xFFFFFFF0] =	vst v0  }
0xaa: {  	[tilespmem:s29+$0xFFFFFF10] =	vst v2;
	v0 =	vmul.f32 $1.131370830e+01, v5;
	v2 =	vld [tilespmem:s13+$0xFFFFE700]  }
0xab: {  	v5 =	vld [tilespmem:s31+$0xFFFFE620];
	[tilespmem:s6+$0xFFFFFF30] =	vst v1;
	v1 =	vmul.f32 $1.131370830e+01, v3  }
0xac: {  	v3 =	vmul.f32 $1.131370830e+01, v7;
	v7 =	vld [tilespmem:s12+$0xFFFFE640];
	[tilespmem:s11+$0xFFFFFF50] =	vst v0  }
0xad: {  	v0 =	vmul.f32 $1.131370830e+01, v6;
	v6 =	vld [tilespmem:s14+$0xFFFFE660];
	[tilespmem:s10+$0xFFFFFF70] =	vst v1  }
0xae: {  	[tilespmem:s29+$0xFFFFE3A0] =	vst v3;
	v1 =	vmul.f32 $1.131370830e+01, v4;
	v3 =	vld [tilespmem:s13+$0xFFFFE680]  }
0xaf: {  	v4 =	vld [tilespmem:s31+$0xFFFFFFA0];
	[tilespmem:s6+$0xFFFFE3C0] =	vst v0;
	v0 =	vmul.f32 $1.131370830e+01, v2  }
0xb0: {  	v2 =	vmul.f32 $1.131370830e+01, v5;
	v5 =	vld [tilespmem:s12+$0xFFFFFFC0];
	[tilespmem:s11+$0xFFFFE3E0] =	vst v1  }
0xb1: {  	v1 =	vmul.f32 $1.131370830e+01, v7;
	v7 =	vld [tilespmem:s14+$0xFFFFFFE0];
	[tilespmem:s10+$0xFFFFE400] =	vst v0  }
.Ltmp0:
0xb2: {  	[tilespmem:s29+$0xFFFFE320] =	vst v2;
	v2 =	vmul.f32 $1.131370830e+01, v6;
	v0 =	vld [tilespmem:s13+$0x0];
	(pc) =	sbr.rel @p1 .LBB2_3-.Ltmp0, $4  }
0xb3: {  	v6 =	vld [tilespmem:s31+$0xFFFFFF20];
	[tilespmem:s6+$0xFFFFE340] =	vst v1;
	v1 =	vmul.f32 $1.131370830e+01, v3  }
0xb4: {  	v3 =	vmul.f32 $1.131370830e+01, v4;
	v4 =	vld [tilespmem:s12+$0xFFFFFF40];
	[tilespmem:s11+$0xFFFFE360] =	vst v2  }
0xb5: {  	v5 =	vmul.f32 $1.131370830e+01, v5;
	v2 =	vld [tilespmem:s14+$0xFFFFFF60];
	[tilespmem:s10+$0xFFFFE380] =	vst v1  }
0xb6: {  	s31 =	sadd.s32 $0x100, s31;
	[tilespmem:s29+$0xFFFFFFA0] =	vst v3;
	v3 =	vmul.f32 $1.131370830e+01, v7;
	v1 =	vld [tilespmem:s13+$0xFFFFFF80];
	s13 =	smov.u32 s14;
	s14 =	smov.u32 s12  }
0xb7: {  	_ = 	snop  }
0xb8: {  	v6 =	vmul.f32 $1.131370830e+01, v6;
	_ =	sdelay $0x1  }
0xb9: {  	v7 =	vld [tilespmem:s7+$0xFFFFE6B0];
	[tilespmem:s29+$0xFFFFFF20] =	vst v6  }
0xba: {  	v6 =	vld [tilespmem:s7+$0xFFFFE630];
	_ =	sdelay $0x3  }
0xbb: {  	v7 =	vmul.f32 $1.131370830e+01, v7  }
0xbc: {  	v6 =	vmul.f32 $1.131370830e+01, v6  }
0xbd: {  	[tilespmem:s8+$0xFFFFE3B0] =	vst v7  }
0xbe: {  	v7 =	vld [tilespmem:s7+$0xFFFFFFB0];
	[tilespmem:s8+$0xFFFFE330] =	vst v6  }
0xbf: {  	v6 =	vld [tilespmem:s7+$0xFFFFFF30];
	_ =	sdelay $0x3  }
0xc0: {  	v7 =	vmul.f32 $1.131370830e+01, v7  }
0xc1: {  	v6 =	vmul.f32 $1.131370830e+01, v6  }
0xc2: {  	[tilespmem:s8+$0xFFFFFFB0] =	vst v7  }
0xc3: {  	v7 =	vld [tilespmem:s7+$0xFFFFE6C0];
	[tilespmem:s8+$0xFFFFFF30] =	vst v6  }
0xc4: {  	v6 =	vld [tilespmem:s7+$0xFFFFE640];
	_ =	sdelay $0x3  }
0xc5: {  	v7 =	vmul.f32 $1.131370830e+01, v7  }
0xc6: {  	v6 =	vmul.f32 $1.131370830e+01, v6  }
0xc7: {  	[tilespmem:s8+$0xFFFFE3C0] =	vst v7  }
0xc8: {  	v7 =	vld [tilespmem:s7+$0xFFFFFFC0];
	[tilespmem:s8+$0xFFFFE340] =	vst v6  }
0xc9: {  	v6 =	vld [tilespmem:s7+$0xFFFFFF40];
	_ =	sdelay $0x2  }
0xca: {  	v4 =	vmul.f32 $1.131370830e+01, v4  }
0xcb: {  	[tilespmem:s6+$0xFFFFFFC0] =	vst v5;
	v5 =	vmul.f32 $1.131370830e+01, v7  }
0xcc: {  	[tilespmem:s6+$0xFFFFFF40] =	vst v4;
	v7 =	vld [tilespmem:s14+$0xFFFFE6D0];
	v4 =	vmul.f32 $1.131370830e+01, v6  }
0xcd: {  	[tilespmem:s8+$0xFFFFFFC0] =	vst v5;
	v6 =	vld [tilespmem:s14+$0xFFFFE650]  }
0xce: {  	v5 =	vld [tilespmem:s7+$0xFFFFE6D0];
	[tilespmem:s8+$0xFFFFFF40] =	vst v4  }
0xcf: {  	v4 =	vld [tilespmem:s7+$0xFFFFE650];
	_ =	sdelay $0x1  }
0xd0: {  	v7 =	vmul.f32 $1.131370830e+01, v7  }
0xd1: {  	v6 =	vmul.f32 $1.131370830e+01, v6  }
0xd2: {  	[tilespmem:s6+$0xFFFFE3D0] =	vst v7;
	v5 =	vmul.f32 $1.131370830e+01, v5  }
0xd3: {  	v7 =	vld [tilespmem:s14+$0xFFFFFFD0];
	[tilespmem:s6+$0xFFFFE350] =	vst v6;
	v4 =	vmul.f32 $1.131370830e+01, v4  }
0xd4: {  	[tilespmem:s8+$0xFFFFE3D0] =	vst v5;
	v6 =	vld [tilespmem:s14+$0xFFFFFF50]  }
0xd5: {  	v5 =	vld [tilespmem:s7+$0xFFFFFFD0];
	[tilespmem:s8+$0xFFFFE350] =	vst v4  }
0xd6: {  	v4 =	vld [tilespmem:s7+$0xFFFFFF50];
	_ =	sdelay $0x1  }
0xd7: {  	v7 =	vmul.f32 $1.131370830e+01, v7  }
0xd8: {  	v6 =	vmul.f32 $1.131370830e+01, v6  }
0xd9: {  	[tilespmem:s6+$0xFFFFFFD0] =	vst v7;
	v5 =	vmul.f32 $1.131370830e+01, v5  }
0xda: {  	v7 =	vld [tilespmem:s14+$0xFFFFE6E0];
	[tilespmem:s6+$0xFFFFFF50] =	vst v6;
	v4 =	vmul.f32 $1.131370830e+01, v4  }
0xdb: {  	[tilespmem:s8+$0xFFFFFFD0] =	vst v5;
	v6 =	vld [tilespmem:s14+$0xFFFFE660]  }
0xdc: {  	v5 =	vld [tilespmem:s7+$0xFFFFE6E0];
	[tilespmem:s8+$0xFFFFFF50] =	vst v4  }
0xdd: {  	v4 =	vld [tilespmem:s7+$0xFFFFE660];
	_ =	sdelay $0x1  }
0xde: {  	v7 =	vmul.f32 $1.131370830e+01, v7  }
0xdf: {  	v6 =	vmul.f32 $1.131370830e+01, v6  }
0xe0: {  	[tilespmem:s6+$0xFFFFE3E0] =	vst v7;
	v5 =	vmul.f32 $1.131370830e+01, v5  }
0xe1: {  	v7 =	vld [tilespmem:s14+$0xFFFFFFE0];
	[tilespmem:s6+$0xFFFFE360] =	vst v6;
	v4 =	vmul.f32 $1.131370830e+01, v4  }
0xe2: {  	[tilespmem:s8+$0xFFFFE3E0] =	vst v5;
	v6 =	vld [tilespmem:s14+$0xFFFFFF60]  }
0xe3: {  	v5 =	vld [tilespmem:s7+$0xFFFFFFE0];
	[tilespmem:s8+$0xFFFFE360] =	vst v4  }
0xe4: {  	v4 =	vld [tilespmem:s7+$0xFFFFFF60]  }
0xe5: {  	v2 =	vmul.f32 $1.131370830e+01, v2  }
0xe6: {  	[tilespmem:s11+$0xFFFFFFE0] =	vst v3;
	v3 =	vmul.f32 $1.131370830e+01, v7  }
0xe7: {  	[tilespmem:s11+$0xFFFFFF60] =	vst v2;
	v7 =	vld [tilespmem:s13+$0xFFFFE6F0];
	v2 =	vmul.f32 $1.131370830e+01, v6  }
0xe8: {  	[tilespmem:s6+$0xFFFFFFE0] =	vst v3;
	v3 =	vmul.f32 $1.131370830e+01, v5;
	v6 =	vld [tilespmem:s13+$0xFFFFE670]  }
0xe9: {  	v5 =	vld [tilespmem:s14+$0xFFFFE6F0];
	[tilespmem:s6+$0xFFFFFF60] =	vst v2;
	v2 =	vmul.f32 $1.131370830e+01, v4  }
0xea: {  	[tilespmem:s8+$0xFFFFFFE0] =	vst v3;
	v4 =	vld [tilespmem:s14+$0xFFFFE670]  }
0xeb: {  	v3 =	vld [tilespmem:s7+$0xFFFFE6F0];
	[tilespmem:s8+$0xFFFFFF60] =	vst v2  }
0xec: {  	v2 =	vmul.f32 $1.131370830e+01, v7;
	v7 =	vld [tilespmem:s7+$0xFFFFE670]  }
0xed: {  	v6 =	vmul.f32 $1.131370830e+01, v6  }
0xee: {  	[tilespmem:s11+$0xFFFFE3F0] =	vst v2;
	v2 =	vmul.f32 $1.131370830e+01, v5  }
0xef: {  	[tilespmem:s11+$0xFFFFE370] =	vst v6;
	v5 =	vld [tilespmem:s13+$0xFFFFFFF0];
	v4 =	vmul.f32 $1.131370830e+01, v4  }
0xf0: {  	v6 =	vld [tilespmem:s13+$0xFFFFFF70];
	[tilespmem:s6+$0xFFFFE3F0] =	vst v2;
	v2 =	vmul.f32 $1.131370830e+01, v3  }
0xf1: {  	v3 =	vld [tilespmem:s14+$0xFFFFFFF0];
	[tilespmem:s6+$0xFFFFE370] =	vst v4;
	v4 =	vmul.f32 $1.131370830e+01, v7  }
0xf2: {  	v7 =	vld [tilespmem:s14+$0xFFFFFF70];
	[tilespmem:s8+$0xFFFFE3F0] =	vst v2  }
0xf3: {  	v2 =	vld [tilespmem:s7+$0xFFFFFFF0];
	[tilespmem:s8+$0xFFFFE370] =	vst v4  }
0xf4: {  	v4 =	vmul.f32 $1.131370830e+01, v5;
	v5 =	vld [tilespmem:s7+$0xFFFFFF70]  }
0xf5: {  	v6 =	vmul.f32 $1.131370830e+01, v6  }
0xf6: {  	[tilespmem:s11+$0xFFFFFFF0] =	vst v4;
	v3 =	vmul.f32 $1.131370830e+01, v3  }
0xf7: {  	[tilespmem:s11+$0xFFFFFF70] =	vst v6;
	v4 =	vld [tilespmem:s13+$0xFFFFE700];
	v6 =	vmul.f32 $1.131370830e+01, v7  }
0xf8: {  	v7 =	vld [tilespmem:s13+$0xFFFFE680];
	[tilespmem:s6+$0xFFFFFFF0] =	vst v3;
	v2 =	vmul.f32 $1.131370830e+01, v2  }
0xf9: {  	v3 =	vld [tilespmem:s14+$0xFFFFE700];
	[tilespmem:s6+$0xFFFFFF70] =	vst v6;
	v5 =	vmul.f32 $1.131370830e+01, v5  }
0xfa: {  	v6 =	vld [tilespmem:s14+$0xFFFFE680];
	[tilespmem:s8+$0xFFFFFFF0] =	vst v2  }
0xfb: {  	v2 =	vld [tilespmem:s7+$0xFFFFE700];
	[tilespmem:s8+$0xFFFFFF70] =	vst v5  }
0xfc: {  	v4 =	vmul.f32 $1.131370830e+01, v4;
	v5 =	vld [tilespmem:s7+$0xFFFFE680]  }
0xfd: {  	v7 =	vmul.f32 $1.131370830e+01, v7  }
0xfe: {  	[tilespmem:s11+$0xFFFFE400] =	vst v4;
	v3 =	vmul.f32 $1.131370830e+01, v3  }
0xff: {  	[tilespmem:s11+$0xFFFFE380] =	vst v7;
	v4 =	vld [tilespmem:s13+$0x0];
	v6 =	vmul.f32 $1.131370830e+01, v6  }
0x100: {  	v7 =	vld [tilespmem:s13+$0xFFFFFF80];
	[tilespmem:s6+$0xFFFFE400] =	vst v3;
	v2 =	vmul.f32 $1.131370830e+01, v2  }
0x101: {  	v3 =	vld [tilespmem:s14+$0x0];
	[tilespmem:s6+$0xFFFFE380] =	vst v6;
	v5 =	vmul.f32 $1.131370830e+01, v5  }
0x102: {  	v0 =	vmul.f32 $1.131370830e+01, v0;
	v6 =	vld [tilespmem:s14+$0xFFFFFF80];
	[tilespmem:s8+$0xFFFFE400] =	vst v2  }
0x103: {  	v1 =	vmul.f32 $1.131370830e+01, v1;
	v2 =	vld [tilespmem:s7+$0x0];
	[tilespmem:s8+$0xFFFFE380] =	vst v5  }
0x104: {  	[tilespmem:s10+$0x0] =	vst v0;
	v0 =	vmul.f32 $1.131370830e+01, v4;
	v4 =	vld [tilespmem:s7+$0xFFFFFF80]  }
0x105: {  	[tilespmem:s10+$0xFFFFFF80] =	vst v1;
	v1 =	vmul.f32 $1.131370830e+01, v7  }
0x106: {  	[tilespmem:s11+$0x0] =	vst v0;
	v0 =	vmul.f32 $1.131370830e+01, v3  }
0x107: {  	[tilespmem:s11+$0xFFFFFF80] =	vst v1;
	v1 =	vmul.f32 $1.131370830e+01, v6  }
0x108: {  	[tilespmem:s6+$0x0] =	vst v0;
	v0 =	vmul.f32 $1.131370830e+01, v2  }
0x109: {  	[tilespmem:s6+$0xFFFFFF80] =	vst v1;
	v1 =	vmul.f32 $1.131370830e+01, v4  }
0x10a: {  	p1 =	seq.s32 s0, $0xF;
	[tilespmem:s8+$0x0] =	vst v0  }
0x10b: {  	s7 =	simm.s32 @!p1 $0x64;
	s6 =	sadd.s32 @!p1 $0x200, s2;
	[tilespmem:s8+$0xFFFFFF80] =	vst v1;
	s8 =	simm.s32 @!p1 $0x2000  }
0x10c: {  	[tilespmem:s8], [sflag:$0x1] =	stream.indirect.gather @!p1 [hbm4b:s1+s7], $0x80, s6, s7, $0xb8;
	[tilespmem:$0x1D000] =	vst v63  }
0x10d: {  	_ =	swait.ge [sflag:s17], $0x3200  }
0x10e: {  	[sflag:s17] =	ssyncset.done $0x0  }
0x10f: {  	s6 =	simm.s32 $0x0;
	[sflag:s17] =	ssyncadd.s32 $0xFFFFCE00  }
0x110: {  	v0 =	vld [tilespmem:s6+$0x5400]  }
0x111: {  	v1 =	vld [tilespmem:s6+$0x6D00]  }
0x112: {  	v2 =	vld [tilespmem:s6+$0x5410]  }
0x113: {  	v3 =	vld [tilespmem:s6+$0x6D10]  }
0x114: {  	v4 =	vld [tilespmem:s6+$0x5420]  }
0x115: {  	v6 =	vld [tilespmem:s6+$0x5430];
	v0 =	vmul.f32 $1.131370830e+01, v0  }
0x116: {  	v5 =	vld [tilespmem:s6+$0x6D20];
	v1 =	vmul.f32 $1.131370830e+01, v1  }
0x117: {  	v7 =	vld [tilespmem:s6+$0x6DF0];
	v2 =	vmul.f32 $1.131370830e+01, v2;
	[tilespmem:s6+$0x12800] =	vst v0  }
0x118: {  	v3 =	vmul.f32 $1.131370830e+01, v3;
	v0 =	vld [tilespmem:s6+$0x6D30];
	[tilespmem:s6+$0x14400] =	vst v1  }
0x119: {  	v4 =	vmul.f32 $1.131370830e+01, v4;
	v1 =	vld [tilespmem:s6+$0x5440];
	[tilespmem:s6+$0x12810] =	vst v2  }
0x11a: {  	v6 =	vmul.f32 $1.131370830e+01, v6;
	v2 =	vld [tilespmem:s6+$0x6D40];
	[tilespmem:s6+$0x14410] =	vst v3  }
0x11b: {  	v5 =	vmul.f32 $1.131370830e+01, v5;
	v3 =	vld [tilespmem:s6+$0x5450];
	[tilespmem:s6+$0x12820] =	vst v4  }
0x11c: {  	v4 =	vld [tilespmem:s6+$0x6D50];
	[tilespmem:s6+$0x12830] =	vst v6;
	v6 =	vmul.f32 $1.131370830e+01, v7  }
0x11d: {  	[tilespmem:s6+$0x14420] =	vst v5;
	v5 =	vld [tilespmem:s6+$0x5460];
	v0 =	vmul.f32 $1.131370830e+01, v0  }
0x11e: {  	v7 =	vld [tilespmem:s6+$0x6D60];
	[tilespmem:s6+$0x144F0] =	vst v6;
	v1 =	vmul.f32 $1.131370830e+01, v1  }
0x11f: {  	v2 =	vmul.f32 $1.131370830e+01, v2;
	[tilespmem:s6+$0x14430] =	vst v0;
	v0 =	vld [tilespmem:s6+$0x5480]  }
0x120: {  	v6 =	vld [tilespmem:s6+$0x5470];
	[tilespmem:s6+$0x12840] =	vst v1;
	v1 =	vmul.f32 $1.131370830e+01, v3  }
0x121: {  	v8 =	vld [tilespmem:s6+$0x6D80];
	[tilespmem:s6+$0x14440] =	vst v2;
	v2 =	vmul.f32 $1.131370830e+01, v4  }
0x122: {  	v14 =	vld [tilespmem:s6+$0x6D70];
	v3 =	vmul.f32 $1.131370830e+01, v5;
	[tilespmem:s6+$0x12850] =	vst v1  }
0x123: {  	v9 =	vld [tilespmem:s6+$0x5490];
	v5 =	vmul.f32 $1.131370830e+01, v7;
	[tilespmem:s6+$0x14450] =	vst v2  }
0x124: {  	v10 =	vld [tilespmem:s6+$0x6D90];
	[tilespmem:s6+$0x12860] =	vst v3;
	v0 =	vmul.f32 $1.131370830e+01, v0  }
0x125: {  	v11 =	vld [tilespmem:s6+$0x54A0];
	v6 =	vmul.f32 $1.131370830e+01, v6;
	[tilespmem:s6+$0x14460] =	vst v5  }
0x126: {  	v12 =	vld [tilespmem:s6+$0x6DA0];
	[tilespmem:s6+$0x12880] =	vst v0;
	v0 =	vmul.f32 $1.131370830e+01, v8  }
0x127: {  	v13 =	vld [tilespmem:s6+$0x54B0];
	v7 =	vmul.f32 $1.131370830e+01, v14;
	[tilespmem:s6+$0x12870] =	vst v6  }
0x128: {  	v8 =	vld [tilespmem:s6+$0x6DB0];
	[tilespmem:s6+$0x14480] =	vst v0;
	v0 =	vmul.f32 $1.131370830e+01, v9  }
0x129: {  	v4 =	vld [tilespmem:s6+$0x54C0];
	v1 =	vmul.f32 $1.131370830e+01, v10;
	[tilespmem:s6+$0x14470] =	vst v7  }
0x12a: {  	v2 =	vmul.f32 $1.131370830e+01, v11;
	[tilespmem:s6+$0x12890] =	vst v0;
	v0 =	vld [tilespmem:s6+$0x6DC0]  }
0x12b: {  	v3 =	vmul.f32 $1.131370830e+01, v12;
	[tilespmem:s6+$0x14490] =	vst v1;
	v1 =	vld [tilespmem:s6+$0x54D0]  }
0x12c: {  	v5 =	vmul.f32 $1.131370830e+01, v13;
	[tilespmem:s6+$0x128A0] =	vst v2;
	v2 =	vld [tilespmem:s6+$0x6DD0]  }
0x12d: {  	[tilespmem:s6+$0x144A0] =	vst v3;
	v3 =	vld [tilespmem:s6+$0x54E0];
	v6 =	vmul.f32 $1.131370830e+01, v8  }
0x12e: {  	s7 =	simm.s32 $0x0;
	s8 =	simm.s32 $0x400;
	[tilespmem:s6+$0x128B0] =	vst v5;
	v5 =	vmul.f32 $1.131370830e+01, v4;
	v4 =	vld [tilespmem:s6+$0x6DE0]  }
.LBB2_5:
0x12f: {  	s10 =	sshra.s32 s8, $0x2;
	s7 =	sadd.s32 $0x2, s7;
	[tilespmem:s6+$0x144B0] =	vst v6;
	v0 =	vmul.f32 $1.131370830e+01, v0;
	v6 =	vld [tilespmem:s6+$0x54F0]  }
0x130: {  	v7 =	vld [tilespmem:s10+$0x6DF0];
	p2 =	slt.u32 s7, $0x30;
	[tilespmem:s6+$0x128C0] =	vst v5;
	v1 =	vmul.f32 $1.131370830e+01, v1  }
0x131: {  	v5 =	vld [tilespmem:s10+$0x5400];
	[tilespmem:s6+$0x144C0] =	vst v0;
	v0 =	vmul.f32 $1.131370830e+01, v2  }
0x132: {  	v2 =	vld [tilespmem:s10+$0x6D00];
	[tilespmem:s6+$0x128D0] =	vst v1;
	v1 =	vmul.f32 $1.131370830e+01, v3  }
0x133: {  	v3 =	vld [tilespmem:s10+$0x5410];
	[tilespmem:s6+$0x144D0] =	vst v0;
	v0 =	vmul.f32 $1.131370830e+01, v4  }
0x134: {  	v4 =	vld [tilespmem:s10+$0x6D10];
	[tilespmem:s6+$0x128E0] =	vst v1;
	v1 =	vmul.f32 $1.131370830e+01, v6  }
0x135: {  	v6 =	vld [tilespmem:s10+$0x5420];
	v7 =	vmul.f32 $1.131370830e+01, v7;
	[tilespmem:s6+$0x144E0] =	vst v0  }
0x136: {  	v0 =	vmul.f32 $1.131370830e+01, v5;
	v5 =	vld [tilespmem:s10+$0x6D20];
	[tilespmem:s6+$0x128F0] =	vst v1;
	s6 =	smov.u32 s10  }
0x137: {  	v1 =	vmul.f32 $1.131370830e+01, v2;
	v2 =	vld [tilespmem:s6+$0x5430];
	[tilespmem:s6+$0x144F0] =	vst v7  }
0x138: {  	[tilespmem:s6+$0x12800] =	vst v0;
	v0 =	vmul.f32 $1.131370830e+01, v3;
	v3 =	vld [tilespmem:s6+$0x6D30]  }
0x139: {  	[tilespmem:s6+$0x14400] =	vst v1;
	v1 =	vmul.f32 $1.131370830e+01, v4;
	v4 =	vld [tilespmem:s6+$0x5440]  }
0x13a: {  	[tilespmem:s6+$0x12810] =	vst v0;
	v0 =	vmul.f32 $1.131370830e+01, v6;
	v6 =	vld [tilespmem:s6+$0x6D40]  }
0x13b: {  	[tilespmem:s6+$0x14410] =	vst v1;
	v1 =	vmul.f32 $1.131370830e+01, v5;
	v5 =	vld [tilespmem:s6+$0x5450]  }
0x13c: {  	[tilespmem:s6+$0x12820] =	vst v0;
	v0 =	vmul.f32 $1.131370830e+01, v2;
	v2 =	vld [tilespmem:s6+$0x6D50]  }
0x13d: {  	[tilespmem:s6+$0x14420] =	vst v1;
	v1 =	vmul.f32 $1.131370830e+01, v3;
	v3 =	vld [tilespmem:s6+$0x5460]  }
0x13e: {  	[tilespmem:s6+$0x12830] =	vst v0;
	v0 =	vmul.f32 $1.131370830e+01, v4;
	v4 =	vld [tilespmem:s6+$0x6D60]  }
0x13f: {  	[tilespmem:s6+$0x14430] =	vst v1;
	v1 =	vmul.f32 $1.131370830e+01, v6;
	v6 =	vld [tilespmem:s6+$0x5470]  }
0x140: {  	[tilespmem:s6+$0x12840] =	vst v0;
	v0 =	vmul.f32 $1.131370830e+01, v5;
	v5 =	vld [tilespmem:s6+$0x6D70]  }
0x141: {  	[tilespmem:s6+$0x14440] =	vst v1;
	v1 =	vmul.f32 $1.131370830e+01, v2;
	v2 =	vld [tilespmem:s6+$0x5480]  }
0x142: {  	[tilespmem:s6+$0x12850] =	vst v0;
	v0 =	vmul.f32 $1.131370830e+01, v3;
	v3 =	vld [tilespmem:s6+$0x6D80]  }
0x143: {  	[tilespmem:s6+$0x14450] =	vst v1;
	v1 =	vmul.f32 $1.131370830e+01, v4;
	v4 =	vld [tilespmem:s6+$0x5490]  }
0x144: {  	[tilespmem:s6+$0x12860] =	vst v0;
	v0 =	vmul.f32 $1.131370830e+01, v6;
	v6 =	vld [tilespmem:s6+$0x6D90]  }
0x145: {  	[tilespmem:s6+$0x14460] =	vst v1;
	v1 =	vmul.f32 $1.131370830e+01, v5;
	v5 =	vld [tilespmem:s6+$0x54A0]  }
0x146: {  	[tilespmem:s6+$0x12870] =	vst v0;
	v0 =	vmul.f32 $1.131370830e+01, v2;
	v2 =	vld [tilespmem:s6+$0x6DA0]  }
0x147: {  	[tilespmem:s6+$0x14470] =	vst v1;
	v1 =	vmul.f32 $1.131370830e+01, v3;
	v3 =	vld [tilespmem:s6+$0x54B0]  }
0x148: {  	[tilespmem:s6+$0x12880] =	vst v0;
	v0 =	vmul.f32 $1.131370830e+01, v4;
	v4 =	vld [tilespmem:s6+$0x6DB0]  }
0x149: {  	[tilespmem:s6+$0x14480] =	vst v1;
	v1 =	vmul.f32 $1.131370830e+01, v6;
	v7 =	vld [tilespmem:s6+$0x54C0]  }
.Ltmp1:
0x14a: {  	[tilespmem:s6+$0x12890] =	vst v0;
	v5 =	vmul.f32 $1.131370830e+01, v5;
	v0 =	vld [tilespmem:s6+$0x6DC0];
	(pc) =	sbr.rel @p2 .LBB2_5-.Ltmp1, $4  }
0x14b: {  	[tilespmem:s6+$0x14490] =	vst v1;
	v6 =	vmul.f32 $1.131370830e+01, v2;
	v1 =	vld [tilespmem:s6+$0x54D0]  }
0x14c: {  	[tilespmem:s6+$0x128A0] =	vst v5;
	v5 =	vmul.f32 $1.131370830e+01, v3;
	v2 =	vld [tilespmem:s6+$0x6DD0]  }
0x14d: {  	[tilespmem:s6+$0x144A0] =	vst v6;
	v6 =	vmul.f32 $1.131370830e+01, v4;
	v3 =	vld [tilespmem:s6+$0x54E0]  }
0x14e: {  	s8 =	sadd.s32 $0x400, s8;
	[tilespmem:s6+$0x128B0] =	vst v5;
	v5 =	vmul.f32 $1.131370830e+01, v7;
	v4 =	vld [tilespmem:s6+$0x6DE0]  }
0x14f: {  	[tilespmem:s6+$0x144B0] =	vst v6;
	v0 =	vmul.f32 $1.131370830e+01, v0;
	v6 =	vld [tilespmem:s6+$0x54F0]  }
0x150: {  	[tilespmem:s6+$0x128C0] =	vst v5;
	v1 =	vmul.f32 $1.131370830e+01, v1  }
0x151: {  	[tilespmem:s6+$0x144C0] =	vst v0;
	v0 =	vmul.f32 $1.131370830e+01, v2  }
0x152: {  	s10 =	sshll.u32 s0, $0x3;
	[tilespmem:s6+$0x128D0] =	vst v1;
	v1 =	vmul.f32 $1.131370830e+01, v3  }
0x153: {  	s7 =	sadd.s32 s5, s10;
	[tilespmem:s6+$0x144D0] =	vst v0;
	v0 =	vmul.f32 $1.131370830e+01, v4  }
0x154: {  	s7 =	smul.u32 $0x380, s7;
	[tilespmem:s6+$0x128E0] =	vst v1;
	v1 =	vmul.f32 $1.131370830e+01, v6  }
0x155: {  	[tilespmem:s6+$0x144E0] =	vst v0  }
0x156: {  	s30 =	sadd.s32 s4, s7;
	[tilespmem:s6+$0x128F0] =	vst v1  }
0x157: {  	[hbm4b:s30+s3] =	stream.linear.scatter [tilespmem:s18], [sflag:$0x5], $0x1900, $0x38;
	[tilespmem:$0x1D000] =	vst v63  }
0x158: {  	s7 =	sadd.s32 $0x380, s30  }
0x159: {  	[hbm4b:s7+s3] =	stream.linear.scatter [tilespmem:s19], [sflag:$0x5], $0x1900, $0x38;
	[tilespmem:$0x1D000] =	vst v63  }
0x15a: {  	s31 =	sadd.s32 $0x700, s30  }
0x15b: {  	[hbm4b:s31+s3] =	stream.linear.scatter [tilespmem:s20], [sflag:$0x5], $0x1900, $0x38;
	[tilespmem:$0x1D000] =	vst v63  }
0x15c: {  	s6 =	sadd.s32 $0xA80, s30  }
0x15d: {  	[hbm4b:s6+s3] =	stream.linear.scatter [tilespmem:s21], [sflag:$0x5], $0x1900, $0x38;
	[tilespmem:$0x1D000] =	vst v63  }
0x15e: {  	s6 =	simm.s32 @!p0 $0x6  }
0x15f: {  	p2 =	seq.s32 @!p0 s0, $0xF;
	_ =	swait.ge @!p0 [sflag:s6], $0x6400  }
0x160: {  	p2 =	por p0, !p2;
	[sflag:s6] =	ssyncset.done @!p0 $0x0  }
0x161: {  	s7 =	simm.s32 @p2 $0x5400;
	[sflag:s6] =	ssyncadd.s32 @!p0 $0xFFFF9C00;
	s6 =	sadd.s32 @p2 $0x280, s2  }
0x162: {  	[tilespmem:s7], [sflag:$0x2] =	stream.indirect.gather @p2 [hbm4b:s1+s9], $0x80, s6, s9, $0xb8;
	[tilespmem:$0x1D000] =	vst v63  }
0x163: {  	_ =	swait.ge [sflag:s22], $0x3200  }
0x164: {  	[sflag:s22] =	ssyncset.done $0x0  }
0x165: {  	s6 =	simm.s32 $0x0;
	[sflag:s22] =	ssyncadd.s32 $0xFFFFCE00  }
0x166: {  	v0 =	vld [tilespmem:s6+$0x8800]  }
0x167: {  	v1 =	vld [tilespmem:s6+$0xA100]  }
0x168: {  	v2 =	vld [tilespmem:s6+$0x8810]  }
0x169: {  	v3 =	vld [tilespmem:s6+$0xA110]  }
0x16a: {  	v4 =	vld [tilespmem:s6+$0x8820]  }
0x16b: {  	v6 =	vld [tilespmem:s6+$0x8830];
	v0 =	vmul.f32 $1.131370830e+01, v0  }
0x16c: {  	v5 =	vld [tilespmem:s6+$0xA120];
	v1 =	vmul.f32 $1.131370830e+01, v1  }
0x16d: {  	v7 =	vld [tilespmem:s6+$0xA1F0];
	v2 =	vmul.f32 $1.131370830e+01, v2;
	[tilespmem:s6+$0x16000] =	vst v0  }
0x16e: {  	v3 =	vmul.f32 $1.131370830e+01, v3;
	v0 =	vld [tilespmem:s6+$0xA130];
	[tilespmem:s6+$0x17C00] =	vst v1  }
0x16f: {  	v4 =	vmul.f32 $1.131370830e+01, v4;
	v1 =	vld [tilespmem:s6+$0x8840];
	[tilespmem:s6+$0x16010] =	vst v2  }
0x170: {  	v6 =	vmul.f32 $1.131370830e+01, v6;
	v2 =	vld [tilespmem:s6+$0xA140];
	[tilespmem:s6+$0x17C10] =	vst v3  }
0x171: {  	v5 =	vmul.f32 $1.131370830e+01, v5;
	v3 =	vld [tilespmem:s6+$0x8850];
	[tilespmem:s6+$0x16020] =	vst v4  }
0x172: {  	v4 =	vld [tilespmem:s6+$0xA150];
	[tilespmem:s6+$0x16030] =	vst v6;
	v6 =	vmul.f32 $1.131370830e+01, v7  }
0x173: {  	[tilespmem:s6+$0x17C20] =	vst v5;
	v5 =	vld [tilespmem:s6+$0x8860];
	v0 =	vmul.f32 $1.131370830e+01, v0  }
0x174: {  	v7 =	vld [tilespmem:s6+$0xA160];
	[tilespmem:s6+$0x17CF0] =	vst v6;
	v1 =	vmul.f32 $1.131370830e+01, v1  }
0x175: {  	v2 =	vmul.f32 $1.131370830e+01, v2;
	[tilespmem:s6+$0x17C30] =	vst v0;
	v0 =	vld [tilespmem:s6+$0x8880]  }
0x176: {  	v6 =	vld [tilespmem:s6+$0x8870];
	[tilespmem:s6+$0x16040] =	vst v1;
	v1 =	vmul.f32 $1.131370830e+01, v3  }
0x177: {  	v8 =	vld [tilespmem:s6+$0xA180];
	[tilespmem:s6+$0x17C40] =	vst v2;
	v2 =	vmul.f32 $1.131370830e+01, v4  }
0x178: {  	v14 =	vld [tilespmem:s6+$0xA170];
	v3 =	vmul.f32 $1.131370830e+01, v5;
	[tilespmem:s6+$0x16050] =	vst v1  }
0x179: {  	v9 =	vld [tilespmem:s6+$0x8890];
	v5 =	vmul.f32 $1.131370830e+01, v7;
	[tilespmem:s6+$0x17C50] =	vst v2  }
0x17a: {  	v10 =	vld [tilespmem:s6+$0xA190];
	[tilespmem:s6+$0x16060] =	vst v3;
	v0 =	vmul.f32 $1.131370830e+01, v0  }
0x17b: {  	v11 =	vld [tilespmem:s6+$0x88A0];
	v6 =	vmul.f32 $1.131370830e+01, v6;
	[tilespmem:s6+$0x17C60] =	vst v5  }
0x17c: {  	v12 =	vld [tilespmem:s6+$0xA1A0];
	[tilespmem:s6+$0x16080] =	vst v0;
	v0 =	vmul.f32 $1.131370830e+01, v8  }
0x17d: {  	v13 =	vld [tilespmem:s6+$0x88B0];
	v7 =	vmul.f32 $1.131370830e+01, v14;
	[tilespmem:s6+$0x16070] =	vst v6  }
0x17e: {  	v8 =	vld [tilespmem:s6+$0xA1B0];
	[tilespmem:s6+$0x17C80] =	vst v0;
	v0 =	vmul.f32 $1.131370830e+01, v9  }
0x17f: {  	v4 =	vld [tilespmem:s6+$0x88C0];
	v1 =	vmul.f32 $1.131370830e+01, v10;
	[tilespmem:s6+$0x17C70] =	vst v7  }
0x180: {  	v2 =	vmul.f32 $1.131370830e+01, v11;
	[tilespmem:s6+$0x16090] =	vst v0;
	v0 =	vld [tilespmem:s6+$0xA1C0]  }
0x181: {  	v3 =	vmul.f32 $1.131370830e+01, v12;
	[tilespmem:s6+$0x17C90] =	vst v1;
	v1 =	vld [tilespmem:s6+$0x88D0]  }
0x182: {  	v5 =	vmul.f32 $1.131370830e+01, v13;
	[tilespmem:s6+$0x160A0] =	vst v2;
	v2 =	vld [tilespmem:s6+$0xA1D0]  }
0x183: {  	[tilespmem:s6+$0x17CA0] =	vst v3;
	v3 =	vld [tilespmem:s6+$0x88E0];
	v6 =	vmul.f32 $1.131370830e+01, v8  }
0x184: {  	s8 =	simm.s32 $0x400;
	s7 =	simm.s32 $0x0;
	[tilespmem:s6+$0x160B0] =	vst v5;
	v5 =	vmul.f32 $1.131370830e+01, v4;
	v4 =	vld [tilespmem:s6+$0xA1E0]  }
.LBB2_7:
0x185: {  	s11 =	sshra.s32 s8, $0x2;
	s7 =	sadd.s32 $0x2, s7;
	[tilespmem:s6+$0x17CB0] =	vst v6;
	v0 =	vmul.f32 $1.131370830e+01, v0;
	v6 =	vld [tilespmem:s6+$0x88F0]  }
0x186: {  	v7 =	vld [tilespmem:s11+$0xA1F0];
	p0 =	slt.u32 s7, $0x30;
	[tilespmem:s6+$0x160C0] =	vst v5;
	v1 =	vmul.f32 $1.131370830e+01, v1  }
0x187: {  	v5 =	vld [tilespmem:s11+$0x8800];
	[tilespmem:s6+$0x17CC0] =	vst v0;
	v0 =	vmul.f32 $1.131370830e+01, v2  }
0x188: {  	v2 =	vld [tilespmem:s11+$0xA100];
	[tilespmem:s6+$0x160D0] =	vst v1;
	v1 =	vmul.f32 $1.131370830e+01, v3  }
0x189: {  	v3 =	vld [tilespmem:s11+$0x8810];
	[tilespmem:s6+$0x17CD0] =	vst v0;
	v0 =	vmul.f32 $1.131370830e+01, v4  }
0x18a: {  	v4 =	vld [tilespmem:s11+$0xA110];
	[tilespmem:s6+$0x160E0] =	vst v1;
	v1 =	vmul.f32 $1.131370830e+01, v6  }
0x18b: {  	v6 =	vld [tilespmem:s11+$0x8820];
	v7 =	vmul.f32 $1.131370830e+01, v7;
	[tilespmem:s6+$0x17CE0] =	vst v0  }
0x18c: {  	v0 =	vmul.f32 $1.131370830e+01, v5;
	v5 =	vld [tilespmem:s11+$0xA120];
	[tilespmem:s6+$0x160F0] =	vst v1;
	s6 =	smov.u32 s11  }
0x18d: {  	v1 =	vmul.f32 $1.131370830e+01, v2;
	v2 =	vld [tilespmem:s6+$0x8830];
	[tilespmem:s6+$0x17CF0] =	vst v7  }
0x18e: {  	[tilespmem:s6+$0x16000] =	vst v0;
	v0 =	vmul.f32 $1.131370830e+01, v3;
	v3 =	vld [tilespmem:s6+$0xA130]  }
0x18f: {  	[tilespmem:s6+$0x17C00] =	vst v1;
	v1 =	vmul.f32 $1.131370830e+01, v4;
	v4 =	vld [tilespmem:s6+$0x8840]  }
0x190: {  	[tilespmem:s6+$0x16010] =	vst v0;
	v0 =	vmul.f32 $1.131370830e+01, v6;
	v6 =	vld [tilespmem:s6+$0xA140]  }
0x191: {  	[tilespmem:s6+$0x17C10] =	vst v1;
	v1 =	vmul.f32 $1.131370830e+01, v5;
	v5 =	vld [tilespmem:s6+$0x8850]  }
0x192: {  	[tilespmem:s6+$0x16020] =	vst v0;
	v0 =	vmul.f32 $1.131370830e+01, v2;
	v2 =	vld [tilespmem:s6+$0xA150]  }
0x193: {  	[tilespmem:s6+$0x17C20] =	vst v1;
	v1 =	vmul.f32 $1.131370830e+01, v3;
	v3 =	vld [tilespmem:s6+$0x8860]  }
0x194: {  	[tilespmem:s6+$0x16030] =	vst v0;
	v0 =	vmul.f32 $1.131370830e+01, v4;
	v4 =	vld [tilespmem:s6+$0xA160]  }
0x195: {  	[tilespmem:s6+$0x17C30] =	vst v1;
	v1 =	vmul.f32 $1.131370830e+01, v6;
	v6 =	vld [tilespmem:s6+$0x8870]  }
0x196: {  	[tilespmem:s6+$0x16040] =	vst v0;
	v0 =	vmul.f32 $1.131370830e+01, v5;
	v5 =	vld [tilespmem:s6+$0xA170]  }
0x197: {  	[tilespmem:s6+$0x17C40] =	vst v1;
	v1 =	vmul.f32 $1.131370830e+01, v2;
	v2 =	vld [tilespmem:s6+$0x8880]  }
0x198: {  	[tilespmem:s6+$0x16050] =	vst v0;
	v0 =	vmul.f32 $1.131370830e+01, v3;
	v3 =	vld [tilespmem:s6+$0xA180]  }
0x199: {  	[tilespmem:s6+$0x17C50] =	vst v1;
	v1 =	vmul.f32 $1.131370830e+01, v4;
	v4 =	vld [tilespmem:s6+$0x8890]  }
0x19a: {  	[tilespmem:s6+$0x16060] =	vst v0;
	v0 =	vmul.f32 $1.131370830e+01, v6;
	v6 =	vld [tilespmem:s6+$0xA190]  }
0x19b: {  	[tilespmem:s6+$0x17C60] =	vst v1;
	v1 =	vmul.f32 $1.131370830e+01, v5;
	v5 =	vld [tilespmem:s6+$0x88A0]  }
0x19c: {  	[tilespmem:s6+$0x16070] =	vst v0;
	v0 =	vmul.f32 $1.131370830e+01, v2;
	v2 =	vld [tilespmem:s6+$0xA1A0]  }
0x19d: {  	[tilespmem:s6+$0x17C70] =	vst v1;
	v1 =	vmul.f32 $1.131370830e+01, v3;
	v3 =	vld [tilespmem:s6+$0x88B0]  }
0x19e: {  	[tilespmem:s6+$0x16080] =	vst v0;
	v0 =	vmul.f32 $1.131370830e+01, v4;
	v4 =	vld [tilespmem:s6+$0xA1B0]  }
0x19f: {  	[tilespmem:s6+$0x17C80] =	vst v1;
	v1 =	vmul.f32 $1.131370830e+01, v6;
	v7 =	vld [tilespmem:s6+$0x88C0]  }
.Ltmp2:
0x1a0: {  	[tilespmem:s6+$0x16090] =	vst v0;
	v5 =	vmul.f32 $1.131370830e+01, v5;
	v0 =	vld [tilespmem:s6+$0xA1C0];
	(pc) =	sbr.rel @p0 .LBB2_7-.Ltmp2, $4  }
0x1a1: {  	[tilespmem:s6+$0x17C90] =	vst v1;
	v6 =	vmul.f32 $1.131370830e+01, v2;
	v1 =	vld [tilespmem:s6+$0x88D0]  }
0x1a2: {  	[tilespmem:s6+$0x160A0] =	vst v5;
	v5 =	vmul.f32 $1.131370830e+01, v3;
	v2 =	vld [tilespmem:s6+$0xA1D0]  }
0x1a3: {  	[tilespmem:s6+$0x17CA0] =	vst v6;
	v6 =	vmul.f32 $1.131370830e+01, v4;
	v3 =	vld [tilespmem:s6+$0x88E0]  }
0x1a4: {  	s8 =	sadd.s32 $0x400, s8;
	[tilespmem:s6+$0x160B0] =	vst v5;
	v5 =	vmul.f32 $1.131370830e+01, v7;
	v4 =	vld [tilespmem:s6+$0xA1E0]  }
0x1a5: {  	[tilespmem:s6+$0x17CB0] =	vst v6;
	v0 =	vmul.f32 $1.131370830e+01, v0;
	v6 =	vld [tilespmem:s6+$0x88F0]  }
0x1a6: {  	[tilespmem:s6+$0x160C0] =	vst v5;
	v1 =	vmul.f32 $1.131370830e+01, v1  }
0x1a7: {  	[tilespmem:s6+$0x17CC0] =	vst v0;
	v0 =	vmul.f32 $1.131370830e+01, v2  }
0x1a8: {  	[tilespmem:s6+$0x160D0] =	vst v1;
	v1 =	vmul.f32 $1.131370830e+01, v3  }
0x1a9: {  	[tilespmem:s6+$0x17CD0] =	vst v0;
	v0 =	vmul.f32 $1.131370830e+01, v4  }
0x1aa: {  	[tilespmem:s6+$0x160E0] =	vst v1;
	v1 =	vmul.f32 $1.131370830e+01, v6  }
0x1ab: {  	[tilespmem:s6+$0x17CE0] =	vst v0  }
0x1ac: {  	s2 =	sadd.s32 @!p1 $0x300, s2;
	s7 =	simm.s32 @!p1 $0x8800;
	[tilespmem:s6+$0x160F0] =	vst v1;
	s6 =	simm.s32 @!p1 $0x64  }
0x1ad: {  	[tilespmem:s7], [sflag:$0x3] =	stream.indirect.gather @!p1 [hbm4b:s1+s6], $0x80, s2, s6, $0xb8;
	[tilespmem:$0x1D000] =	vst v63  }
0x1ae: {  	_ =	swait.ge [sflag:s23], $0x3200  }
0x1af: {  	[sflag:s23] =	ssyncset.done $0x0  }
0x1b0: {  	s2 =	simm.s32 $0x0;
	[sflag:s23] =	ssyncadd.s32 $0xFFFFCE00  }
0x1b1: {  	v0 =	vld [tilespmem:s2+$0xBC00]  }
0x1b2: {  	v1 =	vld [tilespmem:s2+$0xD500]  }
0x1b3: {  	v2 =	vld [tilespmem:s2+$0xBC10]  }
0x1b4: {  	v3 =	vld [tilespmem:s2+$0xD510]  }
0x1b5: {  	v4 =	vld [tilespmem:s2+$0xBC20]  }
0x1b6: {  	v6 =	vld [tilespmem:s2+$0xBC30];
	v0 =	vmul.f32 $1.131370830e+01, v0  }
0x1b7: {  	v5 =	vld [tilespmem:s2+$0xD520];
	v1 =	vmul.f32 $1.131370830e+01, v1  }
0x1b8: {  	v7 =	vld [tilespmem:s2+$0xD5F0];
	v2 =	vmul.f32 $1.131370830e+01, v2;
	[tilespmem:s2+$0x19800] =	vst v0  }
0x1b9: {  	v3 =	vmul.f32 $1.131370830e+01, v3;
	v0 =	vld [tilespmem:s2+$0xD530];
	[tilespmem:s2+$0x1B400] =	vst v1  }
0x1ba: {  	v4 =	vmul.f32 $1.131370830e+01, v4;
	v1 =	vld [tilespmem:s2+$0xBC40];
	[tilespmem:s2+$0x19810] =	vst v2  }
0x1bb: {  	v6 =	vmul.f32 $1.131370830e+01, v6;
	v2 =	vld [tilespmem:s2+$0xD540];
	[tilespmem:s2+$0x1B410] =	vst v3  }
0x1bc: {  	v5 =	vmul.f32 $1.131370830e+01, v5;
	v3 =	vld [tilespmem:s2+$0xBC50];
	[tilespmem:s2+$0x19820] =	vst v4  }
0x1bd: {  	v4 =	vld [tilespmem:s2+$0xD550];
	[tilespmem:s2+$0x19830] =	vst v6;
	v6 =	vmul.f32 $1.131370830e+01, v7  }
0x1be: {  	[tilespmem:s2+$0x1B420] =	vst v5;
	v5 =	vld [tilespmem:s2+$0xBC60];
	v0 =	vmul.f32 $1.131370830e+01, v0  }
0x1bf: {  	v7 =	vld [tilespmem:s2+$0xD560];
	[tilespmem:s2+$0x1B4F0] =	vst v6;
	v1 =	vmul.f32 $1.131370830e+01, v1  }
0x1c0: {  	v2 =	vmul.f32 $1.131370830e+01, v2;
	[tilespmem:s2+$0x1B430] =	vst v0;
	v0 =	vld [tilespmem:s2+$0xBC80]  }
0x1c1: {  	v6 =	vld [tilespmem:s2+$0xBC70];
	[tilespmem:s2+$0x19840] =	vst v1;
	v1 =	vmul.f32 $1.131370830e+01, v3  }
0x1c2: {  	v8 =	vld [tilespmem:s2+$0xD580];
	[tilespmem:s2+$0x1B440] =	vst v2;
	v2 =	vmul.f32 $1.131370830e+01, v4  }
0x1c3: {  	v14 =	vld [tilespmem:s2+$0xD570];
	v3 =	vmul.f32 $1.131370830e+01, v5;
	[tilespmem:s2+$0x19850] =	vst v1  }
0x1c4: {  	v9 =	vld [tilespmem:s2+$0xBC90];
	v5 =	vmul.f32 $1.131370830e+01, v7;
	[tilespmem:s2+$0x1B450] =	vst v2  }
0x1c5: {  	v10 =	vld [tilespmem:s2+$0xD590];
	[tilespmem:s2+$0x19860] =	vst v3;
	v0 =	vmul.f32 $1.131370830e+01, v0  }
0x1c6: {  	v11 =	vld [tilespmem:s2+$0xBCA0];
	v6 =	vmul.f32 $1.131370830e+01, v6;
	[tilespmem:s2+$0x1B460] =	vst v5  }
0x1c7: {  	v12 =	vld [tilespmem:s2+$0xD5A0];
	[tilespmem:s2+$0x19880] =	vst v0;
	v0 =	vmul.f32 $1.131370830e+01, v8  }
0x1c8: {  	v13 =	vld [tilespmem:s2+$0xBCB0];
	v7 =	vmul.f32 $1.131370830e+01, v14;
	[tilespmem:s2+$0x19870] =	vst v6  }
0x1c9: {  	v8 =	vld [tilespmem:s2+$0xD5B0];
	[tilespmem:s2+$0x1B480] =	vst v0;
	v0 =	vmul.f32 $1.131370830e+01, v9  }
0x1ca: {  	v4 =	vld [tilespmem:s2+$0xBCC0];
	v1 =	vmul.f32 $1.131370830e+01, v10;
	[tilespmem:s2+$0x1B470] =	vst v7  }
0x1cb: {  	v2 =	vmul.f32 $1.131370830e+01, v11;
	[tilespmem:s2+$0x19890] =	vst v0;
	v0 =	vld [tilespmem:s2+$0xD5C0]  }
0x1cc: {  	v3 =	vmul.f32 $1.131370830e+01, v12;
	[tilespmem:s2+$0x1B490] =	vst v1;
	v1 =	vld [tilespmem:s2+$0xBCD0]  }
0x1cd: {  	v5 =	vmul.f32 $1.131370830e+01, v13;
	[tilespmem:s2+$0x198A0] =	vst v2;
	v2 =	vld [tilespmem:s2+$0xD5D0]  }
0x1ce: {  	[tilespmem:s2+$0x1B4A0] =	vst v3;
	v3 =	vld [tilespmem:s2+$0xBCE0];
	v6 =	vmul.f32 $1.131370830e+01, v8  }
0x1cf: {  	s6 =	simm.s32 $0x0;
	s7 =	simm.s32 $0x400;
	[tilespmem:s2+$0x198B0] =	vst v5;
	v5 =	vmul.f32 $1.131370830e+01, v4;
	v4 =	vld [tilespmem:s2+$0xD5E0]  }
.LBB2_9:
0x1d0: {  	s8 =	sshra.s32 s7, $0x2;
	s6 =	sadd.s32 $0x2, s6;
	[tilespmem:s2+$0x1B4B0] =	vst v6;
	v0 =	vmul.f32 $1.131370830e+01, v0;
	v6 =	vld [tilespmem:s2+$0xBCF0]  }
0x1d1: {  	v7 =	vld [tilespmem:s8+$0xD5F0];
	p0 =	slt.u32 s6, $0x30;
	[tilespmem:s2+$0x198C0] =	vst v5;
	v1 =	vmul.f32 $1.131370830e+01, v1  }
0x1d2: {  	v5 =	vld [tilespmem:s8+$0xBC00];
	[tilespmem:s2+$0x1B4C0] =	vst v0;
	v0 =	vmul.f32 $1.131370830e+01, v2  }
0x1d3: {  	v2 =	vld [tilespmem:s8+$0xD500];
	[tilespmem:s2+$0x198D0] =	vst v1;
	v1 =	vmul.f32 $1.131370830e+01, v3  }
0x1d4: {  	v3 =	vld [tilespmem:s8+$0xBC10];
	[tilespmem:s2+$0x1B4D0] =	vst v0;
	v0 =	vmul.f32 $1.131370830e+01, v4  }
0x1d5: {  	v4 =	vld [tilespmem:s8+$0xD510];
	[tilespmem:s2+$0x198E0] =	vst v1;
	v1 =	vmul.f32 $1.131370830e+01, v6  }
0x1d6: {  	v6 =	vld [tilespmem:s8+$0xBC20];
	v7 =	vmul.f32 $1.131370830e+01, v7;
	[tilespmem:s2+$0x1B4E0] =	vst v0  }
0x1d7: {  	v0 =	vmul.f32 $1.131370830e+01, v5;
	v5 =	vld [tilespmem:s8+$0xD520];
	[tilespmem:s2+$0x198F0] =	vst v1;
	s2 =	smov.u32 s8  }
0x1d8: {  	v1 =	vmul.f32 $1.131370830e+01, v2;
	v2 =	vld [tilespmem:s2+$0xBC30];
	[tilespmem:s2+$0x1B4F0] =	vst v7  }
0x1d9: {  	[tilespmem:s2+$0x19800] =	vst v0;
	v0 =	vmul.f32 $1.131370830e+01, v3;
	v3 =	vld [tilespmem:s2+$0xD530]  }
0x1da: {  	[tilespmem:s2+$0x1B400] =	vst v1;
	v1 =	vmul.f32 $1.131370830e+01, v4;
	v4 =	vld [tilespmem:s2+$0xBC40]  }
0x1db: {  	[tilespmem:s2+$0x19810] =	vst v0;
	v0 =	vmul.f32 $1.131370830e+01, v6;
	v6 =	vld [tilespmem:s2+$0xD540]  }
0x1dc: {  	[tilespmem:s2+$0x1B410] =	vst v1;
	v1 =	vmul.f32 $1.131370830e+01, v5;
	v5 =	vld [tilespmem:s2+$0xBC50]  }
0x1dd: {  	[tilespmem:s2+$0x19820] =	vst v0;
	v0 =	vmul.f32 $1.131370830e+01, v2;
	v2 =	vld [tilespmem:s2+$0xD550]  }
0x1de: {  	[tilespmem:s2+$0x1B420] =	vst v1;
	v1 =	vmul.f32 $1.131370830e+01, v3;
	v3 =	vld [tilespmem:s2+$0xBC60]  }
0x1df: {  	[tilespmem:s2+$0x19830] =	vst v0;
	v0 =	vmul.f32 $1.131370830e+01, v4;
	v4 =	vld [tilespmem:s2+$0xD560]  }
0x1e0: {  	[tilespmem:s2+$0x1B430] =	vst v1;
	v1 =	vmul.f32 $1.131370830e+01, v6;
	v6 =	vld [tilespmem:s2+$0xBC70]  }
0x1e1: {  	[tilespmem:s2+$0x19840] =	vst v0;
	v0 =	vmul.f32 $1.131370830e+01, v5;
	v5 =	vld [tilespmem:s2+$0xD570]  }
0x1e2: {  	[tilespmem:s2+$0x1B440] =	vst v1;
	v1 =	vmul.f32 $1.131370830e+01, v2;
	v2 =	vld [tilespmem:s2+$0xBC80]  }
0x1e3: {  	[tilespmem:s2+$0x19850] =	vst v0;
	v0 =	vmul.f32 $1.131370830e+01, v3;
	v3 =	vld [tilespmem:s2+$0xD580]  }
0x1e4: {  	[tilespmem:s2+$0x1B450] =	vst v1;
	v1 =	vmul.f32 $1.131370830e+01, v4;
	v4 =	vld [tilespmem:s2+$0xBC90]  }
0x1e5: {  	[tilespmem:s2+$0x19860] =	vst v0;
	v0 =	vmul.f32 $1.131370830e+01, v6;
	v6 =	vld [tilespmem:s2+$0xD590]  }
0x1e6: {  	[tilespmem:s2+$0x1B460] =	vst v1;
	v1 =	vmul.f32 $1.131370830e+01, v5;
	v5 =	vld [tilespmem:s2+$0xBCA0]  }
0x1e7: {  	[tilespmem:s2+$0x19870] =	vst v0;
	v0 =	vmul.f32 $1.131370830e+01, v2;
	v2 =	vld [tilespmem:s2+$0xD5A0]  }
0x1e8: {  	[tilespmem:s2+$0x1B470] =	vst v1;
	v1 =	vmul.f32 $1.131370830e+01, v3;
	v3 =	vld [tilespmem:s2+$0xBCB0]  }
0x1e9: {  	[tilespmem:s2+$0x19880] =	vst v0;
	v0 =	vmul.f32 $1.131370830e+01, v4;
	v4 =	vld [tilespmem:s2+$0xD5B0]  }
0x1ea: {  	[tilespmem:s2+$0x1B480] =	vst v1;
	v1 =	vmul.f32 $1.131370830e+01, v6;
	v7 =	vld [tilespmem:s2+$0xBCC0]  }
.Ltmp3:
0x1eb: {  	[tilespmem:s2+$0x19890] =	vst v0;
	v5 =	vmul.f32 $1.131370830e+01, v5;
	v0 =	vld [tilespmem:s2+$0xD5C0];
	(pc) =	sbr.rel @p0 .LBB2_9-.Ltmp3, $4  }
0x1ec: {  	[tilespmem:s2+$0x1B490] =	vst v1;
	v6 =	vmul.f32 $1.131370830e+01, v2;
	v1 =	vld [tilespmem:s2+$0xBCD0]  }
0x1ed: {  	[tilespmem:s2+$0x198A0] =	vst v5;
	v5 =	vmul.f32 $1.131370830e+01, v3;
	v2 =	vld [tilespmem:s2+$0xD5D0]  }
0x1ee: {  	[tilespmem:s2+$0x1B4A0] =	vst v6;
	v6 =	vmul.f32 $1.131370830e+01, v4;
	v3 =	vld [tilespmem:s2+$0xBCE0]  }
0x1ef: {  	s7 =	sadd.s32 $0x400, s7;
	[tilespmem:s2+$0x198B0] =	vst v5;
	v5 =	vmul.f32 $1.131370830e+01, v7;
	v4 =	vld [tilespmem:s2+$0xD5E0]  }
0x1f0: {  	[tilespmem:s2+$0x1B4B0] =	vst v6;
	v0 =	vmul.f32 $1.131370830e+01, v0;
	v59 =	vld [tilespmem:s2+$0xBCF0]  }
0x1f1: {  	[tilespmem:s2+$0x198C0] =	vst v5;
	v1 =	vmul.f32 $1.131370830e+01, v1  }
0x1f2: {  	[tilespmem:s2+$0x1B4C0] =	vst v0;
	v60 =	vmul.f32 $1.131370830e+01, v2  }
0x1f3: {  	s6 =	sadd.s32 s10, s5;
	[tilespmem:s2+$0x198D0] =	vst v1;
	v61 =	vmul.f32 $1.131370830e+01, v3  }
0x1f4: {  	s6 =	smul.u32 $0x380, s6;
	[tilespmem:s2+$0x1B4D0] =	vst v60;
	v62 =	vmul.f32 $1.131370830e+01, v4  }
0x1f5: {  	[tilespmem:s2+$0x198E0] =	vst v61;
	v63 =	vmul.f32 $1.131370830e+01, v59  }
0x1f6: {  	s6 =	sadd.s32 s4, s6;
	[tilespmem:s2+$0x1B4E0] =	vst v62  }
0x1f7: {  	s0 =	sadd.s32 $0x1, s0;
	s14 =	sadd.s32 $0xE00, s6;
	[tilespmem:s2+$0x198F0] =	vst v63  }
0x1f8: {  	[hbm4b:s14+s3] =	stream.linear.scatter [tilespmem:s24], [sflag:$0x6], $0x1900, $0x38;
	[tilespmem:$0x1D000] =	vst v63  }
0x1f9: {  	p0 =	sne.s32 s0, $0x10;
	s29 =	sadd.s32 $0x1180, s6  }
0x1fa: {  	[hbm4b:s29+s3] =	stream.linear.scatter [tilespmem:s25], [sflag:$0x6], $0x1900, $0x38;
	[tilespmem:$0x1D000] =	vst v63  }
.Ltmp4:
0x1fb: {  	_ = 	snop;
	(pc) =	sbr.rel @p0 .LBB2_2-.Ltmp4, $4  }
0x1fc: {  	s30 =	sadd.s32 $0x1500, s6  }
0x1fd: {  	[hbm4b:s30+s3] =	stream.linear.scatter [tilespmem:s26], [sflag:$0x6], $0x1900, $0x38;
	[tilespmem:$0x1D000] =	vst v63  }
0x1fe: {  	s31 =	sadd.s32 $0x1880, s6  }
0x1ff: {  	[hbm4b:s31+s3] =	stream.linear.scatter [tilespmem:s28], [sflag:$0x6], $0x1900, $0x38;
	[tilespmem:$0x1D000] =	vst v63  }
0x200: {  	s0 =	simm.s32 $0x5  }
0x201: {  	_ =	swait.ge [sflag:s0], $0x6400  }
0x202: {  	[sflag:s0] =	ssyncset.done $0x0  }
0x203: {  	s2 =	simm.s32 $0x6;
	[sflag:s0] =	ssyncadd.s32 $0xFFFF9C00  }
0x204: {  	_ =	swait.ge [sflag:s2], $0x6400  }
0x205: {  	s6 =	rddreg [dreg:$0x6]  }
0x206: {  	s31 =	rddreg [dreg:$0x5];
	s6 =	sadd.s32 $0x1, s6  }
0x207: {  	p0 =	sne.s32 s6, s31  }
.Ltmp5:
0x208: {  	_ = 	snop;
	(pc) =	sbr.rel @p0 .LBB2_1-.Ltmp5, $3  }
0x209: {  	_ =	sdelay $0x1  }
0x20a: {  	[sflag:s2] =	ssyncset.done $0x0  }
0x20b: {  	[sflag:s2] =	ssyncadd.s32 $0xFFFF9C00  }
0x20c: {  	_ =	sfence.sel $0x180000  }
0x20d: {  	[bflag:$0x0] =	sbarrier.arrive $0xFFFF  }
0x20e: {  	_ =	strace $0x90000047  }
0x20f: {  	s0 =	stileid.u32;
	[bflag:$0x2] =	sbarrier.arrive $0xFFFF  }
0x210: {  	p0 =	sne.s32 s0, $0x0;
	s0 =	rddreg [dreg:$0x3]  }
0x211: {  	s0 =	sadd.s32 @!p0 $0x100000, s0  }
0x212: {  	[sflag:s0] =	ssyncadd.tile.s32 @!p0 $0x1;
	_ =	shalt  }
.Lfunc_end2:
_tile_overlayer_lowered:
.L_overlay_start_2:
0x213: {  	(tag) =	ssettag $0x2  }
0x214: {  	s0 =	rddreg [dreg:$0x0];
	s2 =	stileid.u32  }
0x215: {  	s1 =	rddreg [dreg:$0x1];
	p0 =	sne.s32 s2, $0x0  }
0x216: {  	s3 =	rddreg [dreg:$0x2];
	[bflag:$0x3] =	sbarrier.arrive $0xFFFF;
	s2 =	simm.s32 @!p0 $0x1C07  }
0x217: {  	[timem:s3], [sflag:s2] =	dma.local @!p0 [hbm:s0], s1  }
0x218: {  	s0 =	simm.s32 @!p0 $0x7  }
0x219: {  	_ =	swait.ge @!p0 [sflag:s0], s1  }
0x21a: {  	s1 =	ssub.s32 @!p0 $0x0, s1;
	[sflag:s0] =	ssyncset.done @!p0 $0x0  }
0x21b: {  	[sflag:s0] =	ssyncadd.s32 @!p0 s1  }
0x21c: {  	[bflag:$0x3] =	sbarrier.arrive $0xFFFF  }
0x21d: {  	_ =	shalt  }

</sc_bundles>
